<compile_context>
chip_gen: v7x
topology: tpu7x:2x2x1
jax: 0.10.2.dev20260603
libtpu: 0.0.44.dev20260713+nightly
codegen_flags: <defaults>
</compile_context>

<pallas_src>
import functools

import jax
import jax.numpy as jnp
from jax import lax
from jax.experimental import pallas as pl
from jax.experimental.pallas import tpu as pltpu
from jax.experimental.pallas import tpu_sc as plsc

_N_ROWS = 1000001
_DIM = 32
_FLAT = _N_ROWS * _DIM
_N_WORKERS = 32
_PER_WORKER = 1000000
_TAIL = _FLAT - _N_WORKERS * _PER_WORKER
_NBUF = 4
_CHUNK = 25000
_NCHUNKS = _PER_WORKER // _CHUNK


def _copy_kernel(x_hbm, out_hbm, b0, b1, b2, b3, in_sems, out_sems):
    bufs = (b0, b1, b2, b3)
    wid = lax.axis_index("s") * 2 + lax.axis_index("c")
    base = wid * _PER_WORKER

    def in_copy(c):
        return pltpu.make_async_copy(
            x_hbm.at[pl.ds(base + c * _CHUNK, _CHUNK)],
            bufs[c % _NBUF],
            in_sems.at[c % _NBUF],
        )

    def out_copy(c):
        return pltpu.make_async_copy(
            bufs[c % _NBUF],
            out_hbm.at[pl.ds(base + c * _CHUNK, _CHUNK)],
            out_sems.at[c % _NBUF],
        )

    for b in range(_NBUF):
        in_copy(b).start()
    for c in range(_NCHUNKS):
        in_copy(c).wait()
        out_copy(c).start()
        if c + _NBUF < _NCHUNKS:
            out_copy(c).wait()
            in_copy(c + _NBUF).start()
    for c in range(_NCHUNKS - _NBUF, _NCHUNKS):
        out_copy(c).wait()

    @pl.when(wid == _N_WORKERS - 1)
    def _():
        tail_base = _N_WORKERS * _PER_WORKER
        tin = pltpu.make_async_copy(
            x_hbm.at[pl.ds(tail_base, _TAIL)],
            b0.at[pl.ds(0, _TAIL)],
            in_sems.at[0],
        )
        tin.start()
        tin.wait()
        tout = pltpu.make_async_copy(
            b0.at[pl.ds(0, _TAIL)],
            out_hbm.at[pl.ds(tail_base, _TAIL)],
            out_sems.at[0],
        )
        tout.start()
        tout.wait()


def kernel(code_embedding):
    mesh = plsc.VectorSubcoreMesh(core_axis_name="c", subcore_axis_name="s")
    k = functools.partial(
        pl.kernel,
        mesh=mesh,
        out_type=jax.ShapeDtypeStruct((_FLAT,), jnp.float32),
        scratch_types=(
            [pltpu.VMEM((_CHUNK,), jnp.float32) for _ in range(_NBUF)]
            + [pltpu.SemaphoreType.DMA((_NBUF,)), pltpu.SemaphoreType.DMA((_NBUF,))]
        ),
    )(_copy_kernel)
    flat = code_embedding.reshape(_FLAT)
    return k(flat).reshape(_N_ROWS, _DIM)

# --- scband reference (transcript-rebuilt; emitter-appended) ---
"""Pipeline reference for scband-code-embedding-67963562492636 (READ-ONLY COPY).

The authoritative reference and input builder live on the scoring server;
editing this copy changes nothing except your own understanding.
"""

import jax, jax.numpy as jnp
import numpy as np

CODE_NUM = 1000000
EMBEDDING_SIZE = 32

def setup_inputs(seed: int = 0) -> dict:
    key = jax.random.key(seed)
    # GlorotUniform initializer for shape (code_num+1, embedding_size)
    fan_in, fan_out = CODE_NUM + 1, EMBEDDING_SIZE
    limit = np.sqrt(6.0 / (fan_in + fan_out))
    code_embedding = jax.random.uniform(
        key, (CODE_NUM + 1, EMBEDDING_SIZE), dtype=jnp.float32,
        minval=-limit, maxval=limit)
    return {"code_embedding": code_embedding}

def reference(code_embedding):
    # CodeEmbedding.call(inputs=None) simply returns the learned embedding table.
    return code_embedding

if __name__ == "__main__":
    import jax
    _d = setup_inputs()
    print(jax.jit(kernel)(*tuple(_d.values())))

</pallas_src>

<mosaic_0001>
#map = affine_map<(d0, d1) -> (0)>
module attributes {stable_mosaic.version = 14 : i64} {
  func.func @_copy_kernel(%arg0: i32, %arg1: i32, %arg2: memref<32000032xf32, #tpu.memory_space<hbm>>, %arg3: memref<32000032xf32, #tpu.memory_space<hbm>>, %arg4: memref<25000xf32, #tpu.memory_space<vmem>>, %arg5: memref<25000xf32, #tpu.memory_space<vmem>>, %arg6: memref<25000xf32, #tpu.memory_space<vmem>>, %arg7: memref<25000xf32, #tpu.memory_space<vmem>>, %arg8: memref<4x!tpu.dma_semaphore, #tpu.memory_space<semaphore_mem>>, %arg9: memref<4x!tpu.dma_semaphore, #tpu.memory_space<semaphore_mem>>) attributes {dimension_semantics = [#tpu.dimension_semantics<core_parallel>, #tpu.dimension_semantics<subcore_parallel>], iteration_bounds = array<i64: 2, 16>, scalar_prefetch = 0 : i64, scratch_operands = 6 : i64, tpu.core_type = #tpu.core_type<sc_vector_subcore>, window_params = [{transform_indices = #map}, {transform_indices = #map}]} {
    %mul3A = arith.constant 2 : i32
    %mul3A_0 = arith.muli %arg1, %mul3A : i32
    %add3A = arith.addi %mul3A_0, %arg0 : i32
    %mul3A_1 = arith.constant 1000000 : i32
    %mul3A_2 = arith.muli %add3A, %mul3A_1 : i32
    %add3A_3 = arith.constant 0 : i32
    %add3A_4 = arith.addi %mul3A_2, %add3A_3 : i32
    %dma_start3A = arith.constant 0 : i32
    %dma_start3A_5 = tpu.memref_slice %arg2[%add3A_4] : memref<32000032xf32, #tpu.memory_space<hbm>> -> memref<25000xf32, #tpu.memory_space<hbm>>
    %dma_start3A_6 = tpu.memref_slice %arg8[%dma_start3A] : memref<4x!tpu.dma_semaphore, #tpu.memory_space<semaphore_mem>> -> memref<1x!tpu.dma_semaphore, #tpu.memory_space<semaphore_mem>>
    %dma_start3A_7 = tpu.memref_squeeze %dma_start3A_6 : memref<1x!tpu.dma_semaphore, #tpu.memory_space<semaphore_mem>> -> memref<!tpu.dma_semaphore, #tpu.memory_space<semaphore_mem>>
    %dma_start3A_8 = tpu.memref_slice %arg2[%add3A_4] : memref<32000032xf32, #tpu.memory_space<hbm>> -> memref<25000xf32, #tpu.memory_space<hbm>>
    tpu.enqueue_dma source(%dma_start3A_8 : memref<25000xf32, #tpu.memory_space<hbm>>) target(%arg4 : memref<25000xf32, #tpu.memory_space<vmem>>) target_semaphore(%dma_start3A_7 : memref<!tpu.dma_semaphore, #tpu.memory_space<semaphore_mem>>)
    %add3A_9 = arith.constant 25000 : i32
    %add3A_10 = arith.addi %mul3A_2, %add3A_9 : i32
    %dma_start3A_11 = arith.constant 1 : i32
    %dma_start3A_12 = tpu.memref_slice %arg2[%add3A_10] : memref<32000032xf32, #tpu.memory_space<hbm>> -> memref<25000xf32, #tpu.memory_space<hbm>>
    %dma_start3A_13 = tpu.memref_slice %arg8[%dma_start3A_11] : memref<4x!tpu.dma_semaphore, #tpu.memory_space<semaphore_mem>> -> memref<1x!tpu.dma_semaphore, #tpu.memory_space<semaphore_mem>>
    %dma_start3A_14 = tpu.memref_squeeze %dma_start3A_13 : memref<1x!tpu.dma_semaphore, #tpu.memory_space<semaphore_mem>> -> memref<!tpu.dma_semaphore, #tpu.memory_space<semaphore_mem>>
    %dma_start3A_15 = tpu.memref_slice %arg2[%add3A_10] : memref<32000032xf32, #tpu.memory_space<hbm>> -> memref<25000xf32, #tpu.memory_space<hbm>>
    tpu.enqueue_dma source(%dma_start3A_15 : memref<25000xf32, #tpu.memory_space<hbm>>) target(%arg5 : memref<25000xf32, #tpu.memory_space<vmem>>) target_semaphore(%dma_start3A_14 : memref<!tpu.dma_semaphore, #tpu.memory_space<semaphore_mem>>)
    %add3A_16 = arith.constant 50000 : i32
    %add3A_17 = arith.addi %mul3A_2, %add3A_16 : i32
    %dma_start3A_18 = arith.constant 2 : i32
    %dma_start3A_19 = tpu.memref_slice %arg2[%add3A_17] : memref<32000032xf32, #tpu.memory_space<hbm>> -> memref<25000xf32, #tpu.memory_space<hbm>>
    %dma_start3A_20 = tpu.memref_slice %arg8[%dma_start3A_18] : memref<4x!tpu.dma_semaphore, #tpu.memory_space<semaphore_mem>> -> memref<1x!tpu.dma_semaphore, #tpu.memory_space<semaphore_mem>>
    %dma_start3A_21 = tpu.memref_squeeze %dma_start3A_20 : memref<1x!tpu.dma_semaphore, #tpu.memory_space<semaphore_mem>> -> memref<!tpu.dma_semaphore, #tpu.memory_space<semaphore_mem>>
    %dma_start3A_22 = tpu.memref_slice %arg2[%add3A_17] : memref<32000032xf32, #tpu.memory_space<hbm>> -> memref<25000xf32, #tpu.memory_space<hbm>>
    tpu.enqueue_dma source(%dma_start3A_22 : memref<25000xf32, #tpu.memory_space<hbm>>) target(%arg6 : memref<25000xf32, #tpu.memory_space<vmem>>) target_semaphore(%dma_start3A_21 : memref<!tpu.dma_semaphore, #tpu.memory_space<semaphore_mem>>)
    %add3A_23 = arith.constant 75000 : i32
    %add3A_24 = arith.addi %mul3A_2, %add3A_23 : i32
    %dma_start3A_25 = arith.constant 3 : i32
    %dma_start3A_26 = tpu.memref_slice %arg2[%add3A_24] : memref<32000032xf32, #tpu.memory_space<hbm>> -> memref<25000xf32, #tpu.memory_space<hbm>>
    %dma_start3A_27 = tpu.memref_slice %arg8[%dma_start3A_25] : memref<4x!tpu.dma_semaphore, #tpu.memory_space<semaphore_mem>> -> memref<1x!tpu.dma_semaphore, #tpu.memory_space<semaphore_mem>>
    %dma_start3A_28 = tpu.memref_squeeze %dma_start3A_27 : memref<1x!tpu.dma_semaphore, #tpu.memory_space<semaphore_mem>> -> memref<!tpu.dma_semaphore, #tpu.memory_space<semaphore_mem>>
    %dma_start3A_29 = tpu.memref_slice %arg2[%add3A_24] : memref<32000032xf32, #tpu.memory_space<hbm>> -> memref<25000xf32, #tpu.memory_space<hbm>>
    tpu.enqueue_dma source(%dma_start3A_29 : memref<25000xf32, #tpu.memory_space<hbm>>) target(%arg7 : memref<25000xf32, #tpu.memory_space<vmem>>) target_semaphore(%dma_start3A_28 : memref<!tpu.dma_semaphore, #tpu.memory_space<semaphore_mem>>)
    %add3A_30 = arith.constant 0 : i32
    %add3A_31 = arith.addi %mul3A_2, %add3A_30 : i32
    %dma_wait3A = arith.constant 0 : i32
    %dma_wait3A_32 = tpu.memref_slice %arg2[%add3A_31] : memref<32000032xf32, #tpu.memory_space<hbm>> -> memref<25000xf32, #tpu.memory_space<hbm>>
    %dma_wait3A_33 = tpu.memref_slice %arg8[%dma_wait3A] : memref<4x!tpu.dma_semaphore, #tpu.memory_space<semaphore_mem>> -> memref<1x!tpu.dma_semaphore, #tpu.memory_space<semaphore_mem>>
    %dma_wait3A_34 = tpu.memref_squeeze %dma_wait3A_33 : memref<1x!tpu.dma_semaphore, #tpu.memory_space<semaphore_mem>> -> memref<!tpu.dma_semaphore, #tpu.memory_space<semaphore_mem>>
    %dma_wait3A_35 = tpu.memref_slice %arg2[%add3A_31] : memref<32000032xf32, #tpu.memory_space<hbm>> -> memref<25000xf32, #tpu.memory_space<hbm>>
    tpu.wait_dma2 semaphore(%dma_wait3A_34 : memref<!tpu.dma_semaphore, #tpu.memory_space<semaphore_mem>>) src(%dma_wait3A_35 : memref<25000xf32, #tpu.memory_space<hbm>>) dst(%arg4 : memref<25000xf32, #tpu.memory_space<vmem>>)
    %add3A_36 = arith.constant 0 : i32
    %add3A_37 = arith.addi %mul3A_2, %add3A_36 : i32
    %dma_start3A_38 = arith.constant 0 : i32
    %dma_start3A_39 = tpu.memref_slice %arg3[%add3A_37] : memref<32000032xf32, #tpu.memory_space<hbm>> -> memref<25000xf32, #tpu.memory_space<hbm>>
    %dma_start3A_40 = tpu.memref_slice %arg9[%dma_start3A_38] : memref<4x!tpu.dma_semaphore, #tpu.memory_space<semaphore_mem>> -> memref<1x!tpu.dma_semaphore, #tpu.memory_space<semaphore_mem>>
    %dma_start3A_41 = tpu.memref_squeeze %dma_start3A_40 : memref<1x!tpu.dma_semaphore, #tpu.memory_space<semaphore_mem>> -> memref<!tpu.dma_semaphore, #tpu.memory_space<semaphore_mem>>
    %dma_start3A_42 = tpu.memref_slice %arg3[%add3A_37] : memref<32000032xf32, #tpu.memory_space<hbm>> -> memref<25000xf32, #tpu.memory_space<hbm>>
    tpu.enqueue_dma source(%arg4 : memref<25000xf32, #tpu.memory_space<vmem>>) target(%dma_start3A_42 : memref<25000xf32, #tpu.memory_space<hbm>>) target_semaphore(%dma_start3A_41 : memref<!tpu.dma_semaphore, #tpu.memory_space<semaphore_mem>>)
    %add3A_43 = arith.constant 0 : i32
    %add3A_44 = arith.addi %mul3A_2, %add3A_43 : i32
    %dma_wait3A_45 = arith.constant 0 : i32
    %dma_wait3A_46 = tpu.memref_slice %arg3[%add3A_44] : memref<32000032xf32, #tpu.memory_space<hbm>> -> memref<25000xf32, #tpu.memory_space<hbm>>
    %dma_wait3A_47 = tpu.memref_slice %arg9[%dma_wait3A_45] : memref<4x!tpu.dma_semaphore, #tpu.memory_space<semaphore_mem>> -> memref<1x!tpu.dma_semaphore, #tpu.memory_space<semaphore_mem>>
    %dma_wait3A_48 = tpu.memref_squeeze %dma_wait3A_47 : memref<1x!tpu.dma_semaphore, #tpu.memory_space<semaphore_mem>> -> memref<!tpu.dma_semaphore, #tpu.memory_space<semaphore_mem>>
    %dma_wait3A_49 = tpu.memref_slice %arg3[%add3A_44] : memref<32000032xf32, #tpu.memory_space<hbm>> -> memref<25000xf32, #tpu.memory_space<hbm>>
    tpu.wait_dma2 semaphore(%dma_wait3A_48 : memref<!tpu.dma_semaphore, #tpu.memory_space<semaphore_mem>>) src(%arg4 : memref<25000xf32, #tpu.memory_space<vmem>>) dst(%dma_wait3A_49 : memref<25000xf32, #tpu.memory_space<hbm>>)
    %add3A_50 = arith.constant 100000 : i32
    %add3A_51 = arith.addi %mul3A_2, %add3A_50 : i32
    %dma_start3A_52 = arith.constant 0 : i32
    %dma_start3A_53 = tpu.memref_slice %arg2[%add3A_51] : memref<32000032xf32, #tpu.memory_space<hbm>> -> memref<25000xf32, #tpu.memory_space<hbm>>
    %dma_start3A_54 = tpu.memref_slice %arg8[%dma_start3A_52] : memref<4x!tpu.dma_semaphore, #tpu.memory_space<semaphore_mem>> -> memref<1x!tpu.dma_semaphore, #tpu.memory_space<semaphore_mem>>
    %dma_start3A_55 = tpu.memref_squeeze %dma_start3A_54 : memref<1x!tpu.dma_semaphore, #tpu.memory_space<semaphore_mem>> -> memref<!tpu.dma_semaphore, #tpu.memory_space<semaphore_mem>>
    %dma_start3A_56 = tpu.memref_slice %arg2[%add3A_51] : memref<32000032xf32, #tpu.memory_space<hbm>> -> memref<25000xf32, #tpu.memory_space<hbm>>
    tpu.enqueue_dma source(%dma_start3A_56 : memref<25000xf32, #tpu.memory_space<hbm>>) target(%arg4 : memref<25000xf32, #tpu.memory_space<vmem>>) target_semaphore(%dma_start3A_55 : memref<!tpu.dma_semaphore, #tpu.memory_space<semaphore_mem>>)
    %add3A_57 = arith.constant 25000 : i32
    %add3A_58 = arith.addi %mul3A_2, %add3A_57 : i32
    %dma_wait3A_59 = arith.constant 1 : i32
    %dma_wait3A_60 = tpu.memref_slice %arg2[%add3A_58] : memref<32000032xf32, #tpu.memory_space<hbm>> -> memref<25000xf32, #tpu.memory_space<hbm>>
    %dma_wait3A_61 = tpu.memref_slice %arg8[%dma_wait3A_59] : memref<4x!tpu.dma_semaphore, #tpu.memory_space<semaphore_mem>> -> memref<1x!tpu.dma_semaphore, #tpu.memory_space<semaphore_mem>>
    %dma_wait3A_62 = tpu.memref_squeeze %dma_wait3A_61 : memref<1x!tpu.dma_semaphore, #tpu.memory_space<semaphore_mem>> -> memref<!tpu.dma_semaphore, #tpu.memory_space<semaphore_mem>>
    %dma_wait3A_63 = tpu.memref_slice %arg2[%add3A_58] : memref<32000032xf32, #tpu.memory_space<hbm>> -> memref<25000xf32, #tpu.memory_space<hbm>>
    tpu.wait_dma2 semaphore(%dma_wait3A_62 : memref<!tpu.dma_semaphore, #tpu.memory_space<semaphore_mem>>) src(%dma_wait3A_63 : memref<25000xf32, #tpu.memory_space<hbm>>) dst(%arg5 : memref<25000xf32, #tpu.memory_space<vmem>>)
    %add3A_64 = arith.constant 25000 : i32
    %add3A_65 = arith.addi %mul3A_2, %add3A_64 : i32
    %dma_start3A_66 = arith.constant 1 : i32
    %dma_start3A_67 = tpu.memref_slice %arg3[%add3A_65] : memref<32000032xf32, #tpu.memory_space<hbm>> -> memref<25000xf32, #tpu.memory_space<hbm>>
    %dma_start3A_68 = tpu.memref_slice %arg9[%dma_start3A_66] : memref<4x!tpu.dma_semaphore, #tpu.memory_space<semaphore_mem>> -> memref<1x!tpu.dma_semaphore, #tpu.memory_space<semaphore_mem>>
    %dma_start3A_69 = tpu.memref_squeeze %dma_start3A_68 : memref<1x!tpu.dma_semaphore, #tpu.memory_space<semaphore_mem>> -> memref<!tpu.dma_semaphore, #tpu.memory_space<semaphore_mem>>
    %dma_start3A_70 = tpu.memref_slice %arg3[%add3A_65] : memref<32000032xf32, #tpu.memory_space<hbm>> -> memref<25000xf32, #tpu.memory_space<hbm>>
    tpu.enqueue_dma source(%arg5 : memref<25000xf32, #tpu.memory_space<vmem>>) target(%dma_start3A_70 : memref<25000xf32, #tpu.memory_space<hbm>>) target_semaphore(%dma_start3A_69 : memref<!tpu.dma_semaphore, #tpu.memory_space<semaphore_mem>>)
    %add3A_71 = arith.constant 25000 : i32
    %add3A_72 = arith.addi %mul3A_2, %add3A_71 : i32
    %dma_wait3A_73 = arith.constant 1 : i32
    %dma_wait3A_74 = tpu.memref_slice %arg3[%add3A_72] : memref<32000032xf32, #tpu.memory_space<hbm>> -> memref<25000xf32, #tpu.memory_space<hbm>>
    %dma_wait3A_75 = tpu.memref_slice %arg9[%dma_wait3A_73] : memref<4x!tpu.dma_semaphore, #tpu.memory_space<semaphore_mem>> -> memref<1x!tpu.dma_semaphore, #tpu.memory_space<semaphore_mem>>
    %dma_wait3A_76 = tpu.memref_squeeze %dma_wait3A_75 : memref<1x!tpu.dma_semaphore, #tpu.memory_space<semaphore_mem>> -> memref<!tpu.dma_semaphore, #tpu.memory_space<semaphore_mem>>
    %dma_wait3A_77 = tpu.memref_slice %arg3[%add3A_72] : memref<32000032xf32, #tpu.memory_space<hbm>> -> memref<25000xf32, #tpu.memory_space<hbm>>
    tpu.wait_dma2 semaphore(%dma_wait3A_76 : memref<!tpu.dma_semaphore, #tpu.memory_space<semaphore_mem>>) src(%arg5 : memref<25000xf32, #tpu.memory_space<vmem>>) dst(%dma_wait3A_77 : memref<25000xf32, #tpu.memory_space<hbm>>)
    %add3A_78 = arith.constant 125000 : i32
    %add3A_79 = arith.addi %mul3A_2, %add3A_78 : i32
    %dma_start3A_80 = arith.constant 1 : i32
    %dma_start3A_81 = tpu.memref_slice %arg2[%add3A_79] : memref<32000032xf32, #tpu.memory_space<hbm>> -> memref<25000xf32, #tpu.memory_space<hbm>>
    %dma_start3A_82 = tpu.memref_slice %arg8[%dma_start3A_80] : memref<4x!tpu.dma_semaphore, #tpu.memory_space<semaphore_mem>> -> memref<1x!tpu.dma_semaphore, #tpu.memory_space<semaphore_mem>>
    %dma_start3A_83 = tpu.memref_squeeze %dma_start3A_82 : memref<1x!tpu.dma_semaphore, #tpu.memory_space<semaphore_mem>> -> memref<!tpu.dma_semaphore, #tpu.memory_space<semaphore_mem>>
    %dma_start3A_84 = tpu.memref_slice %arg2[%add3A_79] : memref<32000032xf32, #tpu.memory_space<hbm>> -> memref<25000xf32, #tpu.memory_space<hbm>>
    tpu.enqueue_dma source(%dma_start3A_84 : memref<25000xf32, #tpu.memory_space<hbm>>) target(%arg5 : memref<25000xf32, #tpu.memory_space<vmem>>) target_semaphore(%dma_start3A_83 : memref<!tpu.dma_semaphore, #tpu.memory_space<semaphore_mem>>)
    %add3A_85 = arith.constant 50000 : i32
    %add3A_86 = arith.addi %mul3A_2, %add3A_85 : i32
    %dma_wait3A_87 = arith.constant 2 : i32
    %dma_wait3A_88 = tpu.memref_slice %arg2[%add3A_86] : memref<32000032xf32, #tpu.memory_space<hbm>> -> memref<25000xf32, #tpu.memory_space<hbm>>
    %dma_wait3A_89 = tpu.memref_slice %arg8[%dma_wait3A_87] : memref<4x!tpu.dma_semaphore, #tpu.memory_space<semaphore_mem>> -> memref<1x!tpu.dma_semaphore, #tpu.memory_space<semaphore_mem>>
    %dma_wait3A_90 = tpu.memref_squeeze %dma_wait3A_89 : memref<1x!tpu.dma_semaphore, #tpu.memory_space<semaphore_mem>> -> memref<!tpu.dma_semaphore, #tpu.memory_space<semaphore_mem>>
    %dma_wait3A_91 = tpu.memref_slice %arg2[%add3A_86] : memref<32000032xf32, #tpu.memory_space<hbm>> -> memref<25000xf32, #tpu.memory_space<hbm>>
    tpu.wait_dma2 semaphore(%dma_wait3A_90 : memref<!tpu.dma_semaphore, #tpu.memory_space<semaphore_mem>>) src(%dma_wait3A_91 : memref<25000xf32, #tpu.memory_space<hbm>>) dst(%arg6 : memref<25000xf32, #tpu.memory_space<vmem>>)
    %add3A_92 = arith.constant 50000 : i32
    %add3A_93 = arith.addi %mul3A_2, %add3A_92 : i32
    %dma_start3A_94 = arith.constant 2 : i32
    %dma_start3A_95 = tpu.memref_slice %arg3[%add3A_93] : memref<32000032xf32, #tpu.memory_space<hbm>> -> memref<25000xf32, #tpu.memory_space<hbm>>
    %dma_start3A_96 = tpu.memref_slice %arg9[%dma_start3A_94] : memref<4x!tpu.dma_semaphore, #tpu.memory_space<semaphore_mem>> -> memref<1x!tpu.dma_semaphore, #tpu.memory_space<semaphore_mem>>
    %dma_start3A_97 = tpu.memref_squeeze %dma_start3A_96 : memref<1x!tpu.dma_semaphore, #tpu.memory_space<semaphore_mem>> -> memref<!tpu.dma_semaphore, #tpu.memory_space<semaphore_mem>>
    %dma_start3A_98 = tpu.memref_slice %arg3[%add3A_93] : memref<32000032xf32, #tpu.memory_space<hbm>> -> memref<25000xf32, #tpu.memory_space<hbm>>
    tpu.enqueue_dma source(%arg6 : memref<25000xf32, #tpu.memory_space<vmem>>) target(%dma_start3A_98 : memref<25000xf32, #tpu.memory_space<hbm>>) target_semaphore(%dma_start3A_97 : memref<!tpu.dma_semaphore, #tpu.memory_space<semaphore_mem>>)
    %add3A_99 = arith.constant 50000 : i32
    %add3A_100 = arith.addi %mul3A_2, %add3A_99 : i32
    %dma_wait3A_101 = arith.constant 2 : i32
    %dma_wait3A_102 = tpu.memref_slice %arg3[%add3A_100] : memref<32000032xf32, #tpu.memory_space<hbm>> -> memref<25000xf32, #tpu.memory_space<hbm>>
    %dma_wait3A_103 = tpu.memref_slice %arg9[%dma_wait3A_101] : memref<4x!tpu.dma_semaphore, #tpu.memory_space<semaphore_mem>> -> memref<1x!tpu.dma_semaphore, #tpu.memory_space<semaphore_mem>>
    %dma_wait3A_104 = tpu.memref_squeeze %dma_wait3A_103 : memref<1x!tpu.dma_semaphore, #tpu.memory_space<semaphore_mem>> -> memref<!tpu.dma_semaphore, #tpu.memory_space<semaphore_mem>>
    %dma_wait3A_105 = tpu.memref_slice %arg3[%add3A_100] : memref<32000032xf32, #tpu.memory_space<hbm>> -> memref<25000xf32, #tpu.memory_space<hbm>>
    tpu.wait_dma2 semaphore(%dma_wait3A_104 : memref<!tpu.dma_semaphore, #tpu.memory_space<semaphore_mem>>) src(%arg6 : memref<25000xf32, #tpu.memory_space<vmem>>) dst(%dma_wait3A_105 : memref<25000xf32, #tpu.memory_space<hbm>>)
    %add3A_106 = arith.constant 150000 : i32
    %add3A_107 = arith.addi %mul3A_2, %add3A_106 : i32
    %dma_start3A_108 = arith.constant 2 : i32
    %dma_start3A_109 = tpu.memref_slice %arg2[%add3A_107] : memref<32000032xf32, #tpu.memory_space<hbm>> -> memref<25000xf32, #tpu.memory_space<hbm>>
    %dma_start3A_110 = tpu.memref_slice %arg8[%dma_start3A_108] : memref<4x!tpu.dma_semaphore, #tpu.memory_space<semaphore_mem>> -> memref<1x!tpu.dma_semaphore, #tpu.memory_space<semaphore_mem>>
    %dma_start3A_111 = tpu.memref_squeeze %dma_start3A_110 : memref<1x!tpu.dma_semaphore, #tpu.memory_space<semaphore_mem>> -> memref<!tpu.dma_semaphore, #tpu.memory_space<semaphore_mem>>
    %dma_start3A_112 = tpu.memref_slice %arg2[%add3A_107] : memref<32000032xf32, #tpu.memory_space<hbm>> -> memref<25000xf32, #tpu.memory_space<hbm>>
    tpu.enqueue_dma source(%dma_start3A_112 : memref<25000xf32, #tpu.memory_space<hbm>>) target(%arg6 : memref<25000xf32, #tpu.memory_space<vmem>>) target_semaphore(%dma_start3A_111 : memref<!tpu.dma_semaphore, #tpu.memory_space<semaphore_mem>>)
    %add3A_113 = arith.constant 75000 : i32
    %add3A_114 = arith.addi %mul3A_2, %add3A_113 : i32
    %dma_wait3A_115 = arith.constant 3 : i32
    %dma_wait3A_116 = tpu.memref_slice %arg2[%add3A_114] : memref<32000032xf32, #tpu.memory_space<hbm>> -> memref<25000xf32, #tpu.memory_space<hbm>>
    %dma_wait3A_117 = tpu.memref_slice %arg8[%dma_wait3A_115] : memref<4x!tpu.dma_semaphore, #tpu.memory_space<semaphore_mem>> -> memref<1x!tpu.dma_semaphore, #tpu.memory_space<semaphore_mem>>
    %dma_wait3A_118 = tpu.memref_squeeze %dma_wait3A_117 : memref<1x!tpu.dma_semaphore, #tpu.memory_space<semaphore_mem>> -> memref<!tpu.dma_semaphore, #tpu.memory_space<semaphore_mem>>
    %dma_wait3A_119 = tpu.memref_slice %arg2[%add3A_114] : memref<32000032xf32, #tpu.memory_space<hbm>> -> memref<25000xf32, #tpu.memory_space<hbm>>
    tpu.wait_dma2 semaphore(%dma_wait3A_118 : memref<!tpu.dma_semaphore, #tpu.memory_space<semaphore_mem>>) src(%dma_wait3A_119 : memref<25000xf32, #tpu.memory_space<hbm>>) dst(%arg7 : memref<25000xf32, #tpu.memory_space<vmem>>)
    %add3A_120 = arith.constant 75000 : i32
    %add3A_121 = arith.addi %mul3A_2, %add3A_120 : i32
    %dma_start3A_122 = arith.constant 3 : i32
    %dma_start3A_123 = tpu.memref_slice %arg3[%add3A_121] : memref<32000032xf32, #tpu.memory_space<hbm>> -> memref<25000xf32, #tpu.memory_space<hbm>>
    %dma_start3A_124 = tpu.memref_slice %arg9[%dma_start3A_122] : memref<4x!tpu.dma_semaphore, #tpu.memory_space<semaphore_mem>> -> memref<1x!tpu.dma_semaphore, #tpu.memory_space<semaphore_mem>>
    %dma_start3A_125 = tpu.memref_squeeze %dma_start3A_124 : memref<1x!tpu.dma_semaphore, #tpu.memory_space<semaphore_mem>> -> memref<!tpu.dma_semaphore, #tpu.memory_space<semaphore_mem>>
    %dma_start3A_126 = tpu.memref_slice %arg3[%add3A_121] : memref<32000032xf32, #tpu.memory_space<hbm>> -> memref<25000xf32, #tpu.memory_space<hbm>>
    tpu.enqueue_dma source(%arg7 : memref<25000xf32, #tpu.memory_space<vmem>>) target(%dma_start3A_126 : memref<25000xf32, #tpu.memory_space<hbm>>) target_semaphore(%dma_start3A_125 : memref<!tpu.dma_semaphore, #tpu.memory_space<semaphore_mem>>)
    %add3A_127 = arith.constant 75000 : i32
    %add3A_128 = arith.addi %mul3A_2, %add3A_127 : i32
    %dma_wait3A_129 = arith.constant 3 : i32
    %dma_wait3A_130 = tpu.memref_slice %arg3[%add3A_128] : memref<32000032xf32, #tpu.memory_space<hbm>> -> memref<25000xf32, #tpu.memory_space<hbm>>
    %dma_wait3A_131 = tpu.memref_slice %arg9[%dma_wait3A_129] : memref<4x!tpu.dma_semaphore, #tpu.memory_space<semaphore_mem>> -> memref<1x!tpu.dma_semaphore, #tpu.memory_space<semaphore_mem>>
    %dma_wait3A_132 = tpu.memref_squeeze %dma_wait3A_131 : memref<1x!tpu.dma_semaphore, #tpu.memory_space<semaphore_mem>> -> memref<!tpu.dma_semaphore, #tpu.memory_space<semaphore_mem>>
    %dma_wait3A_133 = tpu.memref_slice %arg3[%add3A_128] : memref<32000032xf32, #tpu.memory_space<hbm>> -> memref<25000xf32, #tpu.memory_space<hbm>>
    tpu.wait_dma2 semaphore(%dma_wait3A_132 : memref<!tpu.dma_semaphore, #tpu.memory_space<semaphore_mem>>) src(%arg7 : memref<25000xf32, #tpu.memory_space<vmem>>) dst(%dma_wait3A_133 : memref<25000xf32, #tpu.memory_space<hbm>>)
    %add3A_134 = arith.constant 175000 : i32
    %add3A_135 = arith.addi %mul3A_2, %add3A_134 : i32
    %dma_start3A_136 = arith.constant 3 : i32
    %dma_start3A_137 = tpu.memref_slice %arg2[%add3A_135] : memref<32000032xf32, #tpu.memory_space<hbm>> -> memref<25000xf32, #tpu.memory_space<hbm>>
    %dma_start3A_138 = tpu.memref_slice %arg8[%dma_start3A_136] : memref<4x!tpu.dma_semaphore, #tpu.memory_space<semaphore_mem>> -> memref<1x!tpu.dma_semaphore, #tpu.memory_space<semaphore_mem>>
    %dma_start3A_139 = tpu.memref_squeeze %dma_start3A_138 : memref<1x!tpu.dma_semaphore, #tpu.memory_space<semaphore_mem>> -> memref<!tpu.dma_semaphore, #tpu.memory_space<semaphore_mem>>
    %dma_start3A_140 = tpu.memref_slice %arg2[%add3A_135] : memref<32000032xf32, #tpu.memory_space<hbm>> -> memref<25000xf32, #tpu.memory_space<hbm>>
    tpu.enqueue_dma source(%dma_start3A_140 : memref<25000xf32, #tpu.memory_space<hbm>>) target(%arg7 : memref<25000xf32, #tpu.memory_space<vmem>>) target_semaphore(%dma_start3A_139 : memref<!tpu.dma_semaphore, #tpu.memory_space<semaphore_mem>>)
    %add3A_141 = arith.constant 100000 : i32
    %add3A_142 = arith.addi %mul3A_2, %add3A_141 : i32
    %dma_wait3A_143 = arith.constant 0 : i32
    %dma_wait3A_144 = tpu.memref_slice %arg2[%add3A_142] : memref<32000032xf32, #tpu.memory_space<hbm>> -> memref<25000xf32, #tpu.memory_space<hbm>>
    %dma_wait3A_145 = tpu.memref_slice %arg8[%dma_wait3A_143] : memref<4x!tpu.dma_semaphore, #tpu.memory_space<semaphore_mem>> -> memref<1x!tpu.dma_semaphore, #tpu.memory_space<semaphore_mem>>
    %dma_wait3A_146 = tpu.memref_squeeze %dma_wait3A_145 : memref<1x!tpu.dma_semaphore, #tpu.memory_space<semaphore_mem>> -> memref<!tpu.dma_semaphore, #tpu.memory_space<semaphore_mem>>
    %dma_wait3A_147 = tpu.memref_slice %arg2[%add3A_142] : memref<32000032xf32, #tpu.memory_space<hbm>> -> memref<25000xf32, #tpu.memory_space<hbm>>
    tpu.wait_dma2 semaphore(%dma_wait3A_146 : memref<!tpu.dma_semaphore, #tpu.memory_space<semaphore_mem>>) src(%dma_wait3A_147 : memref<25000xf32, #tpu.memory_space<hbm>>) dst(%arg4 : memref<25000xf32, #tpu.memory_space<vmem>>)
    %add3A_148 = arith.constant 100000 : i32
    %add3A_149 = arith.addi %mul3A_2, %add3A_148 : i32
    %dma_start3A_150 = arith.constant 0 : i32
    %dma_start3A_151 = tpu.memref_slice %arg3[%add3A_149] : memref<32000032xf32, #tpu.memory_space<hbm>> -> memref<25000xf32, #tpu.memory_space<hbm>>
    %dma_start3A_152 = tpu.memref_slice %arg9[%dma_start3A_150] : memref<4x!tpu.dma_semaphore, #tpu.memory_space<semaphore_mem>> -> memref<1x!tpu.dma_semaphore, #tpu.memory_space<semaphore_mem>>
    %dma_start3A_153 = tpu.memref_squeeze %dma_start3A_152 : memref<1x!tpu.dma_semaphore, #tpu.memory_space<semaphore_mem>> -> memref<!tpu.dma_semaphore, #tpu.memory_space<semaphore_mem>>
    %dma_start3A_154 = tpu.memref_slice %arg3[%add3A_149] : memref<32000032xf32, #tpu.memory_space<hbm>> -> memref<25000xf32, #tpu.memory_space<hbm>>
    tpu.enqueue_dma source(%arg4 : memref<25000xf32, #tpu.memory_space<vmem>>) target(%dma_start3A_154 : memref<25000xf32, #tpu.memory_space<hbm>>) target_semaphore(%dma_start3A_153 : memref<!tpu.dma_semaphore, #tpu.memory_space<semaphore_mem>>)
    %add3A_155 = arith.constant 100000 : i32
    %add3A_156 = arith.addi %mul3A_2, %add3A_155 : i32
    %dma_wait3A_157 = arith.constant 0 : i32
    %dma_wait3A_158 = tpu.memref_slice %arg3[%add3A_156] : memref<32000032xf32, #tpu.memory_space<hbm>> -> memref<25000xf32, #tpu.memory_space<hbm>>
    %dma_wait3A_159 = tpu.memref_slice %arg9[%dma_wait3A_157] : memref<4x!tpu.dma_semaphore, #tpu.memory_space<semaphore_mem>> -> memref<1x!tpu.dma_semaphore, #tpu.memory_space<semaphore_mem>>
    %dma_wait3A_160 = tpu.memref_squeeze %dma_wait3A_159 : memref<1x!tpu.dma_semaphore, #tpu.memory_space<semaphore_mem>> -> memref<!tpu.dma_semaphore, #tpu.memory_space<semaphore_mem>>
    %dma_wait3A_161 = tpu.memref_slice %arg3[%add3A_156] : memref<32000032xf32, #tpu.memory_space<hbm>> -> memref<25000xf32, #tpu.memory_space<hbm>>
    tpu.wait_dma2 semaphore(%dma_wait3A_160 : memref<!tpu.dma_semaphore, #tpu.memory_space<semaphore_mem>>) src(%arg4 : memref<25000xf32, #tpu.memory_space<vmem>>) dst(%dma_wait3A_161 : memref<25000xf32, #tpu.memory_space<hbm>>)
    %add3A_162 = arith.constant 200000 : i32
    %add3A_163 = arith.addi %mul3A_2, %add3A_162 : i32
    %dma_start3A_164 = arith.constant 0 : i32
    %dma_start3A_165 = tpu.memref_slice %arg2[%add3A_163] : memref<32000032xf32, #tpu.memory_space<hbm>> -> memref<25000xf32, #tpu.memory_space<hbm>>
    %dma_start3A_166 = tpu.memref_slice %arg8[%dma_start3A_164] : memref<4x!tpu.dma_semaphore, #tpu.memory_space<semaphore_mem>> -> memref<1x!tpu.dma_semaphore, #tpu.memory_space<semaphore_mem>>
    %dma_start3A_167 = tpu.memref_squeeze %dma_start3A_166 : memref<1x!tpu.dma_semaphore, #tpu.memory_space<semaphore_mem>> -> memref<!tpu.dma_semaphore, #tpu.memory_space<semaphore_mem>>
    %dma_start3A_168 = tpu.memref_slice %arg2[%add3A_163] : memref<32000032xf32, #tpu.memory_space<hbm>> -> memref<25000xf32, #tpu.memory_space<hbm>>
    tpu.enqueue_dma source(%dma_start3A_168 : memref<25000xf32, #tpu.memory_space<hbm>>) target(%arg4 : memref<25000xf32, #tpu.memory_space<vmem>>) target_semaphore(%dma_start3A_167 : memref<!tpu.dma_semaphore, #tpu.memory_space<semaphore_mem>>)
    %add3A_169 = arith.constant 125000 : i32
    %add3A_170 = arith.addi %mul3A_2, %add3A_169 : i32
    %dma_wait3A_171 = arith.constant 1 : i32
    %dma_wait3A_172 = tpu.memref_slice %arg2[%add3A_170] : memref<32000032xf32, #tpu.memory_space<hbm>> -> memref<25000xf32, #tpu.memory_space<hbm>>
    %dma_wait3A_173 = tpu.memref_slice %arg8[%dma_wait3A_171] : memref<4x!tpu.dma_semaphore, #tpu.memory_space<semaphore_mem>> -> memref<1x!tpu.dma_semaphore, #tpu.memory_space<semaphore_mem>>
    %dma_wait3A_174 = tpu.memref_squeeze %dma_wait3A_173 : memref<1x!tpu.dma_semaphore, #tpu.memory_space<semaphore_mem>> -> memref<!tpu.dma_semaphore, #tpu.memory_space<semaphore_mem>>
    %dma_wait3A_175 = tpu.memref_slice %arg2[%add3A_170] : memref<32000032xf32, #tpu.memory_space<hbm>> -> memref<25000xf32, #tpu.memory_space<hbm>>
    tpu.wait_dma2 semaphore(%dma_wait3A_174 : memref<!tpu.dma_semaphore, #tpu.memory_space<semaphore_mem>>) src(%dma_wait3A_175 : memref<25000xf32, #tpu.memory_space<hbm>>) dst(%arg5 : memref<25000xf32, #tpu.memory_space<vmem>>)
    %add3A_176 = arith.constant 125000 : i32
    %add3A_177 = arith.addi %mul3A_2, %add3A_176 : i32
    %dma_start3A_178 = arith.constant 1 : i32
    %dma_start3A_179 = tpu.memref_slice %arg3[%add3A_177] : memref<32000032xf32, #tpu.memory_space<hbm>> -> memref<25000xf32, #tpu.memory_space<hbm>>
    %dma_start3A_180 = tpu.memref_slice %arg9[%dma_start3A_178] : memref<4x!tpu.dma_semaphore, #tpu.memory_space<semaphore_mem>> -> memref<1x!tpu.dma_semaphore, #tpu.memory_space<semaphore_mem>>
    %dma_start3A_181 = tpu.memref_squeeze %dma_start3A_180 : memref<1x!tpu.dma_semaphore, #tpu.memory_space<semaphore_mem>> -> memref<!tpu.dma_semaphore, #tpu.memory_space<semaphore_mem>>
    %dma_start3A_182 = tpu.memref_slice %arg3[%add3A_177] : memref<32000032xf32, #tpu.memory_space<hbm>> -> memref<25000xf32, #tpu.memory_space<hbm>>
    tpu.enqueue_dma source(%arg5 : memref<25000xf32, #tpu.memory_space<vmem>>) target(%dma_start3A_182 : memref<25000xf32, #tpu.memory_space<hbm>>) target_semaphore(%dma_start3A_181 : memref<!tpu.dma_semaphore, #tpu.memory_space<semaphore_mem>>)
    %add3A_183 = arith.constant 125000 : i32
    %add3A_184 = arith.addi %mul3A_2, %add3A_183 : i32
    %dma_wait3A_185 = arith.constant 1 : i32
    %dma_wait3A_186 = tpu.memref_slice %arg3[%add3A_184] : memref<32000032xf32, #tpu.memory_space<hbm>> -> memref<25000xf32, #tpu.memory_space<hbm>>
    %dma_wait3A_187 = tpu.memref_slice %arg9[%dma_wait3A_185] : memref<4x!tpu.dma_semaphore, #tpu.memory_space<semaphore_mem>> -> memref<1x!tpu.dma_semaphore, #tpu.memory_space<semaphore_mem>>
    %dma_wait3A_188 = tpu.memref_squeeze %dma_wait3A_187 : memref<1x!tpu.dma_semaphore, #tpu.memory_space<semaphore_mem>> -> memref<!tpu.dma_semaphore, #tpu.memory_space<semaphore_mem>>
    %dma_wait3A_189 = tpu.memref_slice %arg3[%add3A_184] : memref<32000032xf32, #tpu.memory_space<hbm>> -> memref<25000xf32, #tpu.memory_space<hbm>>
    tpu.wait_dma2 semaphore(%dma_wait3A_188 : memref<!tpu.dma_semaphore, #tpu.memory_space<semaphore_mem>>) src(%arg5 : memref<25000xf32, #tpu.memory_space<vmem>>) dst(%dma_wait3A_189 : memref<25000xf32, #tpu.memory_space<hbm>>)
    %add3A_190 = arith.constant 225000 : i32
    %add3A_191 = arith.addi %mul3A_2, %add3A_190 : i32
    %dma_start3A_192 = arith.constant 1 : i32
    %dma_start3A_193 = tpu.memref_slice %arg2[%add3A_191] : memref<32000032xf32, #tpu.memory_space<hbm>> -> memref<25000xf32, #tpu.memory_space<hbm>>
    %dma_start3A_194 = tpu.memref_slice %arg8[%dma_start3A_192] : memref<4x!tpu.dma_semaphore, #tpu.memory_space<semaphore_mem>> -> memref<1x!tpu.dma_semaphore, #tpu.memory_space<semaphore_mem>>
    %dma_start3A_195 = tpu.memref_squeeze %dma_start3A_194 : memref<1x!tpu.dma_semaphore, #tpu.memory_space<semaphore_mem>> -> memref<!tpu.dma_semaphore, #tpu.memory_space<semaphore_mem>>
    %dma_start3A_196 = tpu.memref_slice %arg2[%add3A_191] : memref<32000032xf32, #tpu.memory_space<hbm>> -> memref<25000xf32, #tpu.memory_space<hbm>>
    tpu.enqueue_dma source(%dma_start3A_196 : memref<25000xf32, #tpu.memory_space<hbm>>) target(%arg5 : memref<25000xf32, #tpu.memory_space<vmem>>) target_semaphore(%dma_start3A_195 : memref<!tpu.dma_semaphore, #tpu.memory_space<semaphore_mem>>)
    %add3A_197 = arith.constant 150000 : i32
    %add3A_198 = arith.addi %mul3A_2, %add3A_197 : i32
    %dma_wait3A_199 = arith.constant 2 : i32
    %dma_wait3A_200 = tpu.memref_slice %arg2[%add3A_198] : memref<32000032xf32, #tpu.memory_space<hbm>> -> memref<25000xf32, #tpu.memory_space<hbm>>
    %dma_wait3A_201 = tpu.memref_slice %arg8[%dma_wait3A_199] : memref<4x!tpu.dma_semaphore, #tpu.memory_space<semaphore_mem>> -> memref<1x!tpu.dma_semaphore, #tpu.memory_space<semaphore_mem>>
    %dma_wait3A_202 = tpu.memref_squeeze %dma_wait3A_201 : memref<1x!tpu.dma_semaphore, #tpu.memory_space<semaphore_mem>> -> memref<!tpu.dma_semaphore, #tpu.memory_space<semaphore_mem>>
    %dma_wait3A_203 = tpu.memref_slice %arg2[%add3A_198] : memref<32000032xf32, #tpu.memory_space<hbm>> -> memref<25000xf32, #tpu.memory_space<hbm>>
    tpu.wait_dma2 semaphore(%dma_wait3A_202 : memref<!tpu.dma_semaphore, #tpu.memory_space<semaphore_mem>>) src(%dma_wait3A_203 : memref<25000xf32, #tpu.memory_space<hbm>>) dst(%arg6 : memref<25000xf32, #tpu.memory_space<vmem>>)
    %add3A_204 = arith.constant 150000 : i32
    %add3A_205 = arith.addi %mul3A_2, %add3A_204 : i32
    %dma_start3A_206 = arith.constant 2 : i32
    %dma_start3A_207 = tpu.memref_slice %arg3[%add3A_205] : memref<32000032xf32, #tpu.memory_space<hbm>> -> memref<25000xf32, #tpu.memory_space<hbm>>
    %dma_start3A_208 = tpu.memref_slice %arg9[%dma_start3A_206] : memref<4x!tpu.dma_semaphore, #tpu.memory_space<semaphore_mem>> -> memref<1x!tpu.dma_semaphore, #tpu.memory_space<semaphore_mem>>
    %dma_start3A_209 = tpu.memref_squeeze %dma_start3A_208 : memref<1x!tpu.dma_semaphore, #tpu.memory_space<semaphore_mem>> -> memref<!tpu.dma_semaphore, #tpu.memory_space<semaphore_mem>>
    %dma_start3A_210 = tpu.memref_slice %arg3[%add3A_205] : memref<32000032xf32, #tpu.memory_space<hbm>> -> memref<25000xf32, #tpu.memory_space<hbm>>
    tpu.enqueue_dma source(%arg6 : memref<25000xf32, #tpu.memory_space<vmem>>) target(%dma_start3A_210 : memref<25000xf32, #tpu.memory_space<hbm>>) target_semaphore(%dma_start3A_209 : memref<!tpu.dma_semaphore, #tpu.memory_space<semaphore_mem>>)
    %add3A_211 = arith.constant 150000 : i32
    %add3A_212 = arith.addi %mul3A_2, %add3A_211 : i32
    %dma_wait3A_213 = arith.constant 2 : i32
    %dma_wait3A_214 = tpu.memref_slice %arg3[%add3A_212] : memref<32000032xf32, #tpu.memory_space<hbm>> -> memref<25000xf32, #tpu.memory_space<hbm>>
    %dma_wait3A_215 = tpu.memref_slice %arg9[%dma_wait3A_213] : memref<4x!tpu.dma_semaphore, #tpu.memory_space<semaphore_mem>> -> memref<1x!tpu.dma_semaphore, #tpu.memory_space<semaphore_mem>>
    %dma_wait3A_216 = tpu.memref_squeeze %dma_wait3A_215 : memref<1x!tpu.dma_semaphore, #tpu.memory_space<semaphore_mem>> -> memref<!tpu.dma_semaphore, #tpu.memory_space<semaphore_mem>>
    %dma_wait3A_217 = tpu.memref_slice %arg3[%add3A_212] : memref<32000032xf32, #tpu.memory_space<hbm>> -> memref<25000xf32, #tpu.memory_space<hbm>>
    tpu.wait_dma2 semaphore(%dma_wait3A_216 : memref<!tpu.dma_semaphore, #tpu.memory_space<semaphore_mem>>) src(%arg6 : memref<25000xf32, #tpu.memory_space<vmem>>) dst(%dma_wait3A_217 : memref<25000xf32, #tpu.memory_space<hbm>>)
    %add3A_218 = arith.constant 250000 : i32
    %add3A_219 = arith.addi %mul3A_2, %add3A_218 : i32
    %dma_start3A_220 = arith.constant 2 : i32
    %dma_start3A_221 = tpu.memref_slice %arg2[%add3A_219] : memref<32000032xf32, #tpu.memory_space<hbm>> -> memref<25000xf32, #tpu.memory_space<hbm>>
    %dma_start3A_222 = tpu.memref_slice %arg8[%dma_start3A_220] : memref<4x!tpu.dma_semaphore, #tpu.memory_space<semaphore_mem>> -> memref<1x!tpu.dma_semaphore, #tpu.memory_space<semaphore_mem>>
    %dma_start3A_223 = tpu.memref_squeeze %dma_start3A_222 : memref<1x!tpu.dma_semaphore, #tpu.memory_space<semaphore_mem>> -> memref<!tpu.dma_semaphore, #tpu.memory_space<semaphore_mem>>
    %dma_start3A_224 = tpu.memref_slice %arg2[%add3A_219] : memref<32000032xf32, #tpu.memory_space<hbm>> -> memref<25000xf32, #tpu.memory_space<hbm>>
    tpu.enqueue_dma source(%dma_start3A_224 : memref<25000xf32, #tpu.memory_space<hbm>>) target(%arg6 : memref<25000xf32, #tpu.memory_space<vmem>>) target_semaphore(%dma_start3A_223 : memref<!tpu.dma_semaphore, #tpu.memory_space<semaphore_mem>>)
    %add3A_225 = arith.constant 175000 : i32
    %add3A_226 = arith.addi %mul3A_2, %add3A_225 : i32
    %dma_wait3A_227 = arith.constant 3 : i32
    %dma_wait3A_228 = tpu.memref_slice %arg2[%add3A_226] : memref<32000032xf32, #tpu.memory_space<hbm>> -> memref<25000xf32, #tpu.memory_space<hbm>>
    %dma_wait3A_229 = tpu.memref_slice %arg8[%dma_wait3A_227] : memref<4x!tpu.dma_semaphore, #tpu.memory_space<semaphore_mem>> -> memref<1x!tpu.dma_semaphore, #tpu.memory_space<semaphore_mem>>
    %dma_wait3A_230 = tpu.memref_squeeze %dma_wait3A_229 : memref<1x!tpu.dma_semaphore, #tpu.memory_space<semaphore_mem>> -> memref<!tpu.dma_semaphore, #tpu.memory_space<semaphore_mem>>
    %dma_wait3A_231 = tpu.memref_slice %arg2[%add3A_226] : memref<32000032xf32, #tpu.memory_space<hbm>> -> memref<25000xf32, #tpu.memory_space<hbm>>
    tpu.wait_dma2 semaphore(%dma_wait3A_230 : memref<!tpu.dma_semaphore, #tpu.memory_space<semaphore_mem>>) src(%dma_wait3A_231 : memref<25000xf32, #tpu.memory_space<hbm>>) dst(%arg7 : memref<25000xf32, #tpu.memory_space<vmem>>)
    %add3A_232 = arith.constant 175000 : i32
    %add3A_233 = arith.addi %mul3A_2, %add3A_232 : i32
    %dma_start3A_234 = arith.constant 3 : i32
    %dma_start3A_235 = tpu.memref_slice %arg3[%add3A_233] : memref<32000032xf32, #tpu.memory_space<hbm>> -> memref<25000xf32, #tpu.memory_space<hbm>>
    %dma_start3A_236 = tpu.memref_slice %arg9[%dma_start3A_234] : memref<4x!tpu.dma_semaphore, #tpu.memory_space<semaphore_mem>> -> memref<1x!tpu.dma_semaphore, #tpu.memory_space<semaphore_mem>>
    %dma_start3A_237 = tpu.memref_squeeze %dma_start3A_236 : memref<1x!tpu.dma_semaphore, #tpu.memory_space<semaphore_mem>> -> memref<!tpu.dma_semaphore, #tpu.memory_space<semaphore_mem>>
    %dma_start3A_238 = tpu.memref_slice %arg3[%add3A_233] : memref<32000032xf32, #tpu.memory_space<hbm>> -> memref<25000xf32, #tpu.memory_space<hbm>>
    tpu.enqueue_dma source(%arg7 : memref<25000xf32, #tpu.memory_space<vmem>>) target(%dma_start3A_238 : memref<25000xf32, #tpu.memory_space<hbm>>) target_semaphore(%dma_start3A_237 : memref<!tpu.dma_semaphore, #tpu.memory_space<semaphore_mem>>)
    %add3A_239 = arith.constant 175000 : i32
    %add3A_240 = arith.addi %mul3A_2, %add3A_239 : i32
    %dma_wait3A_241 = arith.constant 3 : i32
    %dma_wait3A_242 = tpu.memref_slice %arg3[%add3A_240] : memref<32000032xf32, #tpu.memory_space<hbm>> -> memref<25000xf32, #tpu.memory_space<hbm>>
    %dma_wait3A_243 = tpu.memref_slice %arg9[%dma_wait3A_241] : memref<4x!tpu.dma_semaphore, #tpu.memory_space<semaphore_mem>> -> memref<1x!tpu.dma_semaphore, #tpu.memory_space<semaphore_mem>>
    %dma_wait3A_244 = tpu.memref_squeeze %dma_wait3A_243 : memref<1x!tpu.dma_semaphore, #tpu.memory_space<semaphore_mem>> -> memref<!tpu.dma_semaphore, #tpu.memory_space<semaphore_mem>>
    %dma_wait3A_245 = tpu.memref_slice %arg3[%add3A_240] : memref<32000032xf32, #tpu.memory_space<hbm>> -> memref<25000xf32, #tpu.memory_space<hbm>>
    tpu.wait_dma2 semaphore(%dma_wait3A_244 : memref<!tpu.dma_semaphore, #tpu.memory_space<semaphore_mem>>) src(%arg7 : memref<25000xf32, #tpu.memory_space<vmem>>) dst(%dma_wait3A_245 : memref<25000xf32, #tpu.memory_space<hbm>>)
    %add3A_246 = arith.constant 275000 : i32
    %add3A_247 = arith.addi %mul3A_2, %add3A_246 : i32
    %dma_start3A_248 = arith.constant 3 : i32
    %dma_start3A_249 = tpu.memref_slice %arg2[%add3A_247] : memref<32000032xf32, #tpu.memory_space<hbm>> -> memref<25000xf32, #tpu.memory_space<hbm>>
    %dma_start3A_250 = tpu.memref_slice %arg8[%dma_start3A_248] : memref<4x!tpu.dma_semaphore, #tpu.memory_space<semaphore_mem>> -> memref<1x!tpu.dma_semaphore, #tpu.memory_space<semaphore_mem>>
    %dma_start3A_251 = tpu.memref_squeeze %dma_start3A_250 : memref<1x!tpu.dma_semaphore, #tpu.memory_space<semaphore_mem>> -> memref<!tpu.dma_semaphore, #tpu.memory_space<semaphore_mem>>
    %dma_start3A_252 = tpu.memref_slice %arg2[%add3A_247] : memref<32000032xf32, #tpu.memory_space<hbm>> -> memref<25000xf32, #tpu.memory_space<hbm>>
    tpu.enqueue_dma source(%dma_start3A_252 : memref<25000xf32, #tpu.memory_space<hbm>>) target(%arg7 : memref<25000xf32, #tpu.memory_space<vmem>>) target_semaphore(%dma_start3A_251 : memref<!tpu.dma_semaphore, #tpu.memory_space<semaphore_mem>>)
    %add3A_253 = arith.constant 200000 : i32
    %add3A_254 = arith.addi %mul3A_2, %add3A_253 : i32
    %dma_wait3A_255 = arith.constant 0 : i32
    %dma_wait3A_256 = tpu.memref_slice %arg2[%add3A_254] : memref<32000032xf32, #tpu.memory_space<hbm>> -> memref<25000xf32, #tpu.memory_space<hbm>>
    %dma_wait3A_257 = tpu.memref_slice %arg8[%dma_wait3A_255] : memref<4x!tpu.dma_semaphore, #tpu.memory_space<semaphore_mem>> -> memref<1x!tpu.dma_semaphore, #tpu.memory_space<semaphore_mem>>
    %dma_wait3A_258 = tpu.memref_squeeze %dma_wait3A_257 : memref<1x!tpu.dma_semaphore, #tpu.memory_space<semaphore_mem>> -> memref<!tpu.dma_semaphore, #tpu.memory_space<semaphore_mem>>
    %dma_wait3A_259 = tpu.memref_slice %arg2[%add3A_254] : memref<32000032xf32, #tpu.memory_space<hbm>> -> memref<25000xf32, #tpu.memory_space<hbm>>
    tpu.wait_dma2 semaphore(%dma_wait3A_258 : memref<!tpu.dma_semaphore, #tpu.memory_space<semaphore_mem>>) src(%dma_wait3A_259 : memref<25000xf32, #tpu.memory_space<hbm>>) dst(%arg4 : memref<25000xf32, #tpu.memory_space<vmem>>)
    %add3A_260 = arith.constant 200000 : i32
    %add3A_261 = arith.addi %mul3A_2, %add3A_260 : i32
    %dma_start3A_262 = arith.constant 0 : i32
    %dma_start3A_263 = tpu.memref_slice %arg3[%add3A_261] : memref<32000032xf32, #tpu.memory_space<hbm>> -> memref<25000xf32, #tpu.memory_space<hbm>>
    %dma_start3A_264 = tpu.memref_slice %arg9[%dma_start3A_262] : memref<4x!tpu.dma_semaphore, #tpu.memory_space<semaphore_mem>> -> memref<1x!tpu.dma_semaphore, #tpu.memory_space<semaphore_mem>>
    %dma_start3A_265 = tpu.memref_squeeze %dma_start3A_264 : memref<1x!tpu.dma_semaphore, #tpu.memory_space<semaphore_mem>> -> memref<!tpu.dma_semaphore, #tpu.memory_space<semaphore_mem>>
    %dma_start3A_266 = tpu.memref_slice %arg3[%add3A_261] : memref<32000032xf32, #tpu.memory_space<hbm>> -> memref<25000xf32, #tpu.memory_space<hbm>>
    tpu.enqueue_dma source(%arg4 : memref<25000xf32, #tpu.memory_space<vmem>>) target(%dma_start3A_266 : memref<25000xf32, #tpu.memory_space<hbm>>) target_semaphore(%dma_start3A_265 : memref<!tpu.dma_semaphore, #tpu.memory_space<semaphore_mem>>)
    %add3A_267 = arith.constant 200000 : i32
    %add3A_268 = arith.addi %mul3A_2, %add3A_267 : i32
    %dma_wait3A_269 = arith.constant 0 : i32
    %dma_wait3A_270 = tpu.memref_slice %arg3[%add3A_268] : memref<32000032xf32, #tpu.memory_space<hbm>> -> memref<25000xf32, #tpu.memory_space<hbm>>
    %dma_wait3A_271 = tpu.memref_slice %arg9[%dma_wait3A_269] : memref<4x!tpu.dma_semaphore, #tpu.memory_space<semaphore_mem>> -> memref<1x!tpu.dma_semaphore, #tpu.memory_space<semaphore_mem>>
    %dma_wait3A_272 = tpu.memref_squeeze %dma_wait3A_271 : memref<1x!tpu.dma_semaphore, #tpu.memory_space<semaphore_mem>> -> memref<!tpu.dma_semaphore, #tpu.memory_space<semaphore_mem>>
    %dma_wait3A_273 = tpu.memref_slice %arg3[%add3A_268] : memref<32000032xf32, #tpu.memory_space<hbm>> -> memref<25000xf32, #tpu.memory_space<hbm>>
    tpu.wait_dma2 semaphore(%dma_wait3A_272 : memref<!tpu.dma_semaphore, #tpu.memory_space<semaphore_mem>>) src(%arg4 : memref<25000xf32, #tpu.memory_space<vmem>>) dst(%dma_wait3A_273 : memref<25000xf32, #tpu.memory_space<hbm>>)
    %add3A_274 = arith.constant 300000 : i32
    %add3A_275 = arith.addi %mul3A_2, %add3A_274 : i32
    %dma_start3A_276 = arith.constant 0 : i32
    %dma_start3A_277 = tpu.memref_slice %arg2[%add3A_275] : memref<32000032xf32, #tpu.memory_space<hbm>> -> memref<25000xf32, #tpu.memory_space<hbm>>
    %dma_start3A_278 = tpu.memref_slice %arg8[%dma_start3A_276] : memref<4x!tpu.dma_semaphore, #tpu.memory_space<semaphore_mem>> -> memref<1x!tpu.dma_semaphore, #tpu.memory_space<semaphore_mem>>
    %dma_start3A_279 = tpu.memref_squeeze %dma_start3A_278 : memref<1x!tpu.dma_semaphore, #tpu.memory_space<semaphore_mem>> -> memref<!tpu.dma_semaphore, #tpu.memory_space<semaphore_mem>>
    %dma_start3A_280 = tpu.memref_slice %arg2[%add3A_275] : memref<32000032xf32, #tpu.memory_space<hbm>> -> memref<25000xf32, #tpu.memory_space<hbm>>
    tpu.enqueue_dma source(%dma_start3A_280 : memref<25000xf32, #tpu.memory_space<hbm>>) target(%arg4 : memref<25000xf32, #tpu.memory_space<vmem>>) target_semaphore(%dma_start3A_279 : memref<!tpu.dma_semaphore, #tpu.memory_space<semaphore_mem>>)
    %add3A_281 = arith.constant 225000 : i32
    %add3A_282 = arith.addi %mul3A_2, %add3A_281 : i32
    %dma_wait3A_283 = arith.constant 1 : i32
    %dma_wait3A_284 = tpu.memref_slice %arg2[%add3A_282] : memref<32000032xf32, #tpu.memory_space<hbm>> -> memref<25000xf32, #tpu.memory_space<hbm>>
    %dma_wait3A_285 = tpu.memref_slice %arg8[%dma_wait3A_283] : memref<4x!tpu.dma_semaphore, #tpu.memory_space<semaphore_mem>> -> memref<1x!tpu.dma_semaphore, #tpu.memory_space<semaphore_mem>>
    %dma_wait3A_286 = tpu.memref_squeeze %dma_wait3A_285 : memref<1x!tpu.dma_semaphore, #tpu.memory_space<semaphore_mem>> -> memref<!tpu.dma_semaphore, #tpu.memory_space<semaphore_mem>>
    %dma_wait3A_287 = tpu.memref_slice %arg2[%add3A_282] : memref<32000032xf32, #tpu.memory_space<hbm>> -> memref<25000xf32, #tpu.memory_space<hbm>>
    tpu.wait_dma2 semaphore(%dma_wait3A_286 : memref<!tpu.dma_semaphore, #tpu.memory_space<semaphore_mem>>) src(%dma_wait3A_287 : memref<25000xf32, #tpu.memory_space<hbm>>) dst(%arg5 : memref<25000xf32, #tpu.memory_space<vmem>>)
    %add3A_288 = arith.constant 225000 : i32
    %add3A_289 = arith.addi %mul3A_2, %add3A_288 : i32
    %dma_start3A_290 = arith.constant 1 : i32
    %dma_start3A_291 = tpu.memref_slice %arg3[%add3A_289] : memref<32000032xf32, #tpu.memory_space<hbm>> -> memref<25000xf32, #tpu.memory_space<hbm>>
    %dma_start3A_292 = tpu.memref_slice %arg9[%dma_start3A_290] : memref<4x!tpu.dma_semaphore, #tpu.memory_space<semaphore_mem>> -> memref<1x!tpu.dma_semaphore, #tpu.memory_space<semaphore_mem>>
    %dma_start3A_293 = tpu.memref_squeeze %dma_start3A_292 : memref<1x!tpu.dma_semaphore, #tpu.memory_space<semaphore_mem>> -> memref<!tpu.dma_semaphore, #tpu.memory_space<semaphore_mem>>
    %dma_start3A_294 = tpu.memref_slice %arg3[%add3A_289] : memref<32000032xf32, #tpu.memory_space<hbm>> -> memref<25000xf32, #tpu.memory_space<hbm>>
    tpu.enqueue_dma source(%arg5 : memref<25000xf32, #tpu.memory_space<vmem>>) target(%dma_start3A_294 : memref<25000xf32, #tpu.memory_space<hbm>>) target_semaphore(%dma_start3A_293 : memref<!tpu.dma_semaphore, #tpu.memory_space<semaphore_mem>>)
    %add3A_295 = arith.constant 225000 : i32
    %add3A_296 = arith.addi %mul3A_2, %add3A_295 : i32
    %dma_wait3A_297 = arith.constant 1 : i32
    %dma_wait3A_298 = tpu.memref_slice %arg3[%add3A_296] : memref<32000032xf32, #tpu.memory_space<hbm>> -> memref<25000xf32, #tpu.memory_space<hbm>>
    %dma_wait3A_299 = tpu.memref_slice %arg9[%dma_wait3A_297] : memref<4x!tpu.dma_semaphore, #tpu.memory_space<semaphore_mem>> -> memref<1x!tpu.dma_semaphore, #tpu.memory_space<semaphore_mem>>
    %dma_wait3A_300 = tpu.memref_squeeze %dma_wait3A_299 : memref<1x!tpu.dma_semaphore, #tpu.memory_space<semaphore_mem>> -> memref<!tpu.dma_semaphore, #tpu.memory_space<semaphore_mem>>
    %dma_wait3A_301 = tpu.memref_slice %arg3[%add3A_296] : memref<32000032xf32, #tpu.memory_space<hbm>> -> memref<25000xf32, #tpu.memory_space<hbm>>
    tpu.wait_dma2 semaphore(%dma_wait3A_300 : memref<!tpu.dma_semaphore, #tpu.memory_space<semaphore_mem>>) src(%arg5 : memref<25000xf32, #tpu.memory_space<vmem>>) dst(%dma_wait3A_301 : memref<25000xf32, #tpu.memory_space<hbm>>)
    %add3A_302 = arith.constant 325000 : i32
    %add3A_303 = arith.addi %mul3A_2, %add3A_302 : i32
    %dma_start3A_304 = arith.constant 1 : i32
    %dma_start3A_305 = tpu.memref_slice %arg2[%add3A_303] : memref<32000032xf32, #tpu.memory_space<hbm>> -> memref<25000xf32, #tpu.memory_space<hbm>>
    %dma_start3A_306 = tpu.memref_slice %arg8[%dma_start3A_304] : memref<4x!tpu.dma_semaphore, #tpu.memory_space<semaphore_mem>> -> memref<1x!tpu.dma_semaphore, #tpu.memory_space<semaphore_mem>>
    %dma_start3A_307 = tpu.memref_squeeze %dma_start3A_306 : memref<1x!tpu.dma_semaphore, #tpu.memory_space<semaphore_mem>> -> memref<!tpu.dma_semaphore, #tpu.memory_space<semaphore_mem>>
    %dma_start3A_308 = tpu.memref_slice %arg2[%add3A_303] : memref<32000032xf32, #tpu.memory_space<hbm>> -> memref<25000xf32, #tpu.memory_space<hbm>>
    tpu.enqueue_dma source(%dma_start3A_308 : memref<25000xf32, #tpu.memory_space<hbm>>) target(%arg5 : memref<25000xf32, #tpu.memory_space<vmem>>) target_semaphore(%dma_start3A_307 : memref<!tpu.dma_semaphore, #tpu.memory_space<semaphore_mem>>)
    %add3A_309 = arith.constant 250000 : i32
    %add3A_310 = arith.addi %mul3A_2, %add3A_309 : i32
    %dma_wait3A_311 = arith.constant 2 : i32
    %dma_wait3A_312 = tpu.memref_slice %arg2[%add3A_310] : memref<32000032xf32, #tpu.memory_space<hbm>> -> memref<25000xf32, #tpu.memory_space<hbm>>
    %dma_wait3A_313 = tpu.memref_slice %arg8[%dma_wait3A_311] : memref<4x!tpu.dma_semaphore, #tpu.memory_space<semaphore_mem>> -> memref<1x!tpu.dma_semaphore, #tpu.memory_space<semaphore_mem>>
    %dma_wait3A_314 = tpu.memref_squeeze %dma_wait3A_313 : memref<1x!tpu.dma_semaphore, #tpu.memory_space<semaphore_mem>> -> memref<!tpu.dma_semaphore, #tpu.memory_space<semaphore_mem>>
    %dma_wait3A_315 = tpu.memref_slice %arg2[%add3A_310] : memref<32000032xf32, #tpu.memory_space<hbm>> -> memref<25000xf32, #tpu.memory_space<hbm>>
    tpu.wait_dma2 semaphore(%dma_wait3A_314 : memref<!tpu.dma_semaphore, #tpu.memory_space<semaphore_mem>>) src(%dma_wait3A_315 : memref<25000xf32, #tpu.memory_space<hbm>>) dst(%arg6 : memref<25000xf32, #tpu.memory_space<vmem>>)
    %add3A_316 = arith.constant 250000 : i32
    %add3A_317 = arith.addi %mul3A_2, %add3A_316 : i32
    %dma_start3A_318 = arith.constant 2 : i32
    %dma_start3A_319 = tpu.memref_slice %arg3[%add3A_317] : memref<32000032xf32, #tpu.memory_space<hbm>> -> memref<25000xf32, #tpu.memory_space<hbm>>
    %dma_start3A_320 = tpu.memref_slice %arg9[%dma_start3A_318] : memref<4x!tpu.dma_semaphore, #tpu.memory_space<semaphore_mem>> -> memref<1x!tpu.dma_semaphore, #tpu.memory_space<semaphore_mem>>
    %dma_start3A_321 = tpu.memref_squeeze %dma_start3A_320 : memref<1x!tpu.dma_semaphore, #tpu.memory_space<semaphore_mem>> -> memref<!tpu.dma_semaphore, #tpu.memory_space<semaphore_mem>>
    %dma_start3A_322 = tpu.memref_slice %arg3[%add3A_317] : memref<32000032xf32, #tpu.memory_space<hbm>> -> memref<25000xf32, #tpu.memory_space<hbm>>
    tpu.enqueue_dma source(%arg6 : memref<25000xf32, #tpu.memory_space<vmem>>) target(%dma_start3A_322 : memref<25000xf32, #tpu.memory_space<hbm>>) target_semaphore(%dma_start3A_321 : memref<!tpu.dma_semaphore, #tpu.memory_space<semaphore_mem>>)
    %add3A_323 = arith.constant 250000 : i32
    %add3A_324 = arith.addi %mul3A_2, %add3A_323 : i32
    %dma_wait3A_325 = arith.constant 2 : i32
    %dma_wait3A_326 = tpu.memref_slice %arg3[%add3A_324] : memref<32000032xf32, #tpu.memory_space<hbm>> -> memref<25000xf32, #tpu.memory_space<hbm>>
    %dma_wait3A_327 = tpu.memref_slice %arg9[%dma_wait3A_325] : memref<4x!tpu.dma_semaphore, #tpu.memory_space<semaphore_mem>> -> memref<1x!tpu.dma_semaphore, #tpu.memory_space<semaphore_mem>>
    %dma_wait3A_328 = tpu.memref_squeeze %dma_wait3A_327 : memref<1x!tpu.dma_semaphore, #tpu.memory_space<semaphore_mem>> -> memref<!tpu.dma_semaphore, #tpu.memory_space<semaphore_mem>>
    %dma_wait3A_329 = tpu.memref_slice %arg3[%add3A_324] : memref<32000032xf32, #tpu.memory_space<hbm>> -> memref<25000xf32, #tpu.memory_space<hbm>>
    tpu.wait_dma2 semaphore(%dma_wait3A_328 : memref<!tpu.dma_semaphore, #tpu.memory_space<semaphore_mem>>) src(%arg6 : memref<25000xf32, #tpu.memory_space<vmem>>) dst(%dma_wait3A_329 : memref<25000xf32, #tpu.memory_space<hbm>>)
    %add3A_330 = arith.constant 350000 : i32
    %add3A_331 = arith.addi %mul3A_2, %add3A_330 : i32
    %dma_start3A_332 = arith.constant 2 : i32
    %dma_start3A_333 = tpu.memref_slice %arg2[%add3A_331] : memref<32000032xf32, #tpu.memory_space<hbm>> -> memref<25000xf32, #tpu.memory_space<hbm>>
    %dma_start3A_334 = tpu.memref_slice %arg8[%dma_start3A_332] : memref<4x!tpu.dma_semaphore, #tpu.memory_space<semaphore_mem>> -> memref<1x!tpu.dma_semaphore, #tpu.memory_space<semaphore_mem>>
    %dma_start3A_335 = tpu.memref_squeeze %dma_start3A_334 : memref<1x!tpu.dma_semaphore, #tpu.memory_space<semaphore_mem>> -> memref<!tpu.dma_semaphore, #tpu.memory_space<semaphore_mem>>
    %dma_start3A_336 = tpu.memref_slice %arg2[%add3A_331] : memref<32000032xf32, #tpu.memory_space<hbm>> -> memref<25000xf32, #tpu.memory_space<hbm>>
    tpu.enqueue_dma source(%dma_start3A_336 : memref<25000xf32, #tpu.memory_space<hbm>>) target(%arg6 : memref<25000xf32, #tpu.memory_space<vmem>>) target_semaphore(%dma_start3A_335 : memref<!tpu.dma_semaphore, #tpu.memory_space<semaphore_mem>>)
    %add3A_337 = arith.constant 275000 : i32
    %add3A_338 = arith.addi %mul3A_2, %add3A_337 : i32
    %dma_wait3A_339 = arith.constant 3 : i32
    %dma_wait3A_340 = tpu.memref_slice %arg2[%add3A_338] : memref<32000032xf32, #tpu.memory_space<hbm>> -> memref<25000xf32, #tpu.memory_space<hbm>>
    %dma_wait3A_341 = tpu.memref_slice %arg8[%dma_wait3A_339] : memref<4x!tpu.dma_semaphore, #tpu.memory_space<semaphore_mem>> -> memref<1x!tpu.dma_semaphore, #tpu.memory_space<semaphore_mem>>
    %dma_wait3A_342 = tpu.memref_squeeze %dma_wait3A_341 : memref<1x!tpu.dma_semaphore, #tpu.memory_space<semaphore_mem>> -> memref<!tpu.dma_semaphore, #tpu.memory_space<semaphore_mem>>
    %dma_wait3A_343 = tpu.memref_slice %arg2[%add3A_338] : memref<32000032xf32, #tpu.memory_space<hbm>> -> memref<25000xf32, #tpu.memory_space<hbm>>
    tpu.wait_dma2 semaphore(%dma_wait3A_342 : memref<!tpu.dma_semaphore, #tpu.memory_space<semaphore_mem>>) src(%dma_wait3A_343 : memref<25000xf32, #tpu.memory_space<hbm>>) dst(%arg7 : memref<25000xf32, #tpu.memory_space<vmem>>)
    %add3A_344 = arith.constant 275000 : i32
    %add3A_345 = arith.addi %mul3A_2, %add3A_344 : i32
    %dma_start3A_346 = arith.constant 3 : i32
    %dma_start3A_347 = tpu.memref_slice %arg3[%add3A_345] : memref<32000032xf32, #tpu.memory_space<hbm>> -> memref<25000xf32, #tpu.memory_space<hbm>>
    %dma_start3A_348 = tpu.memref_slice %arg9[%dma_start3A_346] : memref<4x!tpu.dma_semaphore, #tpu.memory_space<semaphore_mem>> -> memref<1x!tpu.dma_semaphore, #tpu.memory_space<semaphore_mem>>
    %dma_start3A_349 = tpu.memref_squeeze %dma_start3A_348 : memref<1x!tpu.dma_semaphore, #tpu.memory_space<semaphore_mem>> -> memref<!tpu.dma_semaphore, #tpu.memory_space<semaphore_mem>>
    %dma_start3A_350 = tpu.memref_slice %arg3[%add3A_345] : memref<32000032xf32, #tpu.memory_space<hbm>> -> memref<25000xf32, #tpu.memory_space<hbm>>
    tpu.enqueue_dma source(%arg7 : memref<25000xf32, #tpu.memory_space<vmem>>) target(%dma_start3A_350 : memref<25000xf32, #tpu.memory_space<hbm>>) target_semaphore(%dma_start3A_349 : memref<!tpu.dma_semaphore, #tpu.memory_space<semaphore_mem>>)
    %add3A_351 = arith.constant 275000 : i32
    %add3A_352 = arith.addi %mul3A_2, %add3A_351 : i32
    %dma_wait3A_353 = arith.constant 3 : i32
    %dma_wait3A_354 = tpu.memref_slice %arg3[%add3A_352] : memref<32000032xf32, #tpu.memory_space<hbm>> -> memref<25000xf32, #tpu.memory_space<hbm>>
    %dma_wait3A_355 = tpu.memref_slice %arg9[%dma_wait3A_353] : memref<4x!tpu.dma_semaphore, #tpu.memory_space<semaphore_mem>> -> memref<1x!tpu.dma_semaphore, #tpu.memory_space<semaphore_mem>>
    %dma_wait3A_356 = tpu.memref_squeeze %dma_wait3A_355 : memref<1x!tpu.dma_semaphore, #tpu.memory_space<semaphore_mem>> -> memref<!tpu.dma_semaphore, #tpu.memory_space<semaphore_mem>>
    %dma_wait3A_357 = tpu.memref_slice %arg3[%add3A_352] : memref<32000032xf32, #tpu.memory_space<hbm>> -> memref<25000xf32, #tpu.memory_space<hbm>>
    tpu.wait_dma2 semaphore(%dma_wait3A_356 : memref<!tpu.dma_semaphore, #tpu.memory_space<semaphore_mem>>) src(%arg7 : memref<25000xf32, #tpu.memory_space<vmem>>) dst(%dma_wait3A_357 : memref<25000xf32, #tpu.memory_space<hbm>>)
    %add3A_358 = arith.constant 375000 : i32
    %add3A_359 = arith.addi %mul3A_2, %add3A_358 : i32
    %dma_start3A_360 = arith.constant 3 : i32
    %dma_start3A_361 = tpu.memref_slice %arg2[%add3A_359] : memref<32000032xf32, #tpu.memory_space<hbm>> -> memref<25000xf32, #tpu.memory_space<hbm>>
    %dma_start3A_362 = tpu.memref_slice %arg8[%dma_start3A_360] : memref<4x!tpu.dma_semaphore, #tpu.memory_space<semaphore_mem>> -> memref<1x!tpu.dma_semaphore, #tpu.memory_space<semaphore_mem>>
    %dma_start3A_363 = tpu.memref_squeeze %dma_start3A_362 : memref<1x!tpu.dma_semaphore, #tpu.memory_space<semaphore_mem>> -> memref<!tpu.dma_semaphore, #tpu.memory_space<semaphore_mem>>
    %dma_start3A_364 = tpu.memref_slice %arg2[%add3A_359] : memref<32000032xf32, #tpu.memory_space<hbm>> -> memref<25000xf32, #tpu.memory_space<hbm>>
    tpu.enqueue_dma source(%dma_start3A_364 : memref<25000xf32, #tpu.memory_space<hbm>>) target(%arg7 : memref<25000xf32, #tpu.memory_space<vmem>>) target_semaphore(%dma_start3A_363 : memref<!tpu.dma_semaphore, #tpu.memory_space<semaphore_mem>>)
    %add3A_365 = arith.constant 300000 : i32
    %add3A_366 = arith.addi %mul3A_2, %add3A_365 : i32
    %dma_wait3A_367 = arith.constant 0 : i32
    %dma_wait3A_368 = tpu.memref_slice %arg2[%add3A_366] : memref<32000032xf32, #tpu.memory_space<hbm>> -> memref<25000xf32, #tpu.memory_space<hbm>>
    %dma_wait3A_369 = tpu.memref_slice %arg8[%dma_wait3A_367] : memref<4x!tpu.dma_semaphore, #tpu.memory_space<semaphore_mem>> -> memref<1x!tpu.dma_semaphore, #tpu.memory_space<semaphore_mem>>
    %dma_wait3A_370 = tpu.memref_squeeze %dma_wait3A_369 : memref<1x!tpu.dma_semaphore, #tpu.memory_space<semaphore_mem>> -> memref<!tpu.dma_semaphore, #tpu.memory_space<semaphore_mem>>
    %dma_wait3A_371 = tpu.memref_slice %arg2[%add3A_366] : memref<32000032xf32, #tpu.memory_space<hbm>> -> memref<25000xf32, #tpu.memory_space<hbm>>
    tpu.wait_dma2 semaphore(%dma_wait3A_370 : memref<!tpu.dma_semaphore, #tpu.memory_space<semaphore_mem>>) src(%dma_wait3A_371 : memref<25000xf32, #tpu.memory_space<hbm>>) dst(%arg4 : memref<25000xf32, #tpu.memory_space<vmem>>)
    %add3A_372 = arith.constant 300000 : i32
    %add3A_373 = arith.addi %mul3A_2, %add3A_372 : i32
    %dma_start3A_374 = arith.constant 0 : i32
    %dma_start3A_375 = tpu.memref_slice %arg3[%add3A_373] : memref<32000032xf32, #tpu.memory_space<hbm>> -> memref<25000xf32, #tpu.memory_space<hbm>>
    %dma_start3A_376 = tpu.memref_slice %arg9[%dma_start3A_374] : memref<4x!tpu.dma_semaphore, #tpu.memory_space<semaphore_mem>> -> memref<1x!tpu.dma_semaphore, #tpu.memory_space<semaphore_mem>>
    %dma_start3A_377 = tpu.memref_squeeze %dma_start3A_376 : memref<1x!tpu.dma_semaphore, #tpu.memory_space<semaphore_mem>> -> memref<!tpu.dma_semaphore, #tpu.memory_space<semaphore_mem>>
    %dma_start3A_378 = tpu.memref_slice %arg3[%add3A_373] : memref<32000032xf32, #tpu.memory_space<hbm>> -> memref<25000xf32, #tpu.memory_space<hbm>>
    tpu.enqueue_dma source(%arg4 : memref<25000xf32, #tpu.memory_space<vmem>>) target(%dma_start3A_378 : memref<25000xf32, #tpu.memory_space<hbm>>) target_semaphore(%dma_start3A_377 : memref<!tpu.dma_semaphore, #tpu.memory_space<semaphore_mem>>)
    %add3A_379 = arith.constant 300000 : i32
    %add3A_380 = arith.addi %mul3A_2, %add3A_379 : i32
    %dma_wait3A_381 = arith.constant 0 : i32
    %dma_wait3A_382 = tpu.memref_slice %arg3[%add3A_380] : memref<32000032xf32, #tpu.memory_space<hbm>> -> memref<25000xf32, #tpu.memory_space<hbm>>
    %dma_wait3A_383 = tpu.memref_slice %arg9[%dma_wait3A_381] : memref<4x!tpu.dma_semaphore, #tpu.memory_space<semaphore_mem>> -> memref<1x!tpu.dma_semaphore, #tpu.memory_space<semaphore_mem>>
    %dma_wait3A_384 = tpu.memref_squeeze %dma_wait3A_383 : memref<1x!tpu.dma_semaphore, #tpu.memory_space<semaphore_mem>> -> memref<!tpu.dma_semaphore, #tpu.memory_space<semaphore_mem>>
    %dma_wait3A_385 = tpu.memref_slice %arg3[%add3A_380] : memref<32000032xf32, #tpu.memory_space<hbm>> -> memref<25000xf32, #tpu.memory_space<hbm>>
    tpu.wait_dma2 semaphore(%dma_wait3A_384 : memref<!tpu.dma_semaphore, #tpu.memory_space<semaphore_mem>>) src(%arg4 : memref<25000xf32, #tpu.memory_space<vmem>>) dst(%dma_wait3A_385 : memref<25000xf32, #tpu.memory_space<hbm>>)
    %add3A_386 = arith.constant 400000 : i32
    %add3A_387 = arith.addi %mul3A_2, %add3A_386 : i32
    %dma_start3A_388 = arith.constant 0 : i32
    %dma_start3A_389 = tpu.memref_slice %arg2[%add3A_387] : memref<32000032xf32, #tpu.memory_space<hbm>> -> memref<25000xf32, #tpu.memory_space<hbm>>
    %dma_start3A_390 = tpu.memref_slice %arg8[%dma_start3A_388] : memref<4x!tpu.dma_semaphore, #tpu.memory_space<semaphore_mem>> -> memref<1x!tpu.dma_semaphore, #tpu.memory_space<semaphore_mem>>
    %dma_start3A_391 = tpu.memref_squeeze %dma_start3A_390 : memref<1x!tpu.dma_semaphore, #tpu.memory_space<semaphore_mem>> -> memref<!tpu.dma_semaphore, #tpu.memory_space<semaphore_mem>>
    %dma_start3A_392 = tpu.memref_slice %arg2[%add3A_387] : memref<32000032xf32, #tpu.memory_space<hbm>> -> memref<25000xf32, #tpu.memory_space<hbm>>
    tpu.enqueue_dma source(%dma_start3A_392 : memref<25000xf32, #tpu.memory_space<hbm>>) target(%arg4 : memref<25000xf32, #tpu.memory_space<vmem>>) target_semaphore(%dma_start3A_391 : memref<!tpu.dma_semaphore, #tpu.memory_space<semaphore_mem>>)
    %add3A_393 = arith.constant 325000 : i32
    %add3A_394 = arith.addi %mul3A_2, %add3A_393 : i32
    %dma_wait3A_395 = arith.constant 1 : i32
    %dma_wait3A_396 = tpu.memref_slice %arg2[%add3A_394] : memref<32000032xf32, #tpu.memory_space<hbm>> -> memref<25000xf32, #tpu.memory_space<hbm>>
    %dma_wait3A_397 = tpu.memref_slice %arg8[%dma_wait3A_395] : memref<4x!tpu.dma_semaphore, #tpu.memory_space<semaphore_mem>> -> memref<1x!tpu.dma_semaphore, #tpu.memory_space<semaphore_mem>>
    %dma_wait3A_398 = tpu.memref_squeeze %dma_wait3A_397 : memref<1x!tpu.dma_semaphore, #tpu.memory_space<semaphore_mem>> -> memref<!tpu.dma_semaphore, #tpu.memory_space<semaphore_mem>>
    %dma_wait3A_399 = tpu.memref_slice %arg2[%add3A_394] : memref<32000032xf32, #tpu.memory_space<hbm>> -> memref<25000xf32, #tpu.memory_space<hbm>>
    tpu.wait_dma2 semaphore(%dma_wait3A_398 : memref<!tpu.dma_semaphore, #tpu.memory_space<semaphore_mem>>) src(%dma_wait3A_399 : memref<25000xf32, #tpu.memory_space<hbm>>) dst(%arg5 : memref<25000xf32, #tpu.memory_space<vmem>>)
    %add3A_400 = arith.constant 325000 : i32
    %add3A_401 = arith.addi %mul3A_2, %add3A_400 : i32
    %dma_start3A_402 = arith.constant 1 : i32
    %dma_start3A_403 = tpu.memref_slice %arg3[%add3A_401] : memref<32000032xf32, #tpu.memory_space<hbm>> -> memref<25000xf32, #tpu.memory_space<hbm>>
    %dma_start3A_404 = tpu.memref_slice %arg9[%dma_start3A_402] : memref<4x!tpu.dma_semaphore, #tpu.memory_space<semaphore_mem>> -> memref<1x!tpu.dma_semaphore, #tpu.memory_space<semaphore_mem>>
    %dma_start3A_405 = tpu.memref_squeeze %dma_start3A_404 : memref<1x!tpu.dma_semaphore, #tpu.memory_space<semaphore_mem>> -> memref<!tpu.dma_semaphore, #tpu.memory_space<semaphore_mem>>
    %dma_start3A_406 = tpu.memref_slice %arg3[%add3A_401] : memref<32000032xf32, #tpu.memory_space<hbm>> -> memref<25000xf32, #tpu.memory_space<hbm>>
    tpu.enqueue_dma source(%arg5 : memref<25000xf32, #tpu.memory_space<vmem>>) target(%dma_start3A_406 : memref<25000xf32, #tpu.memory_space<hbm>>) target_semaphore(%dma_start3A_405 : memref<!tpu.dma_semaphore, #tpu.memory_space<semaphore_mem>>)
    %add3A_407 = arith.constant 325000 : i32
    %add3A_408 = arith.addi %mul3A_2, %add3A_407 : i32
    %dma_wait3A_409 = arith.constant 1 : i32
    %dma_wait3A_410 = tpu.memref_slice %arg3[%add3A_408] : memref<32000032xf32, #tpu.memory_space<hbm>> -> memref<25000xf32, #tpu.memory_space<hbm>>
    %dma_wait3A_411 = tpu.memref_slice %arg9[%dma_wait3A_409] : memref<4x!tpu.dma_semaphore, #tpu.memory_space<semaphore_mem>> -> memref<1x!tpu.dma_semaphore, #tpu.memory_space<semaphore_mem>>
    %dma_wait3A_412 = tpu.memref_squeeze %dma_wait3A_411 : memref<1x!tpu.dma_semaphore, #tpu.memory_space<semaphore_mem>> -> memref<!tpu.dma_semaphore, #tpu.memory_space<semaphore_mem>>
    %dma_wait3A_413 = tpu.memref_slice %arg3[%add3A_408] : memref<32000032xf32, #tpu.memory_space<hbm>> -> memref<25000xf32, #tpu.memory_space<hbm>>
    tpu.wait_dma2 semaphore(%dma_wait3A_412 : memref<!tpu.dma_semaphore, #tpu.memory_space<semaphore_mem>>) src(%arg5 : memref<25000xf32, #tpu.memory_space<vmem>>) dst(%dma_wait3A_413 : memref<25000xf32, #tpu.memory_space<hbm>>)
    %add3A_414 = arith.constant 425000 : i32
    %add3A_415 = arith.addi %mul3A_2, %add3A_414 : i32
    %dma_start3A_416 = arith.constant 1 : i32
    %dma_start3A_417 = tpu.memref_slice %arg2[%add3A_415] : memref<32000032xf32, #tpu.memory_space<hbm>> -> memref<25000xf32, #tpu.memory_space<hbm>>
    %dma_start3A_418 = tpu.memref_slice %arg8[%dma_start3A_416] : memref<4x!tpu.dma_semaphore, #tpu.memory_space<semaphore_mem>> -> memref<1x!tpu.dma_semaphore, #tpu.memory_space<semaphore_mem>>
    %dma_start3A_419 = tpu.memref_squeeze %dma_start3A_418 : memref<1x!tpu.dma_semaphore, #tpu.memory_space<semaphore_mem>> -> memref<!tpu.dma_semaphore, #tpu.memory_space<semaphore_mem>>
    %dma_start3A_420 = tpu.memref_slice %arg2[%add3A_415] : memref<32000032xf32, #tpu.memory_space<hbm>> -> memref<25000xf32, #tpu.memory_space<hbm>>
    tpu.enqueue_dma source(%dma_start3A_420 : memref<25000xf32, #tpu.memory_space<hbm>>) target(%arg5 : memref<25000xf32, #tpu.memory_space<vmem>>) target_semaphore(%dma_start3A_419 : memref<!tpu.dma_semaphore, #tpu.memory_space<semaphore_mem>>)
    %add3A_421 = arith.constant 350000 : i32
    %add3A_422 = arith.addi %mul3A_2, %add3A_421 : i32
    %dma_wait3A_423 = arith.constant 2 : i32
    %dma_wait3A_424 = tpu.memref_slice %arg2[%add3A_422] : memref<32000032xf32, #tpu.memory_space<hbm>> -> memref<25000xf32, #tpu.memory_space<hbm>>
    %dma_wait3A_425 = tpu.memref_slice %arg8[%dma_wait3A_423] : memref<4x!tpu.dma_semaphore, #tpu.memory_space<semaphore_mem>> -> memref<1x!tpu.dma_semaphore, #tpu.memory_space<semaphore_mem>>
    %dma_wait3A_426 = tpu.memref_squeeze %dma_wait3A_425 : memref<1x!tpu.dma_semaphore, #tpu.memory_space<semaphore_mem>> -> memref<!tpu.dma_semaphore, #tpu.memory_space<semaphore_mem>>
    %dma_wait3A_427 = tpu.memref_slice %arg2[%add3A_422] : memref<32000032xf32, #tpu.memory_space<hbm>> -> memref<25000xf32, #tpu.memory_space<hbm>>
    tpu.wait_dma2 semaphore(%dma_wait3A_426 : memref<!tpu.dma_semaphore, #tpu.memory_space<semaphore_mem>>) src(%dma_wait3A_427 : memref<25000xf32, #tpu.memory_space<hbm>>) dst(%arg6 : memref<25000xf32, #tpu.memory_space<vmem>>)
    %add3A_428 = arith.constant 350000 : i32
    %add3A_429 = arith.addi %mul3A_2, %add3A_428 : i32
    %dma_start3A_430 = arith.constant 2 : i32
    %dma_start3A_431 = tpu.memref_slice %arg3[%add3A_429] : memref<32000032xf32, #tpu.memory_space<hbm>> -> memref<25000xf32, #tpu.memory_space<hbm>>
    %dma_start3A_432 = tpu.memref_slice %arg9[%dma_start3A_430] : memref<4x!tpu.dma_semaphore, #tpu.memory_space<semaphore_mem>> -> memref<1x!tpu.dma_semaphore, #tpu.memory_space<semaphore_mem>>
    %dma_start3A_433 = tpu.memref_squeeze %dma_start3A_432 : memref<1x!tpu.dma_semaphore, #tpu.memory_space<semaphore_mem>> -> memref<!tpu.dma_semaphore, #tpu.memory_space<semaphore_mem>>
    %dma_start3A_434 = tpu.memref_slice %arg3[%add3A_429] : memref<32000032xf32, #tpu.memory_space<hbm>> -> memref<25000xf32, #tpu.memory_space<hbm>>
    tpu.enqueue_dma source(%arg6 : memref<25000xf32, #tpu.memory_space<vmem>>) target(%dma_start3A_434 : memref<25000xf32, #tpu.memory_space<hbm>>) target_semaphore(%dma_start3A_433 : memref<!tpu.dma_semaphore, #tpu.memory_space<semaphore_mem>>)
    %add3A_435 = arith.constant 350000 : i32
    %add3A_436 = arith.addi %mul3A_2, %add3A_435 : i32
    %dma_wait3A_437 = arith.constant 2 : i32
    %dma_wait3A_438 = tpu.memref_slice %arg3[%add3A_436] : memref<32000032xf32, #tpu.memory_space<hbm>> -> memref<25000xf32, #tpu.memory_space<hbm>>
    %dma_wait3A_439 = tpu.memref_slice %arg9[%dma_wait3A_437] : memref<4x!tpu.dma_semaphore, #tpu.memory_space<semaphore_mem>> -> memref<1x!tpu.dma_semaphore, #tpu.memory_space<semaphore_mem>>
    %dma_wait3A_440 = tpu.memref_squeeze %dma_wait3A_439 : memref<1x!tpu.dma_semaphore, #tpu.memory_space<semaphore_mem>> -> memref<!tpu.dma_semaphore, #tpu.memory_space<semaphore_mem>>
    %dma_wait3A_441 = tpu.memref_slice %arg3[%add3A_436] : memref<32000032xf32, #tpu.memory_space<hbm>> -> memref<25000xf32, #tpu.memory_space<hbm>>
    tpu.wait_dma2 semaphore(%dma_wait3A_440 : memref<!tpu.dma_semaphore, #tpu.memory_space<semaphore_mem>>) src(%arg6 : memref<25000xf32, #tpu.memory_space<vmem>>) dst(%dma_wait3A_441 : memref<25000xf32, #tpu.memory_space<hbm>>)
    %add3A_442 = arith.constant 450000 : i32
    %add3A_443 = arith.addi %mul3A_2, %add3A_442 : i32
    %dma_start3A_444 = arith.constant 2 : i32
    %dma_start3A_445 = tpu.memref_slice %arg2[%add3A_443] : memref<32000032xf32, #tpu.memory_space<hbm>> -> memref<25000xf32, #tpu.memory_space<hbm>>
    %dma_start3A_446 = tpu.memref_slice %arg8[%dma_start3A_444] : memref<4x!tpu.dma_semaphore, #tpu.memory_space<semaphore_mem>> -> memref<1x!tpu.dma_semaphore, #tpu.memory_space<semaphore_mem>>
    %dma_start3A_447 = tpu.memref_squeeze %dma_start3A_446 : memref<1x!tpu.dma_semaphore, #tpu.memory_space<semaphore_mem>> -> memref<!tpu.dma_semaphore, #tpu.memory_space<semaphore_mem>>
    %dma_start3A_448 = tpu.memref_slice %arg2[%add3A_443] : memref<32000032xf32, #tpu.memory_space<hbm>> -> memref<25000xf32, #tpu.memory_space<hbm>>
    tpu.enqueue_dma source(%dma_start3A_448 : memref<25000xf32, #tpu.memory_space<hbm>>) target(%arg6 : memref<25000xf32, #tpu.memory_space<vmem>>) target_semaphore(%dma_start3A_447 : memref<!tpu.dma_semaphore, #tpu.memory_space<semaphore_mem>>)
    %add3A_449 = arith.constant 375000 : i32
    %add3A_450 = arith.addi %mul3A_2, %add3A_449 : i32
    %dma_wait3A_451 = arith.constant 3 : i32
    %dma_wait3A_452 = tpu.memref_slice %arg2[%add3A_450] : memref<32000032xf32, #tpu.memory_space<hbm>> -> memref<25000xf32, #tpu.memory_space<hbm>>
    %dma_wait3A_453 = tpu.memref_slice %arg8[%dma_wait3A_451] : memref<4x!tpu.dma_semaphore, #tpu.memory_space<semaphore_mem>> -> memref<1x!tpu.dma_semaphore, #tpu.memory_space<semaphore_mem>>
    %dma_wait3A_454 = tpu.memref_squeeze %dma_wait3A_453 : memref<1x!tpu.dma_semaphore, #tpu.memory_space<semaphore_mem>> -> memref<!tpu.dma_semaphore, #tpu.memory_space<semaphore_mem>>
    %dma_wait3A_455 = tpu.memref_slice %arg2[%add3A_450] : memref<32000032xf32, #tpu.memory_space<hbm>> -> memref<25000xf32, #tpu.memory_space<hbm>>
    tpu.wait_dma2 semaphore(%dma_wait3A_454 : memref<!tpu.dma_semaphore, #tpu.memory_space<semaphore_mem>>) src(%dma_wait3A_455 : memref<25000xf32, #tpu.memory_space<hbm>>) dst(%arg7 : memref<25000xf32, #tpu.memory_space<vmem>>)
    %add3A_456 = arith.constant 375000 : i32
    %add3A_457 = arith.addi %mul3A_2, %add3A_456 : i32
    %dma_start3A_458 = arith.constant 3 : i32
    %dma_start3A_459 = tpu.memref_slice %arg3[%add3A_457] : memref<32000032xf32, #tpu.memory_space<hbm>> -> memref<25000xf32, #tpu.memory_space<hbm>>
    %dma_start3A_460 = tpu.memref_slice %arg9[%dma_start3A_458] : memref<4x!tpu.dma_semaphore, #tpu.memory_space<semaphore_mem>> -> memref<1x!tpu.dma_semaphore, #tpu.memory_space<semaphore_mem>>
    %dma_start3A_461 = tpu.memref_squeeze %dma_start3A_460 : memref<1x!tpu.dma_semaphore, #tpu.memory_space<semaphore_mem>> -> memref<!tpu.dma_semaphore, #tpu.memory_space<semaphore_mem>>
    %dma_start3A_462 = tpu.memref_slice %arg3[%add3A_457] : memref<32000032xf32, #tpu.memory_space<hbm>> -> memref<25000xf32, #tpu.memory_space<hbm>>
    tpu.enqueue_dma source(%arg7 : memref<25000xf32, #tpu.memory_space<vmem>>) target(%dma_start3A_462 : memref<25000xf32, #tpu.memory_space<hbm>>) target_semaphore(%dma_start3A_461 : memref<!tpu.dma_semaphore, #tpu.memory_space<semaphore_mem>>)
    %add3A_463 = arith.constant 375000 : i32
    %add3A_464 = arith.addi %mul3A_2, %add3A_463 : i32
    %dma_wait3A_465 = arith.constant 3 : i32
    %dma_wait3A_466 = tpu.memref_slice %arg3[%add3A_464] : memref<32000032xf32, #tpu.memory_space<hbm>> -> memref<25000xf32, #tpu.memory_space<hbm>>
    %dma_wait3A_467 = tpu.memref_slice %arg9[%dma_wait3A_465] : memref<4x!tpu.dma_semaphore, #tpu.memory_space<semaphore_mem>> -> memref<1x!tpu.dma_semaphore, #tpu.memory_space<semaphore_mem>>
    %dma_wait3A_468 = tpu.memref_squeeze %dma_wait3A_467 : memref<1x!tpu.dma_semaphore, #tpu.memory_space<semaphore_mem>> -> memref<!tpu.dma_semaphore, #tpu.memory_space<semaphore_mem>>
    %dma_wait3A_469 = tpu.memref_slice %arg3[%add3A_464] : memref<32000032xf32, #tpu.memory_space<hbm>> -> memref<25000xf32, #tpu.memory_space<hbm>>
    tpu.wait_dma2 semaphore(%dma_wait3A_468 : memref<!tpu.dma_semaphore, #tpu.memory_space<semaphore_mem>>) src(%arg7 : memref<25000xf32, #tpu.memory_space<vmem>>) dst(%dma_wait3A_469 : memref<25000xf32, #tpu.memory_space<hbm>>)
    %add3A_470 = arith.constant 475000 : i32
    %add3A_471 = arith.addi %mul3A_2, %add3A_470 : i32
    %dma_start3A_472 = arith.constant 3 : i32
    %dma_start3A_473 = tpu.memref_slice %arg2[%add3A_471] : memref<32000032xf32, #tpu.memory_space<hbm>> -> memref<25000xf32, #tpu.memory_space<hbm>>
    %dma_start3A_474 = tpu.memref_slice %arg8[%dma_start3A_472] : memref<4x!tpu.dma_semaphore, #tpu.memory_space<semaphore_mem>> -> memref<1x!tpu.dma_semaphore, #tpu.memory_space<semaphore_mem>>
    %dma_start3A_475 = tpu.memref_squeeze %dma_start3A_474 : memref<1x!tpu.dma_semaphore, #tpu.memory_space<semaphore_mem>> -> memref<!tpu.dma_semaphore, #tpu.memory_space<semaphore_mem>>
    %dma_start3A_476 = tpu.memref_slice %arg2[%add3A_471] : memref<32000032xf32, #tpu.memory_space<hbm>> -> memref<25000xf32, #tpu.memory_space<hbm>>
    tpu.enqueue_dma source(%dma_start3A_476 : memref<25000xf32, #tpu.memory_space<hbm>>) target(%arg7 : memref<25000xf32, #tpu.memory_space<vmem>>) target_semaphore(%dma_start3A_475 : memref<!tpu.dma_semaphore, #tpu.memory_space<semaphore_mem>>)
    %add3A_477 = arith.constant 400000 : i32
    %add3A_478 = arith.addi %mul3A_2, %add3A_477 : i32
    %dma_wait3A_479 = arith.constant 0 : i32
    %dma_wait3A_480 = tpu.memref_slice %arg2[%add3A_478] : memref<32000032xf32, #tpu.memory_space<hbm>> -> memref<25000xf32, #tpu.memory_space<hbm>>
    %dma_wait3A_481 = tpu.memref_slice %arg8[%dma_wait3A_479] : memref<4x!tpu.dma_semaphore, #tpu.memory_space<semaphore_mem>> -> memref<1x!tpu.dma_semaphore, #tpu.memory_space<semaphore_mem>>
    %dma_wait3A_482 = tpu.memref_squeeze %dma_wait3A_481 : memref<1x!tpu.dma_semaphore, #tpu.memory_space<semaphore_mem>> -> memref<!tpu.dma_semaphore, #tpu.memory_space<semaphore_mem>>
    %dma_wait3A_483 = tpu.memref_slice %arg2[%add3A_478] : memref<32000032xf32, #tpu.memory_space<hbm>> -> memref<25000xf32, #tpu.memory_space<hbm>>
    tpu.wait_dma2 semaphore(%dma_wait3A_482 : memref<!tpu.dma_semaphore, #tpu.memory_space<semaphore_mem>>) src(%dma_wait3A_483 : memref<25000xf32, #tpu.memory_space<hbm>>) dst(%arg4 : memref<25000xf32, #tpu.memory_space<vmem>>)
    %add3A_484 = arith.constant 400000 : i32
    %add3A_485 = arith.addi %mul3A_2, %add3A_484 : i32
    %dma_start3A_486 = arith.constant 0 : i32
    %dma_start3A_487 = tpu.memref_slice %arg3[%add3A_485] : memref<32000032xf32, #tpu.memory_space<hbm>> -> memref<25000xf32, #tpu.memory_space<hbm>>
    %dma_start3A_488 = tpu.memref_slice %arg9[%dma_start3A_486] : memref<4x!tpu.dma_semaphore, #tpu.memory_space<semaphore_mem>> -> memref<1x!tpu.dma_semaphore, #tpu.memory_space<semaphore_mem>>
    %dma_start3A_489 = tpu.memref_squeeze %dma_start3A_488 : memref<1x!tpu.dma_semaphore, #tpu.memory_space<semaphore_mem>> -> memref<!tpu.dma_semaphore, #tpu.memory_space<semaphore_mem>>
    %dma_start3A_490 = tpu.memref_slice %arg3[%add3A_485] : memref<32000032xf32, #tpu.memory_space<hbm>> -> memref<25000xf32, #tpu.memory_space<hbm>>
    tpu.enqueue_dma source(%arg4 : memref<25000xf32, #tpu.memory_space<vmem>>) target(%dma_start3A_490 : memref<25000xf32, #tpu.memory_space<hbm>>) target_semaphore(%dma_start3A_489 : memref<!tpu.dma_semaphore, #tpu.memory_space<semaphore_mem>>)
    %add3A_491 = arith.constant 400000 : i32
    %add3A_492 = arith.addi %mul3A_2, %add3A_491 : i32
    %dma_wait3A_493 = arith.constant 0 : i32
    %dma_wait3A_494 = tpu.memref_slice %arg3[%add3A_492] : memref<32000032xf32, #tpu.memory_space<hbm>> -> memref<25000xf32, #tpu.memory_space<hbm>>
    %dma_wait3A_495 = tpu.memref_slice %arg9[%dma_wait3A_493] : memref<4x!tpu.dma_semaphore, #tpu.memory_space<semaphore_mem>> -> memref<1x!tpu.dma_semaphore, #tpu.memory_space<semaphore_mem>>
    %dma_wait3A_496 = tpu.memref_squeeze %dma_wait3A_495 : memref<1x!tpu.dma_semaphore, #tpu.memory_space<semaphore_mem>> -> memref<!tpu.dma_semaphore, #tpu.memory_space<semaphore_mem>>
    %dma_wait3A_497 = tpu.memref_slice %arg3[%add3A_492] : memref<32000032xf32, #tpu.memory_space<hbm>> -> memref<25000xf32, #tpu.memory_space<hbm>>
    tpu.wait_dma2 semaphore(%dma_wait3A_496 : memref<!tpu.dma_semaphore, #tpu.memory_space<semaphore_mem>>) src(%arg4 : memref<25000xf32, #tpu.memory_space<vmem>>) dst(%dma_wait3A_497 : memref<25000xf32, #tpu.memory_space<hbm>>)
    %add3A_498 = arith.constant 500000 : i32
    %add3A_499 = arith.addi %mul3A_2, %add3A_498 : i32
    %dma_start3A_500 = arith.constant 0 : i32
    %dma_start3A_501 = tpu.memref_slice %arg2[%add3A_499] : memref<32000032xf32, #tpu.memory_space<hbm>> -> memref<25000xf32, #tpu.memory_space<hbm>>
    %dma_start3A_502 = tpu.memref_slice %arg8[%dma_start3A_500] : memref<4x!tpu.dma_semaphore, #tpu.memory_space<semaphore_mem>> -> memref<1x!tpu.dma_semaphore, #tpu.memory_space<semaphore_mem>>
    %dma_start3A_503 = tpu.memref_squeeze %dma_start3A_502 : memref<1x!tpu.dma_semaphore, #tpu.memory_space<semaphore_mem>> -> memref<!tpu.dma_semaphore, #tpu.memory_space<semaphore_mem>>
    %dma_start3A_504 = tpu.memref_slice %arg2[%add3A_499] : memref<32000032xf32, #tpu.memory_space<hbm>> -> memref<25000xf32, #tpu.memory_space<hbm>>
    tpu.enqueue_dma source(%dma_start3A_504 : memref<25000xf32, #tpu.memory_space<hbm>>) target(%arg4 : memref<25000xf32, #tpu.memory_space<vmem>>) target_semaphore(%dma_start3A_503 : memref<!tpu.dma_semaphore, #tpu.memory_space<semaphore_mem>>)
    %add3A_505 = arith.constant 425000 : i32
    %add3A_506 = arith.addi %mul3A_2, %add3A_505 : i32
    %dma_wait3A_507 = arith.constant 1 : i32
    %dma_wait3A_508 = tpu.memref_slice %arg2[%add3A_506] : memref<32000032xf32, #tpu.memory_space<hbm>> -> memref<25000xf32, #tpu.memory_space<hbm>>
    %dma_wait3A_509 = tpu.memref_slice %arg8[%dma_wait3A_507] : memref<4x!tpu.dma_semaphore, #tpu.memory_space<semaphore_mem>> -> memref<1x!tpu.dma_semaphore, #tpu.memory_space<semaphore_mem>>
    %dma_wait3A_510 = tpu.memref_squeeze %dma_wait3A_509 : memref<1x!tpu.dma_semaphore, #tpu.memory_space<semaphore_mem>> -> memref<!tpu.dma_semaphore, #tpu.memory_space<semaphore_mem>>
    %dma_wait3A_511 = tpu.memref_slice %arg2[%add3A_506] : memref<32000032xf32, #tpu.memory_space<hbm>> -> memref<25000xf32, #tpu.memory_space<hbm>>
    tpu.wait_dma2 semaphore(%dma_wait3A_510 : memref<!tpu.dma_semaphore, #tpu.memory_space<semaphore_mem>>) src(%dma_wait3A_511 : memref<25000xf32, #tpu.memory_space<hbm>>) dst(%arg5 : memref<25000xf32, #tpu.memory_space<vmem>>)
    %add3A_512 = arith.constant 425000 : i32
    %add3A_513 = arith.addi %mul3A_2, %add3A_512 : i32
    %dma_start3A_514 = arith.constant 1 : i32
    %dma_start3A_515 = tpu.memref_slice %arg3[%add3A_513] : memref<32000032xf32, #tpu.memory_space<hbm>> -> memref<25000xf32, #tpu.memory_space<hbm>>
    %dma_start3A_516 = tpu.memref_slice %arg9[%dma_start3A_514] : memref<4x!tpu.dma_semaphore, #tpu.memory_space<semaphore_mem>> -> memref<1x!tpu.dma_semaphore, #tpu.memory_space<semaphore_mem>>
    %dma_start3A_517 = tpu.memref_squeeze %dma_start3A_516 : memref<1x!tpu.dma_semaphore, #tpu.memory_space<semaphore_mem>> -> memref<!tpu.dma_semaphore, #tpu.memory_space<semaphore_mem>>
    %dma_start3A_518 = tpu.memref_slice %arg3[%add3A_513] : memref<32000032xf32, #tpu.memory_space<hbm>> -> memref<25000xf32, #tpu.memory_space<hbm>>
    tpu.enqueue_dma source(%arg5 : memref<25000xf32, #tpu.memory_space<vmem>>) target(%dma_start3A_518 : memref<25000xf32, #tpu.memory_space<hbm>>) target_semaphore(%dma_start3A_517 : memref<!tpu.dma_semaphore, #tpu.memory_space<semaphore_mem>>)
    %add3A_519 = arith.constant 425000 : i32
    %add3A_520 = arith.addi %mul3A_2, %add3A_519 : i32
    %dma_wait3A_521 = arith.constant 1 : i32
    %dma_wait3A_522 = tpu.memref_slice %arg3[%add3A_520] : memref<32000032xf32, #tpu.memory_space<hbm>> -> memref<25000xf32, #tpu.memory_space<hbm>>
    %dma_wait3A_523 = tpu.memref_slice %arg9[%dma_wait3A_521] : memref<4x!tpu.dma_semaphore, #tpu.memory_space<semaphore_mem>> -> memref<1x!tpu.dma_semaphore, #tpu.memory_space<semaphore_mem>>
    %dma_wait3A_524 = tpu.memref_squeeze %dma_wait3A_523 : memref<1x!tpu.dma_semaphore, #tpu.memory_space<semaphore_mem>> -> memref<!tpu.dma_semaphore, #tpu.memory_space<semaphore_mem>>
    %dma_wait3A_525 = tpu.memref_slice %arg3[%add3A_520] : memref<32000032xf32, #tpu.memory_space<hbm>> -> memref<25000xf32, #tpu.memory_space<hbm>>
    tpu.wait_dma2 semaphore(%dma_wait3A_524 : memref<!tpu.dma_semaphore, #tpu.memory_space<semaphore_mem>>) src(%arg5 : memref<25000xf32, #tpu.memory_space<vmem>>) dst(%dma_wait3A_525 : memref<25000xf32, #tpu.memory_space<hbm>>)
    %add3A_526 = arith.constant 525000 : i32
    %add3A_527 = arith.addi %mul3A_2, %add3A_526 : i32
    %dma_start3A_528 = arith.constant 1 : i32
    %dma_start3A_529 = tpu.memref_slice %arg2[%add3A_527] : memref<32000032xf32, #tpu.memory_space<hbm>> -> memref<25000xf32, #tpu.memory_space<hbm>>
    %dma_start3A_530 = tpu.memref_slice %arg8[%dma_start3A_528] : memref<4x!tpu.dma_semaphore, #tpu.memory_space<semaphore_mem>> -> memref<1x!tpu.dma_semaphore, #tpu.memory_space<semaphore_mem>>
    %dma_start3A_531 = tpu.memref_squeeze %dma_start3A_530 : memref<1x!tpu.dma_semaphore, #tpu.memory_space<semaphore_mem>> -> memref<!tpu.dma_semaphore, #tpu.memory_space<semaphore_mem>>
    %dma_start3A_532 = tpu.memref_slice %arg2[%add3A_527] : memref<32000032xf32, #tpu.memory_space<hbm>> -> memref<25000xf32, #tpu.memory_space<hbm>>
    tpu.enqueue_dma source(%dma_start3A_532 : memref<25000xf32, #tpu.memory_space<hbm>>) target(%arg5 : memref<25000xf32, #tpu.memory_space<vmem>>) target_semaphore(%dma_start3A_531 : memref<!tpu.dma_semaphore, #tpu.memory_space<semaphore_mem>>)
    %add3A_533 = arith.constant 450000 : i32
    %add3A_534 = arith.addi %mul3A_2, %add3A_533 : i32
    %dma_wait3A_535 = arith.constant 2 : i32
    %dma_wait3A_536 = tpu.memref_slice %arg2[%add3A_534] : memref<32000032xf32, #tpu.memory_space<hbm>> -> memref<25000xf32, #tpu.memory_space<hbm>>
    %dma_wait3A_537 = tpu.memref_slice %arg8[%dma_wait3A_535] : memref<4x!tpu.dma_semaphore, #tpu.memory_space<semaphore_mem>> -> memref<1x!tpu.dma_semaphore, #tpu.memory_space<semaphore_mem>>
    %dma_wait3A_538 = tpu.memref_squeeze %dma_wait3A_537 : memref<1x!tpu.dma_semaphore, #tpu.memory_space<semaphore_mem>> -> memref<!tpu.dma_semaphore, #tpu.memory_space<semaphore_mem>>
    %dma_wait3A_539 = tpu.memref_slice %arg2[%add3A_534] : memref<32000032xf32, #tpu.memory_space<hbm>> -> memref<25000xf32, #tpu.memory_space<hbm>>
    tpu.wait_dma2 semaphore(%dma_wait3A_538 : memref<!tpu.dma_semaphore, #tpu.memory_space<semaphore_mem>>) src(%dma_wait3A_539 : memref<25000xf32, #tpu.memory_space<hbm>>) dst(%arg6 : memref<25000xf32, #tpu.memory_space<vmem>>)
    %add3A_540 = arith.constant 450000 : i32
    %add3A_541 = arith.addi %mul3A_2, %add3A_540 : i32
    %dma_start3A_542 = arith.constant 2 : i32
    %dma_start3A_543 = tpu.memref_slice %arg3[%add3A_541] : memref<32000032xf32, #tpu.memory_space<hbm>> -> memref<25000xf32, #tpu.memory_space<hbm>>
    %dma_start3A_544 = tpu.memref_slice %arg9[%dma_start3A_542] : memref<4x!tpu.dma_semaphore, #tpu.memory_space<semaphore_mem>> -> memref<1x!tpu.dma_semaphore, #tpu.memory_space<semaphore_mem>>
    %dma_start3A_545 = tpu.memref_squeeze %dma_start3A_544 : memref<1x!tpu.dma_semaphore, #tpu.memory_space<semaphore_mem>> -> memref<!tpu.dma_semaphore, #tpu.memory_space<semaphore_mem>>
    %dma_start3A_546 = tpu.memref_slice %arg3[%add3A_541] : memref<32000032xf32, #tpu.memory_space<hbm>> -> memref<25000xf32, #tpu.memory_space<hbm>>
    tpu.enqueue_dma source(%arg6 : memref<25000xf32, #tpu.memory_space<vmem>>) target(%dma_start3A_546 : memref<25000xf32, #tpu.memory_space<hbm>>) target_semaphore(%dma_start3A_545 : memref<!tpu.dma_semaphore, #tpu.memory_space<semaphore_mem>>)
    %add3A_547 = arith.constant 450000 : i32
    %add3A_548 = arith.addi %mul3A_2, %add3A_547 : i32
    %dma_wait3A_549 = arith.constant 2 : i32
    %dma_wait3A_550 = tpu.memref_slice %arg3[%add3A_548] : memref<32000032xf32, #tpu.memory_space<hbm>> -> memref<25000xf32, #tpu.memory_space<hbm>>
    %dma_wait3A_551 = tpu.memref_slice %arg9[%dma_wait3A_549] : memref<4x!tpu.dma_semaphore, #tpu.memory_space<semaphore_mem>> -> memref<1x!tpu.dma_semaphore, #tpu.memory_space<semaphore_mem>>
    %dma_wait3A_552 = tpu.memref_squeeze %dma_wait3A_551 : memref<1x!tpu.dma_semaphore, #tpu.memory_space<semaphore_mem>> -> memref<!tpu.dma_semaphore, #tpu.memory_space<semaphore_mem>>
    %dma_wait3A_553 = tpu.memref_slice %arg3[%add3A_548] : memref<32000032xf32, #tpu.memory_space<hbm>> -> memref<25000xf32, #tpu.memory_space<hbm>>
    tpu.wait_dma2 semaphore(%dma_wait3A_552 : memref<!tpu.dma_semaphore, #tpu.memory_space<semaphore_mem>>) src(%arg6 : memref<25000xf32, #tpu.memory_space<vmem>>) dst(%dma_wait3A_553 : memref<25000xf32, #tpu.memory_space<hbm>>)
    %add3A_554 = arith.constant 550000 : i32
    %add3A_555 = arith.addi %mul3A_2, %add3A_554 : i32
    %dma_start3A_556 = arith.constant 2 : i32
    %dma_start3A_557 = tpu.memref_slice %arg2[%add3A_555] : memref<32000032xf32, #tpu.memory_space<hbm>> -> memref<25000xf32, #tpu.memory_space<hbm>>
    %dma_start3A_558 = tpu.memref_slice %arg8[%dma_start3A_556] : memref<4x!tpu.dma_semaphore, #tpu.memory_space<semaphore_mem>> -> memref<1x!tpu.dma_semaphore, #tpu.memory_space<semaphore_mem>>
    %dma_start3A_559 = tpu.memref_squeeze %dma_start3A_558 : memref<1x!tpu.dma_semaphore, #tpu.memory_space<semaphore_mem>> -> memref<!tpu.dma_semaphore, #tpu.memory_space<semaphore_mem>>
    %dma_start3A_560 = tpu.memref_slice %arg2[%add3A_555] : memref<32000032xf32, #tpu.memory_space<hbm>> -> memref<25000xf32, #tpu.memory_space<hbm>>
    tpu.enqueue_dma source(%dma_start3A_560 : memref<25000xf32, #tpu.memory_space<hbm>>) target(%arg6 : memref<25000xf32, #tpu.memory_space<vmem>>) target_semaphore(%dma_start3A_559 : memref<!tpu.dma_semaphore, #tpu.memory_space<semaphore_mem>>)
    %add3A_561 = arith.constant 475000 : i32
    %add3A_562 = arith.addi %mul3A_2, %add3A_561 : i32
    %dma_wait3A_563 = arith.constant 3 : i32
    %dma_wait3A_564 = tpu.memref_slice %arg2[%add3A_562] : memref<32000032xf32, #tpu.memory_space<hbm>> -> memref<25000xf32, #tpu.memory_space<hbm>>
    %dma_wait3A_565 = tpu.memref_slice %arg8[%dma_wait3A_563] : memref<4x!tpu.dma_semaphore, #tpu.memory_space<semaphore_mem>> -> memref<1x!tpu.dma_semaphore, #tpu.memory_space<semaphore_mem>>
    %dma_wait3A_566 = tpu.memref_squeeze %dma_wait3A_565 : memref<1x!tpu.dma_semaphore, #tpu.memory_space<semaphore_mem>> -> memref<!tpu.dma_semaphore, #tpu.memory_space<semaphore_mem>>
    %dma_wait3A_567 = tpu.memref_slice %arg2[%add3A_562] : memref<32000032xf32, #tpu.memory_space<hbm>> -> memref<25000xf32, #tpu.memory_space<hbm>>
    tpu.wait_dma2 semaphore(%dma_wait3A_566 : memref<!tpu.dma_semaphore, #tpu.memory_space<semaphore_mem>>) src(%dma_wait3A_567 : memref<25000xf32, #tpu.memory_space<hbm>>) dst(%arg7 : memref<25000xf32, #tpu.memory_space<vmem>>)
    %add3A_568 = arith.constant 475000 : i32
    %add3A_569 = arith.addi %mul3A_2, %add3A_568 : i32
    %dma_start3A_570 = arith.constant 3 : i32
    %dma_start3A_571 = tpu.memref_slice %arg3[%add3A_569] : memref<32000032xf32, #tpu.memory_space<hbm>> -> memref<25000xf32, #tpu.memory_space<hbm>>
    %dma_start3A_572 = tpu.memref_slice %arg9[%dma_start3A_570] : memref<4x!tpu.dma_semaphore, #tpu.memory_space<semaphore_mem>> -> memref<1x!tpu.dma_semaphore, #tpu.memory_space<semaphore_mem>>
    %dma_start3A_573 = tpu.memref_squeeze %dma_start3A_572 : memref<1x!tpu.dma_semaphore, #tpu.memory_space<semaphore_mem>> -> memref<!tpu.dma_semaphore, #tpu.memory_space<semaphore_mem>>
    %dma_start3A_574 = tpu.memref_slice %arg3[%add3A_569] : memref<32000032xf32, #tpu.memory_space<hbm>> -> memref<25000xf32, #tpu.memory_space<hbm>>
    tpu.enqueue_dma source(%arg7 : memref<25000xf32, #tpu.memory_space<vmem>>) target(%dma_start3A_574 : memref<25000xf32, #tpu.memory_space<hbm>>) target_semaphore(%dma_start3A_573 : memref<!tpu.dma_semaphore, #tpu.memory_space<semaphore_mem>>)
    %add3A_575 = arith.constant 475000 : i32
    %add3A_576 = arith.addi %mul3A_2, %add3A_575 : i32
    %dma_wait3A_577 = arith.constant 3 : i32
    %dma_wait3A_578 = tpu.memref_slice %arg3[%add3A_576] : memref<32000032xf32, #tpu.memory_space<hbm>> -> memref<25000xf32, #tpu.memory_space<hbm>>
    %dma_wait3A_579 = tpu.memref_slice %arg9[%dma_wait3A_577] : memref<4x!tpu.dma_semaphore, #tpu.memory_space<semaphore_mem>> -> memref<1x!tpu.dma_semaphore, #tpu.memory_space<semaphore_mem>>
    %dma_wait3A_580 = tpu.memref_squeeze %dma_wait3A_579 : memref<1x!tpu.dma_semaphore, #tpu.memory_space<semaphore_mem>> -> memref<!tpu.dma_semaphore, #tpu.memory_space<semaphore_mem>>
    %dma_wait3A_581 = tpu.memref_slice %arg3[%add3A_576] : memref<32000032xf32, #tpu.memory_space<hbm>> -> memref<25000xf32, #tpu.memory_space<hbm>>
    tpu.wait_dma2 semaphore(%dma_wait3A_580 : memref<!tpu.dma_semaphore, #tpu.memory_space<semaphore_mem>>) src(%arg7 : memref<25000xf32, #tpu.memory_space<vmem>>) dst(%dma_wait3A_581 : memref<25000xf32, #tpu.memory_space<hbm>>)
    %add3A_582 = arith.constant 575000 : i32
    %add3A_583 = arith.addi %mul3A_2, %add3A_582 : i32
    %dma_start3A_584 = arith.constant 3 : i32
    %dma_start3A_585 = tpu.memref_slice %arg2[%add3A_583] : memref<32000032xf32, #tpu.memory_space<hbm>> -> memref<25000xf32, #tpu.memory_space<hbm>>
    %dma_start3A_586 = tpu.memref_slice %arg8[%dma_start3A_584] : memref<4x!tpu.dma_semaphore, #tpu.memory_space<semaphore_mem>> -> memref<1x!tpu.dma_semaphore, #tpu.memory_space<semaphore_mem>>
    %dma_start3A_587 = tpu.memref_squeeze %dma_start3A_586 : memref<1x!tpu.dma_semaphore, #tpu.memory_space<semaphore_mem>> -> memref<!tpu.dma_semaphore, #tpu.memory_space<semaphore_mem>>
    %dma_start3A_588 = tpu.memref_slice %arg2[%add3A_583] : memref<32000032xf32, #tpu.memory_space<hbm>> -> memref<25000xf32, #tpu.memory_space<hbm>>
    tpu.enqueue_dma source(%dma_start3A_588 : memref<25000xf32, #tpu.memory_space<hbm>>) target(%arg7 : memref<25000xf32, #tpu.memory_space<vmem>>) target_semaphore(%dma_start3A_587 : memref<!tpu.dma_semaphore, #tpu.memory_space<semaphore_mem>>)
    %add3A_589 = arith.constant 500000 : i32
    %add3A_590 = arith.addi %mul3A_2, %add3A_589 : i32
    %dma_wait3A_591 = arith.constant 0 : i32
    %dma_wait3A_592 = tpu.memref_slice %arg2[%add3A_590] : memref<32000032xf32, #tpu.memory_space<hbm>> -> memref<25000xf32, #tpu.memory_space<hbm>>
    %dma_wait3A_593 = tpu.memref_slice %arg8[%dma_wait3A_591] : memref<4x!tpu.dma_semaphore, #tpu.memory_space<semaphore_mem>> -> memref<1x!tpu.dma_semaphore, #tpu.memory_space<semaphore_mem>>
    %dma_wait3A_594 = tpu.memref_squeeze %dma_wait3A_593 : memref<1x!tpu.dma_semaphore, #tpu.memory_space<semaphore_mem>> -> memref<!tpu.dma_semaphore, #tpu.memory_space<semaphore_mem>>
    %dma_wait3A_595 = tpu.memref_slice %arg2[%add3A_590] : memref<32000032xf32, #tpu.memory_space<hbm>> -> memref<25000xf32, #tpu.memory_space<hbm>>
    tpu.wait_dma2 semaphore(%dma_wait3A_594 : memref<!tpu.dma_semaphore, #tpu.memory_space<semaphore_mem>>) src(%dma_wait3A_595 : memref<25000xf32, #tpu.memory_space<hbm>>) dst(%arg4 : memref<25000xf32, #tpu.memory_space<vmem>>)
    %add3A_596 = arith.constant 500000 : i32
    %add3A_597 = arith.addi %mul3A_2, %add3A_596 : i32
    %dma_start3A_598 = arith.constant 0 : i32
    %dma_start3A_599 = tpu.memref_slice %arg3[%add3A_597] : memref<32000032xf32, #tpu.memory_space<hbm>> -> memref<25000xf32, #tpu.memory_space<hbm>>
    %dma_start3A_600 = tpu.memref_slice %arg9[%dma_start3A_598] : memref<4x!tpu.dma_semaphore, #tpu.memory_space<semaphore_mem>> -> memref<1x!tpu.dma_semaphore, #tpu.memory_space<semaphore_mem>>
    %dma_start3A_601 = tpu.memref_squeeze %dma_start3A_600 : memref<1x!tpu.dma_semaphore, #tpu.memory_space<semaphore_mem>> -> memref<!tpu.dma_semaphore, #tpu.memory_space<semaphore_mem>>
    %dma_start3A_602 = tpu.memref_slice %arg3[%add3A_597] : memref<32000032xf32, #tpu.memory_space<hbm>> -> memref<25000xf32, #tpu.memory_space<hbm>>
    tpu.enqueue_dma source(%arg4 : memref<25000xf32, #tpu.memory_space<vmem>>) target(%dma_start3A_602 : memref<25000xf32, #tpu.memory_space<hbm>>) target_semaphore(%dma_start3A_601 : memref<!tpu.dma_semaphore, #tpu.memory_space<semaphore_mem>>)
    %add3A_603 = arith.constant 500000 : i32
    %add3A_604 = arith.addi %mul3A_2, %add3A_603 : i32
    %dma_wait3A_605 = arith.constant 0 : i32
    %dma_wait3A_606 = tpu.memref_slice %arg3[%add3A_604] : memref<32000032xf32, #tpu.memory_space<hbm>> -> memref<25000xf32, #tpu.memory_space<hbm>>
    %dma_wait3A_607 = tpu.memref_slice %arg9[%dma_wait3A_605] : memref<4x!tpu.dma_semaphore, #tpu.memory_space<semaphore_mem>> -> memref<1x!tpu.dma_semaphore, #tpu.memory_space<semaphore_mem>>
    %dma_wait3A_608 = tpu.memref_squeeze %dma_wait3A_607 : memref<1x!tpu.dma_semaphore, #tpu.memory_space<semaphore_mem>> -> memref<!tpu.dma_semaphore, #tpu.memory_space<semaphore_mem>>
    %dma_wait3A_609 = tpu.memref_slice %arg3[%add3A_604] : memref<32000032xf32, #tpu.memory_space<hbm>> -> memref<25000xf32, #tpu.memory_space<hbm>>
    tpu.wait_dma2 semaphore(%dma_wait3A_608 : memref<!tpu.dma_semaphore, #tpu.memory_space<semaphore_mem>>) src(%arg4 : memref<25000xf32, #tpu.memory_space<vmem>>) dst(%dma_wait3A_609 : memref<25000xf32, #tpu.memory_space<hbm>>)
    %add3A_610 = arith.constant 600000 : i32
    %add3A_611 = arith.addi %mul3A_2, %add3A_610 : i32
    %dma_start3A_612 = arith.constant 0 : i32
    %dma_start3A_613 = tpu.memref_slice %arg2[%add3A_611] : memref<32000032xf32, #tpu.memory_space<hbm>> -> memref<25000xf32, #tpu.memory_space<hbm>>
    %dma_start3A_614 = tpu.memref_slice %arg8[%dma_start3A_612] : memref<4x!tpu.dma_semaphore, #tpu.memory_space<semaphore_mem>> -> memref<1x!tpu.dma_semaphore, #tpu.memory_space<semaphore_mem>>
    %dma_start3A_615 = tpu.memref_squeeze %dma_start3A_614 : memref<1x!tpu.dma_semaphore, #tpu.memory_space<semaphore_mem>> -> memref<!tpu.dma_semaphore, #tpu.memory_space<semaphore_mem>>
    %dma_start3A_616 = tpu.memref_slice %arg2[%add3A_611] : memref<32000032xf32, #tpu.memory_space<hbm>> -> memref<25000xf32, #tpu.memory_space<hbm>>
    tpu.enqueue_dma source(%dma_start3A_616 : memref<25000xf32, #tpu.memory_space<hbm>>) target(%arg4 : memref<25000xf32, #tpu.memory_space<vmem>>) target_semaphore(%dma_start3A_615 : memref<!tpu.dma_semaphore, #tpu.memory_space<semaphore_mem>>)
    %add3A_617 = arith.constant 525000 : i32
    %add3A_618 = arith.addi %mul3A_2, %add3A_617 : i32
    %dma_wait3A_619 = arith.constant 1 : i32
    %dma_wait3A_620 = tpu.memref_slice %arg2[%add3A_618] : memref<32000032xf32, #tpu.memory_space<hbm>> -> memref<25000xf32, #tpu.memory_space<hbm>>
    %dma_wait3A_621 = tpu.memref_slice %arg8[%dma_wait3A_619] : memref<4x!tpu.dma_semaphore, #tpu.memory_space<semaphore_mem>> -> memref<1x!tpu.dma_semaphore, #tpu.memory_space<semaphore_mem>>
    %dma_wait3A_622 = tpu.memref_squeeze %dma_wait3A_621 : memref<1x!tpu.dma_semaphore, #tpu.memory_space<semaphore_mem>> -> memref<!tpu.dma_semaphore, #tpu.memory_space<semaphore_mem>>
    %dma_wait3A_623 = tpu.memref_slice %arg2[%add3A_618] : memref<32000032xf32, #tpu.memory_space<hbm>> -> memref<25000xf32, #tpu.memory_space<hbm>>
    tpu.wait_dma2 semaphore(%dma_wait3A_622 : memref<!tpu.dma_semaphore, #tpu.memory_space<semaphore_mem>>) src(%dma_wait3A_623 : memref<25000xf32, #tpu.memory_space<hbm>>) dst(%arg5 : memref<25000xf32, #tpu.memory_space<vmem>>)
    %add3A_624 = arith.constant 525000 : i32
    %add3A_625 = arith.addi %mul3A_2, %add3A_624 : i32
    %dma_start3A_626 = arith.constant 1 : i32
    %dma_start3A_627 = tpu.memref_slice %arg3[%add3A_625] : memref<32000032xf32, #tpu.memory_space<hbm>> -> memref<25000xf32, #tpu.memory_space<hbm>>
    %dma_start3A_628 = tpu.memref_slice %arg9[%dma_start3A_626] : memref<4x!tpu.dma_semaphore, #tpu.memory_space<semaphore_mem>> -> memref<1x!tpu.dma_semaphore, #tpu.memory_space<semaphore_mem>>
    %dma_start3A_629 = tpu.memref_squeeze %dma_start3A_628 : memref<1x!tpu.dma_semaphore, #tpu.memory_space<semaphore_mem>> -> memref<!tpu.dma_semaphore, #tpu.memory_space<semaphore_mem>>
    %dma_start3A_630 = tpu.memref_slice %arg3[%add3A_625] : memref<32000032xf32, #tpu.memory_space<hbm>> -> memref<25000xf32, #tpu.memory_space<hbm>>
    tpu.enqueue_dma source(%arg5 : memref<25000xf32, #tpu.memory_space<vmem>>) target(%dma_start3A_630 : memref<25000xf32, #tpu.memory_space<hbm>>) target_semaphore(%dma_start3A_629 : memref<!tpu.dma_semaphore, #tpu.memory_space<semaphore_mem>>)
    %add3A_631 = arith.constant 525000 : i32
    %add3A_632 = arith.addi %mul3A_2, %add3A_631 : i32
    %dma_wait3A_633 = arith.constant 1 : i32
    %dma_wait3A_634 = tpu.memref_slice %arg3[%add3A_632] : memref<32000032xf32, #tpu.memory_space<hbm>> -> memref<25000xf32, #tpu.memory_space<hbm>>
    %dma_wait3A_635 = tpu.memref_slice %arg9[%dma_wait3A_633] : memref<4x!tpu.dma_semaphore, #tpu.memory_space<semaphore_mem>> -> memref<1x!tpu.dma_semaphore, #tpu.memory_space<semaphore_mem>>
    %dma_wait3A_636 = tpu.memref_squeeze %dma_wait3A_635 : memref<1x!tpu.dma_semaphore, #tpu.memory_space<semaphore_mem>> -> memref<!tpu.dma_semaphore, #tpu.memory_space<semaphore_mem>>
    %dma_wait3A_637 = tpu.memref_slice %arg3[%add3A_632] : memref<32000032xf32, #tpu.memory_space<hbm>> -> memref<25000xf32, #tpu.memory_space<hbm>>
    tpu.wait_dma2 semaphore(%dma_wait3A_636 : memref<!tpu.dma_semaphore, #tpu.memory_space<semaphore_mem>>) src(%arg5 : memref<25000xf32, #tpu.memory_space<vmem>>) dst(%dma_wait3A_637 : memref<25000xf32, #tpu.memory_space<hbm>>)
    %add3A_638 = arith.constant 625000 : i32
    %add3A_639 = arith.addi %mul3A_2, %add3A_638 : i32
    %dma_start3A_640 = arith.constant 1 : i32
    %dma_start3A_641 = tpu.memref_slice %arg2[%add3A_639] : memref<32000032xf32, #tpu.memory_space<hbm>> -> memref<25000xf32, #tpu.memory_space<hbm>>
    %dma_start3A_642 = tpu.memref_slice %arg8[%dma_start3A_640] : memref<4x!tpu.dma_semaphore, #tpu.memory_space<semaphore_mem>> -> memref<1x!tpu.dma_semaphore, #tpu.memory_space<semaphore_mem>>
    %dma_start3A_643 = tpu.memref_squeeze %dma_start3A_642 : memref<1x!tpu.dma_semaphore, #tpu.memory_space<semaphore_mem>> -> memref<!tpu.dma_semaphore, #tpu.memory_space<semaphore_mem>>
    %dma_start3A_644 = tpu.memref_slice %arg2[%add3A_639] : memref<32000032xf32, #tpu.memory_space<hbm>> -> memref<25000xf32, #tpu.memory_space<hbm>>
    tpu.enqueue_dma source(%dma_start3A_644 : memref<25000xf32, #tpu.memory_space<hbm>>) target(%arg5 : memref<25000xf32, #tpu.memory_space<vmem>>) target_semaphore(%dma_start3A_643 : memref<!tpu.dma_semaphore, #tpu.memory_space<semaphore_mem>>)
    %add3A_645 = arith.constant 550000 : i32
    %add3A_646 = arith.addi %mul3A_2, %add3A_645 : i32
    %dma_wait3A_647 = arith.constant 2 : i32
    %dma_wait3A_648 = tpu.memref_slice %arg2[%add3A_646] : memref<32000032xf32, #tpu.memory_space<hbm>> -> memref<25000xf32, #tpu.memory_space<hbm>>
    %dma_wait3A_649 = tpu.memref_slice %arg8[%dma_wait3A_647] : memref<4x!tpu.dma_semaphore, #tpu.memory_space<semaphore_mem>> -> memref<1x!tpu.dma_semaphore, #tpu.memory_space<semaphore_mem>>
    %dma_wait3A_650 = tpu.memref_squeeze %dma_wait3A_649 : memref<1x!tpu.dma_semaphore, #tpu.memory_space<semaphore_mem>> -> memref<!tpu.dma_semaphore, #tpu.memory_space<semaphore_mem>>
    %dma_wait3A_651 = tpu.memref_slice %arg2[%add3A_646] : memref<32000032xf32, #tpu.memory_space<hbm>> -> memref<25000xf32, #tpu.memory_space<hbm>>
    tpu.wait_dma2 semaphore(%dma_wait3A_650 : memref<!tpu.dma_semaphore, #tpu.memory_space<semaphore_mem>>) src(%dma_wait3A_651 : memref<25000xf32, #tpu.memory_space<hbm>>) dst(%arg6 : memref<25000xf32, #tpu.memory_space<vmem>>)
    %add3A_652 = arith.constant 550000 : i32
    %add3A_653 = arith.addi %mul3A_2, %add3A_652 : i32
    %dma_start3A_654 = arith.constant 2 : i32
    %dma_start3A_655 = tpu.memref_slice %arg3[%add3A_653] : memref<32000032xf32, #tpu.memory_space<hbm>> -> memref<25000xf32, #tpu.memory_space<hbm>>
    %dma_start3A_656 = tpu.memref_slice %arg9[%dma_start3A_654] : memref<4x!tpu.dma_semaphore, #tpu.memory_space<semaphore_mem>> -> memref<1x!tpu.dma_semaphore, #tpu.memory_space<semaphore_mem>>
    %dma_start3A_657 = tpu.memref_squeeze %dma_start3A_656 : memref<1x!tpu.dma_semaphore, #tpu.memory_space<semaphore_mem>> -> memref<!tpu.dma_semaphore, #tpu.memory_space<semaphore_mem>>
    %dma_start3A_658 = tpu.memref_slice %arg3[%add3A_653] : memref<32000032xf32, #tpu.memory_space<hbm>> -> memref<25000xf32, #tpu.memory_space<hbm>>
    tpu.enqueue_dma source(%arg6 : memref<25000xf32, #tpu.memory_space<vmem>>) target(%dma_start3A_658 : memref<25000xf32, #tpu.memory_space<hbm>>) target_semaphore(%dma_start3A_657 : memref<!tpu.dma_semaphore, #tpu.memory_space<semaphore_mem>>)
    %add3A_659 = arith.constant 550000 : i32
    %add3A_660 = arith.addi %mul3A_2, %add3A_659 : i32
    %dma_wait3A_661 = arith.constant 2 : i32
    %dma_wait3A_662 = tpu.memref_slice %arg3[%add3A_660] : memref<32000032xf32, #tpu.memory_space<hbm>> -> memref<25000xf32, #tpu.memory_space<hbm>>
    %dma_wait3A_663 = tpu.memref_slice %arg9[%dma_wait3A_661] : memref<4x!tpu.dma_semaphore, #tpu.memory_space<semaphore_mem>> -> memref<1x!tpu.dma_semaphore, #tpu.memory_space<semaphore_mem>>
    %dma_wait3A_664 = tpu.memref_squeeze %dma_wait3A_663 : memref<1x!tpu.dma_semaphore, #tpu.memory_space<semaphore_mem>> -> memref<!tpu.dma_semaphore, #tpu.memory_space<semaphore_mem>>
    %dma_wait3A_665 = tpu.memref_slice %arg3[%add3A_660] : memref<32000032xf32, #tpu.memory_space<hbm>> -> memref<25000xf32, #tpu.memory_space<hbm>>
    tpu.wait_dma2 semaphore(%dma_wait3A_664 : memref<!tpu.dma_semaphore, #tpu.memory_space<semaphore_mem>>) src(%arg6 : memref<25000xf32, #tpu.memory_space<vmem>>) dst(%dma_wait3A_665 : memref<25000xf32, #tpu.memory_space<hbm>>)
    %add3A_666 = arith.constant 650000 : i32
    %add3A_667 = arith.addi %mul3A_2, %add3A_666 : i32
    %dma_start3A_668 = arith.constant 2 : i32
    %dma_start3A_669 = tpu.memref_slice %arg2[%add3A_667] : memref<32000032xf32, #tpu.memory_space<hbm>> -> memref<25000xf32, #tpu.memory_space<hbm>>
    %dma_start3A_670 = tpu.memref_slice %arg8[%dma_start3A_668] : memref<4x!tpu.dma_semaphore, #tpu.memory_space<semaphore_mem>> -> memref<1x!tpu.dma_semaphore, #tpu.memory_space<semaphore_mem>>
    %dma_start3A_671 = tpu.memref_squeeze %dma_start3A_670 : memref<1x!tpu.dma_semaphore, #tpu.memory_space<semaphore_mem>> -> memref<!tpu.dma_semaphore, #tpu.memory_space<semaphore_mem>>
    %dma_start3A_672 = tpu.memref_slice %arg2[%add3A_667] : memref<32000032xf32, #tpu.memory_space<hbm>> -> memref<25000xf32, #tpu.memory_space<hbm>>
    tpu.enqueue_dma source(%dma_start3A_672 : memref<25000xf32, #tpu.memory_space<hbm>>) target(%arg6 : memref<25000xf32, #tpu.memory_space<vmem>>) target_semaphore(%dma_start3A_671 : memref<!tpu.dma_semaphore, #tpu.memory_space<semaphore_mem>>)
    %add3A_673 = arith.constant 575000 : i32
    %add3A_674 = arith.addi %mul3A_2, %add3A_673 : i32
    %dma_wait3A_675 = arith.constant 3 : i32
    %dma_wait3A_676 = tpu.memref_slice %arg2[%add3A_674] : memref<32000032xf32, #tpu.memory_space<hbm>> -> memref<25000xf32, #tpu.memory_space<hbm>>
    %dma_wait3A_677 = tpu.memref_slice %arg8[%dma_wait3A_675] : memref<4x!tpu.dma_semaphore, #tpu.memory_space<semaphore_mem>> -> memref<1x!tpu.dma_semaphore, #tpu.memory_space<semaphore_mem>>
    %dma_wait3A_678 = tpu.memref_squeeze %dma_wait3A_677 : memref<1x!tpu.dma_semaphore, #tpu.memory_space<semaphore_mem>> -> memref<!tpu.dma_semaphore, #tpu.memory_space<semaphore_mem>>
    %dma_wait3A_679 = tpu.memref_slice %arg2[%add3A_674] : memref<32000032xf32, #tpu.memory_space<hbm>> -> memref<25000xf32, #tpu.memory_space<hbm>>
    tpu.wait_dma2 semaphore(%dma_wait3A_678 : memref<!tpu.dma_semaphore, #tpu.memory_space<semaphore_mem>>) src(%dma_wait3A_679 : memref<25000xf32, #tpu.memory_space<hbm>>) dst(%arg7 : memref<25000xf32, #tpu.memory_space<vmem>>)
    %add3A_680 = arith.constant 575000 : i32
    %add3A_681 = arith.addi %mul3A_2, %add3A_680 : i32
    %dma_start3A_682 = arith.constant 3 : i32
    %dma_start3A_683 = tpu.memref_slice %arg3[%add3A_681] : memref<32000032xf32, #tpu.memory_space<hbm>> -> memref<25000xf32, #tpu.memory_space<hbm>>
    %dma_start3A_684 = tpu.memref_slice %arg9[%dma_start3A_682] : memref<4x!tpu.dma_semaphore, #tpu.memory_space<semaphore_mem>> -> memref<1x!tpu.dma_semaphore, #tpu.memory_space<semaphore_mem>>
    %dma_start3A_685 = tpu.memref_squeeze %dma_start3A_684 : memref<1x!tpu.dma_semaphore, #tpu.memory_space<semaphore_mem>> -> memref<!tpu.dma_semaphore, #tpu.memory_space<semaphore_mem>>
    %dma_start3A_686 = tpu.memref_slice %arg3[%add3A_681] : memref<32000032xf32, #tpu.memory_space<hbm>> -> memref<25000xf32, #tpu.memory_space<hbm>>
    tpu.enqueue_dma source(%arg7 : memref<25000xf32, #tpu.memory_space<vmem>>) target(%dma_start3A_686 : memref<25000xf32, #tpu.memory_space<hbm>>) target_semaphore(%dma_start3A_685 : memref<!tpu.dma_semaphore, #tpu.memory_space<semaphore_mem>>)
    %add3A_687 = arith.constant 575000 : i32
    %add3A_688 = arith.addi %mul3A_2, %add3A_687 : i32
    %dma_wait3A_689 = arith.constant 3 : i32
    %dma_wait3A_690 = tpu.memref_slice %arg3[%add3A_688] : memref<32000032xf32, #tpu.memory_space<hbm>> -> memref<25000xf32, #tpu.memory_space<hbm>>
    %dma_wait3A_691 = tpu.memref_slice %arg9[%dma_wait3A_689] : memref<4x!tpu.dma_semaphore, #tpu.memory_space<semaphore_mem>> -> memref<1x!tpu.dma_semaphore, #tpu.memory_space<semaphore_mem>>
    %dma_wait3A_692 = tpu.memref_squeeze %dma_wait3A_691 : memref<1x!tpu.dma_semaphore, #tpu.memory_space<semaphore_mem>> -> memref<!tpu.dma_semaphore, #tpu.memory_space<semaphore_mem>>
    %dma_wait3A_693 = tpu.memref_slice %arg3[%add3A_688] : memref<32000032xf32, #tpu.memory_space<hbm>> -> memref<25000xf32, #tpu.memory_space<hbm>>
    tpu.wait_dma2 semaphore(%dma_wait3A_692 : memref<!tpu.dma_semaphore, #tpu.memory_space<semaphore_mem>>) src(%arg7 : memref<25000xf32, #tpu.memory_space<vmem>>) dst(%dma_wait3A_693 : memref<25000xf32, #tpu.memory_space<hbm>>)
    %add3A_694 = arith.constant 675000 : i32
    %add3A_695 = arith.addi %mul3A_2, %add3A_694 : i32
    %dma_start3A_696 = arith.constant 3 : i32
    %dma_start3A_697 = tpu.memref_slice %arg2[%add3A_695] : memref<32000032xf32, #tpu.memory_space<hbm>> -> memref<25000xf32, #tpu.memory_space<hbm>>
    %dma_start3A_698 = tpu.memref_slice %arg8[%dma_start3A_696] : memref<4x!tpu.dma_semaphore, #tpu.memory_space<semaphore_mem>> -> memref<1x!tpu.dma_semaphore, #tpu.memory_space<semaphore_mem>>
    %dma_start3A_699 = tpu.memref_squeeze %dma_start3A_698 : memref<1x!tpu.dma_semaphore, #tpu.memory_space<semaphore_mem>> -> memref<!tpu.dma_semaphore, #tpu.memory_space<semaphore_mem>>
    %dma_start3A_700 = tpu.memref_slice %arg2[%add3A_695] : memref<32000032xf32, #tpu.memory_space<hbm>> -> memref<25000xf32, #tpu.memory_space<hbm>>
    tpu.enqueue_dma source(%dma_start3A_700 : memref<25000xf32, #tpu.memory_space<hbm>>) target(%arg7 : memref<25000xf32, #tpu.memory_space<vmem>>) target_semaphore(%dma_start3A_699 : memref<!tpu.dma_semaphore, #tpu.memory_space<semaphore_mem>>)
    %add3A_701 = arith.constant 600000 : i32
    %add3A_702 = arith.addi %mul3A_2, %add3A_701 : i32
    %dma_wait3A_703 = arith.constant 0 : i32
    %dma_wait3A_704 = tpu.memref_slice %arg2[%add3A_702] : memref<32000032xf32, #tpu.memory_space<hbm>> -> memref<25000xf32, #tpu.memory_space<hbm>>
    %dma_wait3A_705 = tpu.memref_slice %arg8[%dma_wait3A_703] : memref<4x!tpu.dma_semaphore, #tpu.memory_space<semaphore_mem>> -> memref<1x!tpu.dma_semaphore, #tpu.memory_space<semaphore_mem>>
    %dma_wait3A_706 = tpu.memref_squeeze %dma_wait3A_705 : memref<1x!tpu.dma_semaphore, #tpu.memory_space<semaphore_mem>> -> memref<!tpu.dma_semaphore, #tpu.memory_space<semaphore_mem>>
    %dma_wait3A_707 = tpu.memref_slice %arg2[%add3A_702] : memref<32000032xf32, #tpu.memory_space<hbm>> -> memref<25000xf32, #tpu.memory_space<hbm>>
    tpu.wait_dma2 semaphore(%dma_wait3A_706 : memref<!tpu.dma_semaphore, #tpu.memory_space<semaphore_mem>>) src(%dma_wait3A_707 : memref<25000xf32, #tpu.memory_space<hbm>>) dst(%arg4 : memref<25000xf32, #tpu.memory_space<vmem>>)
    %add3A_708 = arith.constant 600000 : i32
    %add3A_709 = arith.addi %mul3A_2, %add3A_708 : i32
    %dma_start3A_710 = arith.constant 0 : i32
    %dma_start3A_711 = tpu.memref_slice %arg3[%add3A_709] : memref<32000032xf32, #tpu.memory_space<hbm>> -> memref<25000xf32, #tpu.memory_space<hbm>>
    %dma_start3A_712 = tpu.memref_slice %arg9[%dma_start3A_710] : memref<4x!tpu.dma_semaphore, #tpu.memory_space<semaphore_mem>> -> memref<1x!tpu.dma_semaphore, #tpu.memory_space<semaphore_mem>>
    %dma_start3A_713 = tpu.memref_squeeze %dma_start3A_712 : memref<1x!tpu.dma_semaphore, #tpu.memory_space<semaphore_mem>> -> memref<!tpu.dma_semaphore, #tpu.memory_space<semaphore_mem>>
    %dma_start3A_714 = tpu.memref_slice %arg3[%add3A_709] : memref<32000032xf32, #tpu.memory_space<hbm>> -> memref<25000xf32, #tpu.memory_space<hbm>>
    tpu.enqueue_dma source(%arg4 : memref<25000xf32, #tpu.memory_space<vmem>>) target(%dma_start3A_714 : memref<25000xf32, #tpu.memory_space<hbm>>) target_semaphore(%dma_start3A_713 : memref<!tpu.dma_semaphore, #tpu.memory_space<semaphore_mem>>)
    %add3A_715 = arith.constant 600000 : i32
    %add3A_716 = arith.addi %mul3A_2, %add3A_715 : i32
    %dma_wait3A_717 = arith.constant 0 : i32
    %dma_wait3A_718 = tpu.memref_slice %arg3[%add3A_716] : memref<32000032xf32, #tpu.memory_space<hbm>> -> memref<25000xf32, #tpu.memory_space<hbm>>
    %dma_wait3A_719 = tpu.memref_slice %arg9[%dma_wait3A_717] : memref<4x!tpu.dma_semaphore, #tpu.memory_space<semaphore_mem>> -> memref<1x!tpu.dma_semaphore, #tpu.memory_space<semaphore_mem>>
    %dma_wait3A_720 = tpu.memref_squeeze %dma_wait3A_719 : memref<1x!tpu.dma_semaphore, #tpu.memory_space<semaphore_mem>> -> memref<!tpu.dma_semaphore, #tpu.memory_space<semaphore_mem>>
    %dma_wait3A_721 = tpu.memref_slice %arg3[%add3A_716] : memref<32000032xf32, #tpu.memory_space<hbm>> -> memref<25000xf32, #tpu.memory_space<hbm>>
    tpu.wait_dma2 semaphore(%dma_wait3A_720 : memref<!tpu.dma_semaphore, #tpu.memory_space<semaphore_mem>>) src(%arg4 : memref<25000xf32, #tpu.memory_space<vmem>>) dst(%dma_wait3A_721 : memref<25000xf32, #tpu.memory_space<hbm>>)
    %add3A_722 = arith.constant 700000 : i32
    %add3A_723 = arith.addi %mul3A_2, %add3A_722 : i32
    %dma_start3A_724 = arith.constant 0 : i32
    %dma_start3A_725 = tpu.memref_slice %arg2[%add3A_723] : memref<32000032xf32, #tpu.memory_space<hbm>> -> memref<25000xf32, #tpu.memory_space<hbm>>
    %dma_start3A_726 = tpu.memref_slice %arg8[%dma_start3A_724] : memref<4x!tpu.dma_semaphore, #tpu.memory_space<semaphore_mem>> -> memref<1x!tpu.dma_semaphore, #tpu.memory_space<semaphore_mem>>
    %dma_start3A_727 = tpu.memref_squeeze %dma_start3A_726 : memref<1x!tpu.dma_semaphore, #tpu.memory_space<semaphore_mem>> -> memref<!tpu.dma_semaphore, #tpu.memory_space<semaphore_mem>>
    %dma_start3A_728 = tpu.memref_slice %arg2[%add3A_723] : memref<32000032xf32, #tpu.memory_space<hbm>> -> memref<25000xf32, #tpu.memory_space<hbm>>
    tpu.enqueue_dma source(%dma_start3A_728 : memref<25000xf32, #tpu.memory_space<hbm>>) target(%arg4 : memref<25000xf32, #tpu.memory_space<vmem>>) target_semaphore(%dma_start3A_727 : memref<!tpu.dma_semaphore, #tpu.memory_space<semaphore_mem>>)
    %add3A_729 = arith.constant 625000 : i32
    %add3A_730 = arith.addi %mul3A_2, %add3A_729 : i32
    %dma_wait3A_731 = arith.constant 1 : i32
    %dma_wait3A_732 = tpu.memref_slice %arg2[%add3A_730] : memref<32000032xf32, #tpu.memory_space<hbm>> -> memref<25000xf32, #tpu.memory_space<hbm>>
    %dma_wait3A_733 = tpu.memref_slice %arg8[%dma_wait3A_731] : memref<4x!tpu.dma_semaphore, #tpu.memory_space<semaphore_mem>> -> memref<1x!tpu.dma_semaphore, #tpu.memory_space<semaphore_mem>>
    %dma_wait3A_734 = tpu.memref_squeeze %dma_wait3A_733 : memref<1x!tpu.dma_semaphore, #tpu.memory_space<semaphore_mem>> -> memref<!tpu.dma_semaphore, #tpu.memory_space<semaphore_mem>>
    %dma_wait3A_735 = tpu.memref_slice %arg2[%add3A_730] : memref<32000032xf32, #tpu.memory_space<hbm>> -> memref<25000xf32, #tpu.memory_space<hbm>>
    tpu.wait_dma2 semaphore(%dma_wait3A_734 : memref<!tpu.dma_semaphore, #tpu.memory_space<semaphore_mem>>) src(%dma_wait3A_735 : memref<25000xf32, #tpu.memory_space<hbm>>) dst(%arg5 : memref<25000xf32, #tpu.memory_space<vmem>>)
    %add3A_736 = arith.constant 625000 : i32
    %add3A_737 = arith.addi %mul3A_2, %add3A_736 : i32
    %dma_start3A_738 = arith.constant 1 : i32
    %dma_start3A_739 = tpu.memref_slice %arg3[%add3A_737] : memref<32000032xf32, #tpu.memory_space<hbm>> -> memref<25000xf32, #tpu.memory_space<hbm>>
    %dma_start3A_740 = tpu.memref_slice %arg9[%dma_start3A_738] : memref<4x!tpu.dma_semaphore, #tpu.memory_space<semaphore_mem>> -> memref<1x!tpu.dma_semaphore, #tpu.memory_space<semaphore_mem>>
    %dma_start3A_741 = tpu.memref_squeeze %dma_start3A_740 : memref<1x!tpu.dma_semaphore, #tpu.memory_space<semaphore_mem>> -> memref<!tpu.dma_semaphore, #tpu.memory_space<semaphore_mem>>
    %dma_start3A_742 = tpu.memref_slice %arg3[%add3A_737] : memref<32000032xf32, #tpu.memory_space<hbm>> -> memref<25000xf32, #tpu.memory_space<hbm>>
    tpu.enqueue_dma source(%arg5 : memref<25000xf32, #tpu.memory_space<vmem>>) target(%dma_start3A_742 : memref<25000xf32, #tpu.memory_space<hbm>>) target_semaphore(%dma_start3A_741 : memref<!tpu.dma_semaphore, #tpu.memory_space<semaphore_mem>>)
    %add3A_743 = arith.constant 625000 : i32
    %add3A_744 = arith.addi %mul3A_2, %add3A_743 : i32
    %dma_wait3A_745 = arith.constant 1 : i32
    %dma_wait3A_746 = tpu.memref_slice %arg3[%add3A_744] : memref<32000032xf32, #tpu.memory_space<hbm>> -> memref<25000xf32, #tpu.memory_space<hbm>>
    %dma_wait3A_747 = tpu.memref_slice %arg9[%dma_wait3A_745] : memref<4x!tpu.dma_semaphore, #tpu.memory_space<semaphore_mem>> -> memref<1x!tpu.dma_semaphore, #tpu.memory_space<semaphore_mem>>
    %dma_wait3A_748 = tpu.memref_squeeze %dma_wait3A_747 : memref<1x!tpu.dma_semaphore, #tpu.memory_space<semaphore_mem>> -> memref<!tpu.dma_semaphore, #tpu.memory_space<semaphore_mem>>
    %dma_wait3A_749 = tpu.memref_slice %arg3[%add3A_744] : memref<32000032xf32, #tpu.memory_space<hbm>> -> memref<25000xf32, #tpu.memory_space<hbm>>
    tpu.wait_dma2 semaphore(%dma_wait3A_748 : memref<!tpu.dma_semaphore, #tpu.memory_space<semaphore_mem>>) src(%arg5 : memref<25000xf32, #tpu.memory_space<vmem>>) dst(%dma_wait3A_749 : memref<25000xf32, #tpu.memory_space<hbm>>)
    %add3A_750 = arith.constant 725000 : i32
    %add3A_751 = arith.addi %mul3A_2, %add3A_750 : i32
    %dma_start3A_752 = arith.constant 1 : i32
    %dma_start3A_753 = tpu.memref_slice %arg2[%add3A_751] : memref<32000032xf32, #tpu.memory_space<hbm>> -> memref<25000xf32, #tpu.memory_space<hbm>>
    %dma_start3A_754 = tpu.memref_slice %arg8[%dma_start3A_752] : memref<4x!tpu.dma_semaphore, #tpu.memory_space<semaphore_mem>> -> memref<1x!tpu.dma_semaphore, #tpu.memory_space<semaphore_mem>>
    %dma_start3A_755 = tpu.memref_squeeze %dma_start3A_754 : memref<1x!tpu.dma_semaphore, #tpu.memory_space<semaphore_mem>> -> memref<!tpu.dma_semaphore, #tpu.memory_space<semaphore_mem>>
    %dma_start3A_756 = tpu.memref_slice %arg2[%add3A_751] : memref<32000032xf32, #tpu.memory_space<hbm>> -> memref<25000xf32, #tpu.memory_space<hbm>>
    tpu.enqueue_dma source(%dma_start3A_756 : memref<25000xf32, #tpu.memory_space<hbm>>) target(%arg5 : memref<25000xf32, #tpu.memory_space<vmem>>) target_semaphore(%dma_start3A_755 : memref<!tpu.dma_semaphore, #tpu.memory_space<semaphore_mem>>)
    %add3A_757 = arith.constant 650000 : i32
    %add3A_758 = arith.addi %mul3A_2, %add3A_757 : i32
    %dma_wait3A_759 = arith.constant 2 : i32
    %dma_wait3A_760 = tpu.memref_slice %arg2[%add3A_758] : memref<32000032xf32, #tpu.memory_space<hbm>> -> memref<25000xf32, #tpu.memory_space<hbm>>
    %dma_wait3A_761 = tpu.memref_slice %arg8[%dma_wait3A_759] : memref<4x!tpu.dma_semaphore, #tpu.memory_space<semaphore_mem>> -> memref<1x!tpu.dma_semaphore, #tpu.memory_space<semaphore_mem>>
    %dma_wait3A_762 = tpu.memref_squeeze %dma_wait3A_761 : memref<1x!tpu.dma_semaphore, #tpu.memory_space<semaphore_mem>> -> memref<!tpu.dma_semaphore, #tpu.memory_space<semaphore_mem>>
    %dma_wait3A_763 = tpu.memref_slice %arg2[%add3A_758] : memref<32000032xf32, #tpu.memory_space<hbm>> -> memref<25000xf32, #tpu.memory_space<hbm>>
    tpu.wait_dma2 semaphore(%dma_wait3A_762 : memref<!tpu.dma_semaphore, #tpu.memory_space<semaphore_mem>>) src(%dma_wait3A_763 : memref<25000xf32, #tpu.memory_space<hbm>>) dst(%arg6 : memref<25000xf32, #tpu.memory_space<vmem>>)
    %add3A_764 = arith.constant 650000 : i32
    %add3A_765 = arith.addi %mul3A_2, %add3A_764 : i32
    %dma_start3A_766 = arith.constant 2 : i32
    %dma_start3A_767 = tpu.memref_slice %arg3[%add3A_765] : memref<32000032xf32, #tpu.memory_space<hbm>> -> memref<25000xf32, #tpu.memory_space<hbm>>
    %dma_start3A_768 = tpu.memref_slice %arg9[%dma_start3A_766] : memref<4x!tpu.dma_semaphore, #tpu.memory_space<semaphore_mem>> -> memref<1x!tpu.dma_semaphore, #tpu.memory_space<semaphore_mem>>
    %dma_start3A_769 = tpu.memref_squeeze %dma_start3A_768 : memref<1x!tpu.dma_semaphore, #tpu.memory_space<semaphore_mem>> -> memref<!tpu.dma_semaphore, #tpu.memory_space<semaphore_mem>>
    %dma_start3A_770 = tpu.memref_slice %arg3[%add3A_765] : memref<32000032xf32, #tpu.memory_space<hbm>> -> memref<25000xf32, #tpu.memory_space<hbm>>
    tpu.enqueue_dma source(%arg6 : memref<25000xf32, #tpu.memory_space<vmem>>) target(%dma_start3A_770 : memref<25000xf32, #tpu.memory_space<hbm>>) target_semaphore(%dma_start3A_769 : memref<!tpu.dma_semaphore, #tpu.memory_space<semaphore_mem>>)
    %add3A_771 = arith.constant 650000 : i32
    %add3A_772 = arith.addi %mul3A_2, %add3A_771 : i32
    %dma_wait3A_773 = arith.constant 2 : i32
    %dma_wait3A_774 = tpu.memref_slice %arg3[%add3A_772] : memref<32000032xf32, #tpu.memory_space<hbm>> -> memref<25000xf32, #tpu.memory_space<hbm>>
    %dma_wait3A_775 = tpu.memref_slice %arg9[%dma_wait3A_773] : memref<4x!tpu.dma_semaphore, #tpu.memory_space<semaphore_mem>> -> memref<1x!tpu.dma_semaphore, #tpu.memory_space<semaphore_mem>>
    %dma_wait3A_776 = tpu.memref_squeeze %dma_wait3A_775 : memref<1x!tpu.dma_semaphore, #tpu.memory_space<semaphore_mem>> -> memref<!tpu.dma_semaphore, #tpu.memory_space<semaphore_mem>>
    %dma_wait3A_777 = tpu.memref_slice %arg3[%add3A_772] : memref<32000032xf32, #tpu.memory_space<hbm>> -> memref<25000xf32, #tpu.memory_space<hbm>>
    tpu.wait_dma2 semaphore(%dma_wait3A_776 : memref<!tpu.dma_semaphore, #tpu.memory_space<semaphore_mem>>) src(%arg6 : memref<25000xf32, #tpu.memory_space<vmem>>) dst(%dma_wait3A_777 : memref<25000xf32, #tpu.memory_space<hbm>>)
    %add3A_778 = arith.constant 750000 : i32
    %add3A_779 = arith.addi %mul3A_2, %add3A_778 : i32
    %dma_start3A_780 = arith.constant 2 : i32
    %dma_start3A_781 = tpu.memref_slice %arg2[%add3A_779] : memref<32000032xf32, #tpu.memory_space<hbm>> -> memref<25000xf32, #tpu.memory_space<hbm>>
    %dma_start3A_782 = tpu.memref_slice %arg8[%dma_start3A_780] : memref<4x!tpu.dma_semaphore, #tpu.memory_space<semaphore_mem>> -> memref<1x!tpu.dma_semaphore, #tpu.memory_space<semaphore_mem>>
    %dma_start3A_783 = tpu.memref_squeeze %dma_start3A_782 : memref<1x!tpu.dma_semaphore, #tpu.memory_space<semaphore_mem>> -> memref<!tpu.dma_semaphore, #tpu.memory_space<semaphore_mem>>
    %dma_start3A_784 = tpu.memref_slice %arg2[%add3A_779] : memref<32000032xf32, #tpu.memory_space<hbm>> -> memref<25000xf32, #tpu.memory_space<hbm>>
    tpu.enqueue_dma source(%dma_start3A_784 : memref<25000xf32, #tpu.memory_space<hbm>>) target(%arg6 : memref<25000xf32, #tpu.memory_space<vmem>>) target_semaphore(%dma_start3A_783 : memref<!tpu.dma_semaphore, #tpu.memory_space<semaphore_mem>>)
    %add3A_785 = arith.constant 675000 : i32
    %add3A_786 = arith.addi %mul3A_2, %add3A_785 : i32
    %dma_wait3A_787 = arith.constant 3 : i32
    %dma_wait3A_788 = tpu.memref_slice %arg2[%add3A_786] : memref<32000032xf32, #tpu.memory_space<hbm>> -> memref<25000xf32, #tpu.memory_space<hbm>>
    %dma_wait3A_789 = tpu.memref_slice %arg8[%dma_wait3A_787] : memref<4x!tpu.dma_semaphore, #tpu.memory_space<semaphore_mem>> -> memref<1x!tpu.dma_semaphore, #tpu.memory_space<semaphore_mem>>
    %dma_wait3A_790 = tpu.memref_squeeze %dma_wait3A_789 : memref<1x!tpu.dma_semaphore, #tpu.memory_space<semaphore_mem>> -> memref<!tpu.dma_semaphore, #tpu.memory_space<semaphore_mem>>
    %dma_wait3A_791 = tpu.memref_slice %arg2[%add3A_786] : memref<32000032xf32, #tpu.memory_space<hbm>> -> memref<25000xf32, #tpu.memory_space<hbm>>
    tpu.wait_dma2 semaphore(%dma_wait3A_790 : memref<!tpu.dma_semaphore, #tpu.memory_space<semaphore_mem>>) src(%dma_wait3A_791 : memref<25000xf32, #tpu.memory_space<hbm>>) dst(%arg7 : memref<25000xf32, #tpu.memory_space<vmem>>)
    %add3A_792 = arith.constant 675000 : i32
    %add3A_793 = arith.addi %mul3A_2, %add3A_792 : i32
    %dma_start3A_794 = arith.constant 3 : i32
    %dma_start3A_795 = tpu.memref_slice %arg3[%add3A_793] : memref<32000032xf32, #tpu.memory_space<hbm>> -> memref<25000xf32, #tpu.memory_space<hbm>>
    %dma_start3A_796 = tpu.memref_slice %arg9[%dma_start3A_794] : memref<4x!tpu.dma_semaphore, #tpu.memory_space<semaphore_mem>> -> memref<1x!tpu.dma_semaphore, #tpu.memory_space<semaphore_mem>>
    %dma_start3A_797 = tpu.memref_squeeze %dma_start3A_796 : memref<1x!tpu.dma_semaphore, #tpu.memory_space<semaphore_mem>> -> memref<!tpu.dma_semaphore, #tpu.memory_space<semaphore_mem>>
    %dma_start3A_798 = tpu.memref_slice %arg3[%add3A_793] : memref<32000032xf32, #tpu.memory_space<hbm>> -> memref<25000xf32, #tpu.memory_space<hbm>>
    tpu.enqueue_dma source(%arg7 : memref<25000xf32, #tpu.memory_space<vmem>>) target(%dma_start3A_798 : memref<25000xf32, #tpu.memory_space<hbm>>) target_semaphore(%dma_start3A_797 : memref<!tpu.dma_semaphore, #tpu.memory_space<semaphore_mem>>)
    %add3A_799 = arith.constant 675000 : i32
    %add3A_800 = arith.addi %mul3A_2, %add3A_799 : i32
    %dma_wait3A_801 = arith.constant 3 : i32
    %dma_wait3A_802 = tpu.memref_slice %arg3[%add3A_800] : memref<32000032xf32, #tpu.memory_space<hbm>> -> memref<25000xf32, #tpu.memory_space<hbm>>
    %dma_wait3A_803 = tpu.memref_slice %arg9[%dma_wait3A_801] : memref<4x!tpu.dma_semaphore, #tpu.memory_space<semaphore_mem>> -> memref<1x!tpu.dma_semaphore, #tpu.memory_space<semaphore_mem>>
    %dma_wait3A_804 = tpu.memref_squeeze %dma_wait3A_803 : memref<1x!tpu.dma_semaphore, #tpu.memory_space<semaphore_mem>> -> memref<!tpu.dma_semaphore, #tpu.memory_space<semaphore_mem>>
    %dma_wait3A_805 = tpu.memref_slice %arg3[%add3A_800] : memref<32000032xf32, #tpu.memory_space<hbm>> -> memref<25000xf32, #tpu.memory_space<hbm>>
    tpu.wait_dma2 semaphore(%dma_wait3A_804 : memref<!tpu.dma_semaphore, #tpu.memory_space<semaphore_mem>>) src(%arg7 : memref<25000xf32, #tpu.memory_space<vmem>>) dst(%dma_wait3A_805 : memref<25000xf32, #tpu.memory_space<hbm>>)
    %add3A_806 = arith.constant 775000 : i32
    %add3A_807 = arith.addi %mul3A_2, %add3A_806 : i32
    %dma_start3A_808 = arith.constant 3 : i32
    %dma_start3A_809 = tpu.memref_slice %arg2[%add3A_807] : memref<32000032xf32, #tpu.memory_space<hbm>> -> memref<25000xf32, #tpu.memory_space<hbm>>
    %dma_start3A_810 = tpu.memref_slice %arg8[%dma_start3A_808] : memref<4x!tpu.dma_semaphore, #tpu.memory_space<semaphore_mem>> -> memref<1x!tpu.dma_semaphore, #tpu.memory_space<semaphore_mem>>
    %dma_start3A_811 = tpu.memref_squeeze %dma_start3A_810 : memref<1x!tpu.dma_semaphore, #tpu.memory_space<semaphore_mem>> -> memref<!tpu.dma_semaphore, #tpu.memory_space<semaphore_mem>>
    %dma_start3A_812 = tpu.memref_slice %arg2[%add3A_807] : memref<32000032xf32, #tpu.memory_space<hbm>> -> memref<25000xf32, #tpu.memory_space<hbm>>
    tpu.enqueue_dma source(%dma_start3A_812 : memref<25000xf32, #tpu.memory_space<hbm>>) target(%arg7 : memref<25000xf32, #tpu.memory_space<vmem>>) target_semaphore(%dma_start3A_811 : memref<!tpu.dma_semaphore, #tpu.memory_space<semaphore_mem>>)
    %add3A_813 = arith.constant 700000 : i32
    %add3A_814 = arith.addi %mul3A_2, %add3A_813 : i32
    %dma_wait3A_815 = arith.constant 0 : i32
    %dma_wait3A_816 = tpu.memref_slice %arg2[%add3A_814] : memref<32000032xf32, #tpu.memory_space<hbm>> -> memref<25000xf32, #tpu.memory_space<hbm>>
    %dma_wait3A_817 = tpu.memref_slice %arg8[%dma_wait3A_815] : memref<4x!tpu.dma_semaphore, #tpu.memory_space<semaphore_mem>> -> memref<1x!tpu.dma_semaphore, #tpu.memory_space<semaphore_mem>>
    %dma_wait3A_818 = tpu.memref_squeeze %dma_wait3A_817 : memref<1x!tpu.dma_semaphore, #tpu.memory_space<semaphore_mem>> -> memref<!tpu.dma_semaphore, #tpu.memory_space<semaphore_mem>>
    %dma_wait3A_819 = tpu.memref_slice %arg2[%add3A_814] : memref<32000032xf32, #tpu.memory_space<hbm>> -> memref<25000xf32, #tpu.memory_space<hbm>>
    tpu.wait_dma2 semaphore(%dma_wait3A_818 : memref<!tpu.dma_semaphore, #tpu.memory_space<semaphore_mem>>) src(%dma_wait3A_819 : memref<25000xf32, #tpu.memory_space<hbm>>) dst(%arg4 : memref<25000xf32, #tpu.memory_space<vmem>>)
    %add3A_820 = arith.constant 700000 : i32
    %add3A_821 = arith.addi %mul3A_2, %add3A_820 : i32
    %dma_start3A_822 = arith.constant 0 : i32
    %dma_start3A_823 = tpu.memref_slice %arg3[%add3A_821] : memref<32000032xf32, #tpu.memory_space<hbm>> -> memref<25000xf32, #tpu.memory_space<hbm>>
    %dma_start3A_824 = tpu.memref_slice %arg9[%dma_start3A_822] : memref<4x!tpu.dma_semaphore, #tpu.memory_space<semaphore_mem>> -> memref<1x!tpu.dma_semaphore, #tpu.memory_space<semaphore_mem>>
    %dma_start3A_825 = tpu.memref_squeeze %dma_start3A_824 : memref<1x!tpu.dma_semaphore, #tpu.memory_space<semaphore_mem>> -> memref<!tpu.dma_semaphore, #tpu.memory_space<semaphore_mem>>
    %dma_start3A_826 = tpu.memref_slice %arg3[%add3A_821] : memref<32000032xf32, #tpu.memory_space<hbm>> -> memref<25000xf32, #tpu.memory_space<hbm>>
    tpu.enqueue_dma source(%arg4 : memref<25000xf32, #tpu.memory_space<vmem>>) target(%dma_start3A_826 : memref<25000xf32, #tpu.memory_space<hbm>>) target_semaphore(%dma_start3A_825 : memref<!tpu.dma_semaphore, #tpu.memory_space<semaphore_mem>>)
    %add3A_827 = arith.constant 700000 : i32
    %add3A_828 = arith.addi %mul3A_2, %add3A_827 : i32
    %dma_wait3A_829 = arith.constant 0 : i32
    %dma_wait3A_830 = tpu.memref_slice %arg3[%add3A_828] : memref<32000032xf32, #tpu.memory_space<hbm>> -> memref<25000xf32, #tpu.memory_space<hbm>>
    %dma_wait3A_831 = tpu.memref_slice %arg9[%dma_wait3A_829] : memref<4x!tpu.dma_semaphore, #tpu.memory_space<semaphore_mem>> -> memref<1x!tpu.dma_semaphore, #tpu.memory_space<semaphore_mem>>
    %dma_wait3A_832 = tpu.memref_squeeze %dma_wait3A_831 : memref<1x!tpu.dma_semaphore, #tpu.memory_space<semaphore_mem>> -> memref<!tpu.dma_semaphore, #tpu.memory_space<semaphore_mem>>
    %dma_wait3A_833 = tpu.memref_slice %arg3[%add3A_828] : memref<32000032xf32, #tpu.memory_space<hbm>> -> memref<25000xf32, #tpu.memory_space<hbm>>
    tpu.wait_dma2 semaphore(%dma_wait3A_832 : memref<!tpu.dma_semaphore, #tpu.memory_space<semaphore_mem>>) src(%arg4 : memref<25000xf32, #tpu.memory_space<vmem>>) dst(%dma_wait3A_833 : memref<25000xf32, #tpu.memory_space<hbm>>)
    %add3A_834 = arith.constant 800000 : i32
    %add3A_835 = arith.addi %mul3A_2, %add3A_834 : i32
    %dma_start3A_836 = arith.constant 0 : i32
    %dma_start3A_837 = tpu.memref_slice %arg2[%add3A_835] : memref<32000032xf32, #tpu.memory_space<hbm>> -> memref<25000xf32, #tpu.memory_space<hbm>>
    %dma_start3A_838 = tpu.memref_slice %arg8[%dma_start3A_836] : memref<4x!tpu.dma_semaphore, #tpu.memory_space<semaphore_mem>> -> memref<1x!tpu.dma_semaphore, #tpu.memory_space<semaphore_mem>>
    %dma_start3A_839 = tpu.memref_squeeze %dma_start3A_838 : memref<1x!tpu.dma_semaphore, #tpu.memory_space<semaphore_mem>> -> memref<!tpu.dma_semaphore, #tpu.memory_space<semaphore_mem>>
    %dma_start3A_840 = tpu.memref_slice %arg2[%add3A_835] : memref<32000032xf32, #tpu.memory_space<hbm>> -> memref<25000xf32, #tpu.memory_space<hbm>>
    tpu.enqueue_dma source(%dma_start3A_840 : memref<25000xf32, #tpu.memory_space<hbm>>) target(%arg4 : memref<25000xf32, #tpu.memory_space<vmem>>) target_semaphore(%dma_start3A_839 : memref<!tpu.dma_semaphore, #tpu.memory_space<semaphore_mem>>)
    %add3A_841 = arith.constant 725000 : i32
    %add3A_842 = arith.addi %mul3A_2, %add3A_841 : i32
    %dma_wait3A_843 = arith.constant 1 : i32
    %dma_wait3A_844 = tpu.memref_slice %arg2[%add3A_842] : memref<32000032xf32, #tpu.memory_space<hbm>> -> memref<25000xf32, #tpu.memory_space<hbm>>
    %dma_wait3A_845 = tpu.memref_slice %arg8[%dma_wait3A_843] : memref<4x!tpu.dma_semaphore, #tpu.memory_space<semaphore_mem>> -> memref<1x!tpu.dma_semaphore, #tpu.memory_space<semaphore_mem>>
    %dma_wait3A_846 = tpu.memref_squeeze %dma_wait3A_845 : memref<1x!tpu.dma_semaphore, #tpu.memory_space<semaphore_mem>> -> memref<!tpu.dma_semaphore, #tpu.memory_space<semaphore_mem>>
    %dma_wait3A_847 = tpu.memref_slice %arg2[%add3A_842] : memref<32000032xf32, #tpu.memory_space<hbm>> -> memref<25000xf32, #tpu.memory_space<hbm>>
    tpu.wait_dma2 semaphore(%dma_wait3A_846 : memref<!tpu.dma_semaphore, #tpu.memory_space<semaphore_mem>>) src(%dma_wait3A_847 : memref<25000xf32, #tpu.memory_space<hbm>>) dst(%arg5 : memref<25000xf32, #tpu.memory_space<vmem>>)
    %add3A_848 = arith.constant 725000 : i32
    %add3A_849 = arith.addi %mul3A_2, %add3A_848 : i32
    %dma_start3A_850 = arith.constant 1 : i32
    %dma_start3A_851 = tpu.memref_slice %arg3[%add3A_849] : memref<32000032xf32, #tpu.memory_space<hbm>> -> memref<25000xf32, #tpu.memory_space<hbm>>
    %dma_start3A_852 = tpu.memref_slice %arg9[%dma_start3A_850] : memref<4x!tpu.dma_semaphore, #tpu.memory_space<semaphore_mem>> -> memref<1x!tpu.dma_semaphore, #tpu.memory_space<semaphore_mem>>
    %dma_start3A_853 = tpu.memref_squeeze %dma_start3A_852 : memref<1x!tpu.dma_semaphore, #tpu.memory_space<semaphore_mem>> -> memref<!tpu.dma_semaphore, #tpu.memory_space<semaphore_mem>>
    %dma_start3A_854 = tpu.memref_slice %arg3[%add3A_849] : memref<32000032xf32, #tpu.memory_space<hbm>> -> memref<25000xf32, #tpu.memory_space<hbm>>
    tpu.enqueue_dma source(%arg5 : memref<25000xf32, #tpu.memory_space<vmem>>) target(%dma_start3A_854 : memref<25000xf32, #tpu.memory_space<hbm>>) target_semaphore(%dma_start3A_853 : memref<!tpu.dma_semaphore, #tpu.memory_space<semaphore_mem>>)
    %add3A_855 = arith.constant 725000 : i32
    %add3A_856 = arith.addi %mul3A_2, %add3A_855 : i32
    %dma_wait3A_857 = arith.constant 1 : i32
    %dma_wait3A_858 = tpu.memref_slice %arg3[%add3A_856] : memref<32000032xf32, #tpu.memory_space<hbm>> -> memref<25000xf32, #tpu.memory_space<hbm>>
    %dma_wait3A_859 = tpu.memref_slice %arg9[%dma_wait3A_857] : memref<4x!tpu.dma_semaphore, #tpu.memory_space<semaphore_mem>> -> memref<1x!tpu.dma_semaphore, #tpu.memory_space<semaphore_mem>>
    %dma_wait3A_860 = tpu.memref_squeeze %dma_wait3A_859 : memref<1x!tpu.dma_semaphore, #tpu.memory_space<semaphore_mem>> -> memref<!tpu.dma_semaphore, #tpu.memory_space<semaphore_mem>>
    %dma_wait3A_861 = tpu.memref_slice %arg3[%add3A_856] : memref<32000032xf32, #tpu.memory_space<hbm>> -> memref<25000xf32, #tpu.memory_space<hbm>>
    tpu.wait_dma2 semaphore(%dma_wait3A_860 : memref<!tpu.dma_semaphore, #tpu.memory_space<semaphore_mem>>) src(%arg5 : memref<25000xf32, #tpu.memory_space<vmem>>) dst(%dma_wait3A_861 : memref<25000xf32, #tpu.memory_space<hbm>>)
    %add3A_862 = arith.constant 825000 : i32
    %add3A_863 = arith.addi %mul3A_2, %add3A_862 : i32
    %dma_start3A_864 = arith.constant 1 : i32
    %dma_start3A_865 = tpu.memref_slice %arg2[%add3A_863] : memref<32000032xf32, #tpu.memory_space<hbm>> -> memref<25000xf32, #tpu.memory_space<hbm>>
    %dma_start3A_866 = tpu.memref_slice %arg8[%dma_start3A_864] : memref<4x!tpu.dma_semaphore, #tpu.memory_space<semaphore_mem>> -> memref<1x!tpu.dma_semaphore, #tpu.memory_space<semaphore_mem>>
    %dma_start3A_867 = tpu.memref_squeeze %dma_start3A_866 : memref<1x!tpu.dma_semaphore, #tpu.memory_space<semaphore_mem>> -> memref<!tpu.dma_semaphore, #tpu.memory_space<semaphore_mem>>
    %dma_start3A_868 = tpu.memref_slice %arg2[%add3A_863] : memref<32000032xf32, #tpu.memory_space<hbm>> -> memref<25000xf32, #tpu.memory_space<hbm>>
    tpu.enqueue_dma source(%dma_start3A_868 : memref<25000xf32, #tpu.memory_space<hbm>>) target(%arg5 : memref<25000xf32, #tpu.memory_space<vmem>>) target_semaphore(%dma_start3A_867 : memref<!tpu.dma_semaphore, #tpu.memory_space<semaphore_mem>>)
    %add3A_869 = arith.constant 750000 : i32
    %add3A_870 = arith.addi %mul3A_2, %add3A_869 : i32
    %dma_wait3A_871 = arith.constant 2 : i32
    %dma_wait3A_872 = tpu.memref_slice %arg2[%add3A_870] : memref<32000032xf32, #tpu.memory_space<hbm>> -> memref<25000xf32, #tpu.memory_space<hbm>>
    %dma_wait3A_873 = tpu.memref_slice %arg8[%dma_wait3A_871] : memref<4x!tpu.dma_semaphore, #tpu.memory_space<semaphore_mem>> -> memref<1x!tpu.dma_semaphore, #tpu.memory_space<semaphore_mem>>
    %dma_wait3A_874 = tpu.memref_squeeze %dma_wait3A_873 : memref<1x!tpu.dma_semaphore, #tpu.memory_space<semaphore_mem>> -> memref<!tpu.dma_semaphore, #tpu.memory_space<semaphore_mem>>
    %dma_wait3A_875 = tpu.memref_slice %arg2[%add3A_870] : memref<32000032xf32, #tpu.memory_space<hbm>> -> memref<25000xf32, #tpu.memory_space<hbm>>
    tpu.wait_dma2 semaphore(%dma_wait3A_874 : memref<!tpu.dma_semaphore, #tpu.memory_space<semaphore_mem>>) src(%dma_wait3A_875 : memref<25000xf32, #tpu.memory_space<hbm>>) dst(%arg6 : memref<25000xf32, #tpu.memory_space<vmem>>)
    %add3A_876 = arith.constant 750000 : i32
    %add3A_877 = arith.addi %mul3A_2, %add3A_876 : i32
    %dma_start3A_878 = arith.constant 2 : i32
    %dma_start3A_879 = tpu.memref_slice %arg3[%add3A_877] : memref<32000032xf32, #tpu.memory_space<hbm>> -> memref<25000xf32, #tpu.memory_space<hbm>>
    %dma_start3A_880 = tpu.memref_slice %arg9[%dma_start3A_878] : memref<4x!tpu.dma_semaphore, #tpu.memory_space<semaphore_mem>> -> memref<1x!tpu.dma_semaphore, #tpu.memory_space<semaphore_mem>>
    %dma_start3A_881 = tpu.memref_squeeze %dma_start3A_880 : memref<1x!tpu.dma_semaphore, #tpu.memory_space<semaphore_mem>> -> memref<!tpu.dma_semaphore, #tpu.memory_space<semaphore_mem>>
    %dma_start3A_882 = tpu.memref_slice %arg3[%add3A_877] : memref<32000032xf32, #tpu.memory_space<hbm>> -> memref<25000xf32, #tpu.memory_space<hbm>>
    tpu.enqueue_dma source(%arg6 : memref<25000xf32, #tpu.memory_space<vmem>>) target(%dma_start3A_882 : memref<25000xf32, #tpu.memory_space<hbm>>) target_semaphore(%dma_start3A_881 : memref<!tpu.dma_semaphore, #tpu.memory_space<semaphore_mem>>)
    %add3A_883 = arith.constant 750000 : i32
    %add3A_884 = arith.addi %mul3A_2, %add3A_883 : i32
    %dma_wait3A_885 = arith.constant 2 : i32
    %dma_wait3A_886 = tpu.memref_slice %arg3[%add3A_884] : memref<32000032xf32, #tpu.memory_space<hbm>> -> memref<25000xf32, #tpu.memory_space<hbm>>
    %dma_wait3A_887 = tpu.memref_slice %arg9[%dma_wait3A_885] : memref<4x!tpu.dma_semaphore, #tpu.memory_space<semaphore_mem>> -> memref<1x!tpu.dma_semaphore, #tpu.memory_space<semaphore_mem>>
    %dma_wait3A_888 = tpu.memref_squeeze %dma_wait3A_887 : memref<1x!tpu.dma_semaphore, #tpu.memory_space<semaphore_mem>> -> memref<!tpu.dma_semaphore, #tpu.memory_space<semaphore_mem>>
    %dma_wait3A_889 = tpu.memref_slice %arg3[%add3A_884] : memref<32000032xf32, #tpu.memory_space<hbm>> -> memref<25000xf32, #tpu.memory_space<hbm>>
    tpu.wait_dma2 semaphore(%dma_wait3A_888 : memref<!tpu.dma_semaphore, #tpu.memory_space<semaphore_mem>>) src(%arg6 : memref<25000xf32, #tpu.memory_space<vmem>>) dst(%dma_wait3A_889 : memref<25000xf32, #tpu.memory_space<hbm>>)
    %add3A_890 = arith.constant 850000 : i32
    %add3A_891 = arith.addi %mul3A_2, %add3A_890 : i32
    %dma_start3A_892 = arith.constant 2 : i32
    %dma_start3A_893 = tpu.memref_slice %arg2[%add3A_891] : memref<32000032xf32, #tpu.memory_space<hbm>> -> memref<25000xf32, #tpu.memory_space<hbm>>
    %dma_start3A_894 = tpu.memref_slice %arg8[%dma_start3A_892] : memref<4x!tpu.dma_semaphore, #tpu.memory_space<semaphore_mem>> -> memref<1x!tpu.dma_semaphore, #tpu.memory_space<semaphore_mem>>
    %dma_start3A_895 = tpu.memref_squeeze %dma_start3A_894 : memref<1x!tpu.dma_semaphore, #tpu.memory_space<semaphore_mem>> -> memref<!tpu.dma_semaphore, #tpu.memory_space<semaphore_mem>>
    %dma_start3A_896 = tpu.memref_slice %arg2[%add3A_891] : memref<32000032xf32, #tpu.memory_space<hbm>> -> memref<25000xf32, #tpu.memory_space<hbm>>
    tpu.enqueue_dma source(%dma_start3A_896 : memref<25000xf32, #tpu.memory_space<hbm>>) target(%arg6 : memref<25000xf32, #tpu.memory_space<vmem>>) target_semaphore(%dma_start3A_895 : memref<!tpu.dma_semaphore, #tpu.memory_space<semaphore_mem>>)
    %add3A_897 = arith.constant 775000 : i32
    %add3A_898 = arith.addi %mul3A_2, %add3A_897 : i32
    %dma_wait3A_899 = arith.constant 3 : i32
    %dma_wait3A_900 = tpu.memref_slice %arg2[%add3A_898] : memref<32000032xf32, #tpu.memory_space<hbm>> -> memref<25000xf32, #tpu.memory_space<hbm>>
    %dma_wait3A_901 = tpu.memref_slice %arg8[%dma_wait3A_899] : memref<4x!tpu.dma_semaphore, #tpu.memory_space<semaphore_mem>> -> memref<1x!tpu.dma_semaphore, #tpu.memory_space<semaphore_mem>>
    %dma_wait3A_902 = tpu.memref_squeeze %dma_wait3A_901 : memref<1x!tpu.dma_semaphore, #tpu.memory_space<semaphore_mem>> -> memref<!tpu.dma_semaphore, #tpu.memory_space<semaphore_mem>>
    %dma_wait3A_903 = tpu.memref_slice %arg2[%add3A_898] : memref<32000032xf32, #tpu.memory_space<hbm>> -> memref<25000xf32, #tpu.memory_space<hbm>>
    tpu.wait_dma2 semaphore(%dma_wait3A_902 : memref<!tpu.dma_semaphore, #tpu.memory_space<semaphore_mem>>) src(%dma_wait3A_903 : memref<25000xf32, #tpu.memory_space<hbm>>) dst(%arg7 : memref<25000xf32, #tpu.memory_space<vmem>>)
    %add3A_904 = arith.constant 775000 : i32
    %add3A_905 = arith.addi %mul3A_2, %add3A_904 : i32
    %dma_start3A_906 = arith.constant 3 : i32
    %dma_start3A_907 = tpu.memref_slice %arg3[%add3A_905] : memref<32000032xf32, #tpu.memory_space<hbm>> -> memref<25000xf32, #tpu.memory_space<hbm>>
    %dma_start3A_908 = tpu.memref_slice %arg9[%dma_start3A_906] : memref<4x!tpu.dma_semaphore, #tpu.memory_space<semaphore_mem>> -> memref<1x!tpu.dma_semaphore, #tpu.memory_space<semaphore_mem>>
    %dma_start3A_909 = tpu.memref_squeeze %dma_start3A_908 : memref<1x!tpu.dma_semaphore, #tpu.memory_space<semaphore_mem>> -> memref<!tpu.dma_semaphore, #tpu.memory_space<semaphore_mem>>
    %dma_start3A_910 = tpu.memref_slice %arg3[%add3A_905] : memref<32000032xf32, #tpu.memory_space<hbm>> -> memref<25000xf32, #tpu.memory_space<hbm>>
    tpu.enqueue_dma source(%arg7 : memref<25000xf32, #tpu.memory_space<vmem>>) target(%dma_start3A_910 : memref<25000xf32, #tpu.memory_space<hbm>>) target_semaphore(%dma_start3A_909 : memref<!tpu.dma_semaphore, #tpu.memory_space<semaphore_mem>>)
    %add3A_911 = arith.constant 775000 : i32
    %add3A_912 = arith.addi %mul3A_2, %add3A_911 : i32
    %dma_wait3A_913 = arith.constant 3 : i32
    %dma_wait3A_914 = tpu.memref_slice %arg3[%add3A_912] : memref<32000032xf32, #tpu.memory_space<hbm>> -> memref<25000xf32, #tpu.memory_space<hbm>>
    %dma_wait3A_915 = tpu.memref_slice %arg9[%dma_wait3A_913] : memref<4x!tpu.dma_semaphore, #tpu.memory_space<semaphore_mem>> -> memref<1x!tpu.dma_semaphore, #tpu.memory_space<semaphore_mem>>
    %dma_wait3A_916 = tpu.memref_squeeze %dma_wait3A_915 : memref<1x!tpu.dma_semaphore, #tpu.memory_space<semaphore_mem>> -> memref<!tpu.dma_semaphore, #tpu.memory_space<semaphore_mem>>
    %dma_wait3A_917 = tpu.memref_slice %arg3[%add3A_912] : memref<32000032xf32, #tpu.memory_space<hbm>> -> memref<25000xf32, #tpu.memory_space<hbm>>
    tpu.wait_dma2 semaphore(%dma_wait3A_916 : memref<!tpu.dma_semaphore, #tpu.memory_space<semaphore_mem>>) src(%arg7 : memref<25000xf32, #tpu.memory_space<vmem>>) dst(%dma_wait3A_917 : memref<25000xf32, #tpu.memory_space<hbm>>)
    %add3A_918 = arith.constant 875000 : i32
    %add3A_919 = arith.addi %mul3A_2, %add3A_918 : i32
    %dma_start3A_920 = arith.constant 3 : i32
    %dma_start3A_921 = tpu.memref_slice %arg2[%add3A_919] : memref<32000032xf32, #tpu.memory_space<hbm>> -> memref<25000xf32, #tpu.memory_space<hbm>>
    %dma_start3A_922 = tpu.memref_slice %arg8[%dma_start3A_920] : memref<4x!tpu.dma_semaphore, #tpu.memory_space<semaphore_mem>> -> memref<1x!tpu.dma_semaphore, #tpu.memory_space<semaphore_mem>>
    %dma_start3A_923 = tpu.memref_squeeze %dma_start3A_922 : memref<1x!tpu.dma_semaphore, #tpu.memory_space<semaphore_mem>> -> memref<!tpu.dma_semaphore, #tpu.memory_space<semaphore_mem>>
    %dma_start3A_924 = tpu.memref_slice %arg2[%add3A_919] : memref<32000032xf32, #tpu.memory_space<hbm>> -> memref<25000xf32, #tpu.memory_space<hbm>>
    tpu.enqueue_dma source(%dma_start3A_924 : memref<25000xf32, #tpu.memory_space<hbm>>) target(%arg7 : memref<25000xf32, #tpu.memory_space<vmem>>) target_semaphore(%dma_start3A_923 : memref<!tpu.dma_semaphore, #tpu.memory_space<semaphore_mem>>)
    %add3A_925 = arith.constant 800000 : i32
    %add3A_926 = arith.addi %mul3A_2, %add3A_925 : i32
    %dma_wait3A_927 = arith.constant 0 : i32
    %dma_wait3A_928 = tpu.memref_slice %arg2[%add3A_926] : memref<32000032xf32, #tpu.memory_space<hbm>> -> memref<25000xf32, #tpu.memory_space<hbm>>
    %dma_wait3A_929 = tpu.memref_slice %arg8[%dma_wait3A_927] : memref<4x!tpu.dma_semaphore, #tpu.memory_space<semaphore_mem>> -> memref<1x!tpu.dma_semaphore, #tpu.memory_space<semaphore_mem>>
    %dma_wait3A_930 = tpu.memref_squeeze %dma_wait3A_929 : memref<1x!tpu.dma_semaphore, #tpu.memory_space<semaphore_mem>> -> memref<!tpu.dma_semaphore, #tpu.memory_space<semaphore_mem>>
    %dma_wait3A_931 = tpu.memref_slice %arg2[%add3A_926] : memref<32000032xf32, #tpu.memory_space<hbm>> -> memref<25000xf32, #tpu.memory_space<hbm>>
    tpu.wait_dma2 semaphore(%dma_wait3A_930 : memref<!tpu.dma_semaphore, #tpu.memory_space<semaphore_mem>>) src(%dma_wait3A_931 : memref<25000xf32, #tpu.memory_space<hbm>>) dst(%arg4 : memref<25000xf32, #tpu.memory_space<vmem>>)
    %add3A_932 = arith.constant 800000 : i32
    %add3A_933 = arith.addi %mul3A_2, %add3A_932 : i32
    %dma_start3A_934 = arith.constant 0 : i32
    %dma_start3A_935 = tpu.memref_slice %arg3[%add3A_933] : memref<32000032xf32, #tpu.memory_space<hbm>> -> memref<25000xf32, #tpu.memory_space<hbm>>
    %dma_start3A_936 = tpu.memref_slice %arg9[%dma_start3A_934] : memref<4x!tpu.dma_semaphore, #tpu.memory_space<semaphore_mem>> -> memref<1x!tpu.dma_semaphore, #tpu.memory_space<semaphore_mem>>
    %dma_start3A_937 = tpu.memref_squeeze %dma_start3A_936 : memref<1x!tpu.dma_semaphore, #tpu.memory_space<semaphore_mem>> -> memref<!tpu.dma_semaphore, #tpu.memory_space<semaphore_mem>>
    %dma_start3A_938 = tpu.memref_slice %arg3[%add3A_933] : memref<32000032xf32, #tpu.memory_space<hbm>> -> memref<25000xf32, #tpu.memory_space<hbm>>
    tpu.enqueue_dma source(%arg4 : memref<25000xf32, #tpu.memory_space<vmem>>) target(%dma_start3A_938 : memref<25000xf32, #tpu.memory_space<hbm>>) target_semaphore(%dma_start3A_937 : memref<!tpu.dma_semaphore, #tpu.memory_space<semaphore_mem>>)
    %add3A_939 = arith.constant 800000 : i32
    %add3A_940 = arith.addi %mul3A_2, %add3A_939 : i32
    %dma_wait3A_941 = arith.constant 0 : i32
    %dma_wait3A_942 = tpu.memref_slice %arg3[%add3A_940] : memref<32000032xf32, #tpu.memory_space<hbm>> -> memref<25000xf32, #tpu.memory_space<hbm>>
    %dma_wait3A_943 = tpu.memref_slice %arg9[%dma_wait3A_941] : memref<4x!tpu.dma_semaphore, #tpu.memory_space<semaphore_mem>> -> memref<1x!tpu.dma_semaphore, #tpu.memory_space<semaphore_mem>>
    %dma_wait3A_944 = tpu.memref_squeeze %dma_wait3A_943 : memref<1x!tpu.dma_semaphore, #tpu.memory_space<semaphore_mem>> -> memref<!tpu.dma_semaphore, #tpu.memory_space<semaphore_mem>>
    %dma_wait3A_945 = tpu.memref_slice %arg3[%add3A_940] : memref<32000032xf32, #tpu.memory_space<hbm>> -> memref<25000xf32, #tpu.memory_space<hbm>>
    tpu.wait_dma2 semaphore(%dma_wait3A_944 : memref<!tpu.dma_semaphore, #tpu.memory_space<semaphore_mem>>) src(%arg4 : memref<25000xf32, #tpu.memory_space<vmem>>) dst(%dma_wait3A_945 : memref<25000xf32, #tpu.memory_space<hbm>>)
    %add3A_946 = arith.constant 900000 : i32
    %add3A_947 = arith.addi %mul3A_2, %add3A_946 : i32
    %dma_start3A_948 = arith.constant 0 : i32
    %dma_start3A_949 = tpu.memref_slice %arg2[%add3A_947] : memref<32000032xf32, #tpu.memory_space<hbm>> -> memref<25000xf32, #tpu.memory_space<hbm>>
    %dma_start3A_950 = tpu.memref_slice %arg8[%dma_start3A_948] : memref<4x!tpu.dma_semaphore, #tpu.memory_space<semaphore_mem>> -> memref<1x!tpu.dma_semaphore, #tpu.memory_space<semaphore_mem>>
    %dma_start3A_951 = tpu.memref_squeeze %dma_start3A_950 : memref<1x!tpu.dma_semaphore, #tpu.memory_space<semaphore_mem>> -> memref<!tpu.dma_semaphore, #tpu.memory_space<semaphore_mem>>
    %dma_start3A_952 = tpu.memref_slice %arg2[%add3A_947] : memref<32000032xf32, #tpu.memory_space<hbm>> -> memref<25000xf32, #tpu.memory_space<hbm>>
    tpu.enqueue_dma source(%dma_start3A_952 : memref<25000xf32, #tpu.memory_space<hbm>>) target(%arg4 : memref<25000xf32, #tpu.memory_space<vmem>>) target_semaphore(%dma_start3A_951 : memref<!tpu.dma_semaphore, #tpu.memory_space<semaphore_mem>>)
    %add3A_953 = arith.constant 825000 : i32
    %add3A_954 = arith.addi %mul3A_2, %add3A_953 : i32
    %dma_wait3A_955 = arith.constant 1 : i32
    %dma_wait3A_956 = tpu.memref_slice %arg2[%add3A_954] : memref<32000032xf32, #tpu.memory_space<hbm>> -> memref<25000xf32, #tpu.memory_space<hbm>>
    %dma_wait3A_957 = tpu.memref_slice %arg8[%dma_wait3A_955] : memref<4x!tpu.dma_semaphore, #tpu.memory_space<semaphore_mem>> -> memref<1x!tpu.dma_semaphore, #tpu.memory_space<semaphore_mem>>
    %dma_wait3A_958 = tpu.memref_squeeze %dma_wait3A_957 : memref<1x!tpu.dma_semaphore, #tpu.memory_space<semaphore_mem>> -> memref<!tpu.dma_semaphore, #tpu.memory_space<semaphore_mem>>
    %dma_wait3A_959 = tpu.memref_slice %arg2[%add3A_954] : memref<32000032xf32, #tpu.memory_space<hbm>> -> memref<25000xf32, #tpu.memory_space<hbm>>
    tpu.wait_dma2 semaphore(%dma_wait3A_958 : memref<!tpu.dma_semaphore, #tpu.memory_space<semaphore_mem>>) src(%dma_wait3A_959 : memref<25000xf32, #tpu.memory_space<hbm>>) dst(%arg5 : memref<25000xf32, #tpu.memory_space<vmem>>)
    %add3A_960 = arith.constant 825000 : i32
    %add3A_961 = arith.addi %mul3A_2, %add3A_960 : i32
    %dma_start3A_962 = arith.constant 1 : i32
    %dma_start3A_963 = tpu.memref_slice %arg3[%add3A_961] : memref<32000032xf32, #tpu.memory_space<hbm>> -> memref<25000xf32, #tpu.memory_space<hbm>>
    %dma_start3A_964 = tpu.memref_slice %arg9[%dma_start3A_962] : memref<4x!tpu.dma_semaphore, #tpu.memory_space<semaphore_mem>> -> memref<1x!tpu.dma_semaphore, #tpu.memory_space<semaphore_mem>>
    %dma_start3A_965 = tpu.memref_squeeze %dma_start3A_964 : memref<1x!tpu.dma_semaphore, #tpu.memory_space<semaphore_mem>> -> memref<!tpu.dma_semaphore, #tpu.memory_space<semaphore_mem>>
    %dma_start3A_966 = tpu.memref_slice %arg3[%add3A_961] : memref<32000032xf32, #tpu.memory_space<hbm>> -> memref<25000xf32, #tpu.memory_space<hbm>>
    tpu.enqueue_dma source(%arg5 : memref<25000xf32, #tpu.memory_space<vmem>>) target(%dma_start3A_966 : memref<25000xf32, #tpu.memory_space<hbm>>) target_semaphore(%dma_start3A_965 : memref<!tpu.dma_semaphore, #tpu.memory_space<semaphore_mem>>)
    %add3A_967 = arith.constant 825000 : i32
    %add3A_968 = arith.addi %mul3A_2, %add3A_967 : i32
    %dma_wait3A_969 = arith.constant 1 : i32
    %dma_wait3A_970 = tpu.memref_slice %arg3[%add3A_968] : memref<32000032xf32, #tpu.memory_space<hbm>> -> memref<25000xf32, #tpu.memory_space<hbm>>
    %dma_wait3A_971 = tpu.memref_slice %arg9[%dma_wait3A_969] : memref<4x!tpu.dma_semaphore, #tpu.memory_space<semaphore_mem>> -> memref<1x!tpu.dma_semaphore, #tpu.memory_space<semaphore_mem>>
    %dma_wait3A_972 = tpu.memref_squeeze %dma_wait3A_971 : memref<1x!tpu.dma_semaphore, #tpu.memory_space<semaphore_mem>> -> memref<!tpu.dma_semaphore, #tpu.memory_space<semaphore_mem>>
    %dma_wait3A_973 = tpu.memref_slice %arg3[%add3A_968] : memref<32000032xf32, #tpu.memory_space<hbm>> -> memref<25000xf32, #tpu.memory_space<hbm>>
    tpu.wait_dma2 semaphore(%dma_wait3A_972 : memref<!tpu.dma_semaphore, #tpu.memory_space<semaphore_mem>>) src(%arg5 : memref<25000xf32, #tpu.memory_space<vmem>>) dst(%dma_wait3A_973 : memref<25000xf32, #tpu.memory_space<hbm>>)
    %add3A_974 = arith.constant 925000 : i32
    %add3A_975 = arith.addi %mul3A_2, %add3A_974 : i32
    %dma_start3A_976 = arith.constant 1 : i32
    %dma_start3A_977 = tpu.memref_slice %arg2[%add3A_975] : memref<32000032xf32, #tpu.memory_space<hbm>> -> memref<25000xf32, #tpu.memory_space<hbm>>
    %dma_start3A_978 = tpu.memref_slice %arg8[%dma_start3A_976] : memref<4x!tpu.dma_semaphore, #tpu.memory_space<semaphore_mem>> -> memref<1x!tpu.dma_semaphore, #tpu.memory_space<semaphore_mem>>
    %dma_start3A_979 = tpu.memref_squeeze %dma_start3A_978 : memref<1x!tpu.dma_semaphore, #tpu.memory_space<semaphore_mem>> -> memref<!tpu.dma_semaphore, #tpu.memory_space<semaphore_mem>>
    %dma_start3A_980 = tpu.memref_slice %arg2[%add3A_975] : memref<32000032xf32, #tpu.memory_space<hbm>> -> memref<25000xf32, #tpu.memory_space<hbm>>
    tpu.enqueue_dma source(%dma_start3A_980 : memref<25000xf32, #tpu.memory_space<hbm>>) target(%arg5 : memref<25000xf32, #tpu.memory_space<vmem>>) target_semaphore(%dma_start3A_979 : memref<!tpu.dma_semaphore, #tpu.memory_space<semaphore_mem>>)
    %add3A_981 = arith.constant 850000 : i32
    %add3A_982 = arith.addi %mul3A_2, %add3A_981 : i32
    %dma_wait3A_983 = arith.constant 2 : i32
    %dma_wait3A_984 = tpu.memref_slice %arg2[%add3A_982] : memref<32000032xf32, #tpu.memory_space<hbm>> -> memref<25000xf32, #tpu.memory_space<hbm>>
    %dma_wait3A_985 = tpu.memref_slice %arg8[%dma_wait3A_983] : memref<4x!tpu.dma_semaphore, #tpu.memory_space<semaphore_mem>> -> memref<1x!tpu.dma_semaphore, #tpu.memory_space<semaphore_mem>>
    %dma_wait3A_986 = tpu.memref_squeeze %dma_wait3A_985 : memref<1x!tpu.dma_semaphore, #tpu.memory_space<semaphore_mem>> -> memref<!tpu.dma_semaphore, #tpu.memory_space<semaphore_mem>>
    %dma_wait3A_987 = tpu.memref_slice %arg2[%add3A_982] : memref<32000032xf32, #tpu.memory_space<hbm>> -> memref<25000xf32, #tpu.memory_space<hbm>>
    tpu.wait_dma2 semaphore(%dma_wait3A_986 : memref<!tpu.dma_semaphore, #tpu.memory_space<semaphore_mem>>) src(%dma_wait3A_987 : memref<25000xf32, #tpu.memory_space<hbm>>) dst(%arg6 : memref<25000xf32, #tpu.memory_space<vmem>>)
    %add3A_988 = arith.constant 850000 : i32
    %add3A_989 = arith.addi %mul3A_2, %add3A_988 : i32
    %dma_start3A_990 = arith.constant 2 : i32
    %dma_start3A_991 = tpu.memref_slice %arg3[%add3A_989] : memref<32000032xf32, #tpu.memory_space<hbm>> -> memref<25000xf32, #tpu.memory_space<hbm>>
    %dma_start3A_992 = tpu.memref_slice %arg9[%dma_start3A_990] : memref<4x!tpu.dma_semaphore, #tpu.memory_space<semaphore_mem>> -> memref<1x!tpu.dma_semaphore, #tpu.memory_space<semaphore_mem>>
    %dma_start3A_993 = tpu.memref_squeeze %dma_start3A_992 : memref<1x!tpu.dma_semaphore, #tpu.memory_space<semaphore_mem>> -> memref<!tpu.dma_semaphore, #tpu.memory_space<semaphore_mem>>
    %dma_start3A_994 = tpu.memref_slice %arg3[%add3A_989] : memref<32000032xf32, #tpu.memory_space<hbm>> -> memref<25000xf32, #tpu.memory_space<hbm>>
    tpu.enqueue_dma source(%arg6 : memref<25000xf32, #tpu.memory_space<vmem>>) target(%dma_start3A_994 : memref<25000xf32, #tpu.memory_space<hbm>>) target_semaphore(%dma_start3A_993 : memref<!tpu.dma_semaphore, #tpu.memory_space<semaphore_mem>>)
    %add3A_995 = arith.constant 850000 : i32
    %add3A_996 = arith.addi %mul3A_2, %add3A_995 : i32
    %dma_wait3A_997 = arith.constant 2 : i32
    %dma_wait3A_998 = tpu.memref_slice %arg3[%add3A_996] : memref<32000032xf32, #tpu.memory_space<hbm>> -> memref<25000xf32, #tpu.memory_space<hbm>>
    %dma_wait3A_999 = tpu.memref_slice %arg9[%dma_wait3A_997] : memref<4x!tpu.dma_semaphore, #tpu.memory_space<semaphore_mem>> -> memref<1x!tpu.dma_semaphore, #tpu.memory_space<semaphore_mem>>
    %dma_wait3A_1000 = tpu.memref_squeeze %dma_wait3A_999 : memref<1x!tpu.dma_semaphore, #tpu.memory_space<semaphore_mem>> -> memref<!tpu.dma_semaphore, #tpu.memory_space<semaphore_mem>>
    %dma_wait3A_1001 = tpu.memref_slice %arg3[%add3A_996] : memref<32000032xf32, #tpu.memory_space<hbm>> -> memref<25000xf32, #tpu.memory_space<hbm>>
    tpu.wait_dma2 semaphore(%dma_wait3A_1000 : memref<!tpu.dma_semaphore, #tpu.memory_space<semaphore_mem>>) src(%arg6 : memref<25000xf32, #tpu.memory_space<vmem>>) dst(%dma_wait3A_1001 : memref<25000xf32, #tpu.memory_space<hbm>>)
    %add3A_1002 = arith.constant 950000 : i32
    %add3A_1003 = arith.addi %mul3A_2, %add3A_1002 : i32
    %dma_start3A_1004 = arith.constant 2 : i32
    %dma_start3A_1005 = tpu.memref_slice %arg2[%add3A_1003] : memref<32000032xf32, #tpu.memory_space<hbm>> -> memref<25000xf32, #tpu.memory_space<hbm>>
    %dma_start3A_1006 = tpu.memref_slice %arg8[%dma_start3A_1004] : memref<4x!tpu.dma_semaphore, #tpu.memory_space<semaphore_mem>> -> memref<1x!tpu.dma_semaphore, #tpu.memory_space<semaphore_mem>>
    %dma_start3A_1007 = tpu.memref_squeeze %dma_start3A_1006 : memref<1x!tpu.dma_semaphore, #tpu.memory_space<semaphore_mem>> -> memref<!tpu.dma_semaphore, #tpu.memory_space<semaphore_mem>>
    %dma_start3A_1008 = tpu.memref_slice %arg2[%add3A_1003] : memref<32000032xf32, #tpu.memory_space<hbm>> -> memref<25000xf32, #tpu.memory_space<hbm>>
    tpu.enqueue_dma source(%dma_start3A_1008 : memref<25000xf32, #tpu.memory_space<hbm>>) target(%arg6 : memref<25000xf32, #tpu.memory_space<vmem>>) target_semaphore(%dma_start3A_1007 : memref<!tpu.dma_semaphore, #tpu.memory_space<semaphore_mem>>)
    %add3A_1009 = arith.constant 875000 : i32
    %add3A_1010 = arith.addi %mul3A_2, %add3A_1009 : i32
    %dma_wait3A_1011 = arith.constant 3 : i32
    %dma_wait3A_1012 = tpu.memref_slice %arg2[%add3A_1010] : memref<32000032xf32, #tpu.memory_space<hbm>> -> memref<25000xf32, #tpu.memory_space<hbm>>
    %dma_wait3A_1013 = tpu.memref_slice %arg8[%dma_wait3A_1011] : memref<4x!tpu.dma_semaphore, #tpu.memory_space<semaphore_mem>> -> memref<1x!tpu.dma_semaphore, #tpu.memory_space<semaphore_mem>>
    %dma_wait3A_1014 = tpu.memref_squeeze %dma_wait3A_1013 : memref<1x!tpu.dma_semaphore, #tpu.memory_space<semaphore_mem>> -> memref<!tpu.dma_semaphore, #tpu.memory_space<semaphore_mem>>
    %dma_wait3A_1015 = tpu.memref_slice %arg2[%add3A_1010] : memref<32000032xf32, #tpu.memory_space<hbm>> -> memref<25000xf32, #tpu.memory_space<hbm>>
    tpu.wait_dma2 semaphore(%dma_wait3A_1014 : memref<!tpu.dma_semaphore, #tpu.memory_space<semaphore_mem>>) src(%dma_wait3A_1015 : memref<25000xf32, #tpu.memory_space<hbm>>) dst(%arg7 : memref<25000xf32, #tpu.memory_space<vmem>>)
    %add3A_1016 = arith.constant 875000 : i32
    %add3A_1017 = arith.addi %mul3A_2, %add3A_1016 : i32
    %dma_start3A_1018 = arith.constant 3 : i32
    %dma_start3A_1019 = tpu.memref_slice %arg3[%add3A_1017] : memref<32000032xf32, #tpu.memory_space<hbm>> -> memref<25000xf32, #tpu.memory_space<hbm>>
    %dma_start3A_1020 = tpu.memref_slice %arg9[%dma_start3A_1018] : memref<4x!tpu.dma_semaphore, #tpu.memory_space<semaphore_mem>> -> memref<1x!tpu.dma_semaphore, #tpu.memory_space<semaphore_mem>>
    %dma_start3A_1021 = tpu.memref_squeeze %dma_start3A_1020 : memref<1x!tpu.dma_semaphore, #tpu.memory_space<semaphore_mem>> -> memref<!tpu.dma_semaphore, #tpu.memory_space<semaphore_mem>>
    %dma_start3A_1022 = tpu.memref_slice %arg3[%add3A_1017] : memref<32000032xf32, #tpu.memory_space<hbm>> -> memref<25000xf32, #tpu.memory_space<hbm>>
    tpu.enqueue_dma source(%arg7 : memref<25000xf32, #tpu.memory_space<vmem>>) target(%dma_start3A_1022 : memref<25000xf32, #tpu.memory_space<hbm>>) target_semaphore(%dma_start3A_1021 : memref<!tpu.dma_semaphore, #tpu.memory_space<semaphore_mem>>)
    %add3A_1023 = arith.constant 875000 : i32
    %add3A_1024 = arith.addi %mul3A_2, %add3A_1023 : i32
    %dma_wait3A_1025 = arith.constant 3 : i32
    %dma_wait3A_1026 = tpu.memref_slice %arg3[%add3A_1024] : memref<32000032xf32, #tpu.memory_space<hbm>> -> memref<25000xf32, #tpu.memory_space<hbm>>
    %dma_wait3A_1027 = tpu.memref_slice %arg9[%dma_wait3A_1025] : memref<4x!tpu.dma_semaphore, #tpu.memory_space<semaphore_mem>> -> memref<1x!tpu.dma_semaphore, #tpu.memory_space<semaphore_mem>>
    %dma_wait3A_1028 = tpu.memref_squeeze %dma_wait3A_1027 : memref<1x!tpu.dma_semaphore, #tpu.memory_space<semaphore_mem>> -> memref<!tpu.dma_semaphore, #tpu.memory_space<semaphore_mem>>
    %dma_wait3A_1029 = tpu.memref_slice %arg3[%add3A_1024] : memref<32000032xf32, #tpu.memory_space<hbm>> -> memref<25000xf32, #tpu.memory_space<hbm>>
    tpu.wait_dma2 semaphore(%dma_wait3A_1028 : memref<!tpu.dma_semaphore, #tpu.memory_space<semaphore_mem>>) src(%arg7 : memref<25000xf32, #tpu.memory_space<vmem>>) dst(%dma_wait3A_1029 : memref<25000xf32, #tpu.memory_space<hbm>>)
    %add3A_1030 = arith.constant 975000 : i32
    %add3A_1031 = arith.addi %mul3A_2, %add3A_1030 : i32
    %dma_start3A_1032 = arith.constant 3 : i32
    %dma_start3A_1033 = tpu.memref_slice %arg2[%add3A_1031] : memref<32000032xf32, #tpu.memory_space<hbm>> -> memref<25000xf32, #tpu.memory_space<hbm>>
    %dma_start3A_1034 = tpu.memref_slice %arg8[%dma_start3A_1032] : memref<4x!tpu.dma_semaphore, #tpu.memory_space<semaphore_mem>> -> memref<1x!tpu.dma_semaphore, #tpu.memory_space<semaphore_mem>>
    %dma_start3A_1035 = tpu.memref_squeeze %dma_start3A_1034 : memref<1x!tpu.dma_semaphore, #tpu.memory_space<semaphore_mem>> -> memref<!tpu.dma_semaphore, #tpu.memory_space<semaphore_mem>>
    %dma_start3A_1036 = tpu.memref_slice %arg2[%add3A_1031] : memref<32000032xf32, #tpu.memory_space<hbm>> -> memref<25000xf32, #tpu.memory_space<hbm>>
    tpu.enqueue_dma source(%dma_start3A_1036 : memref<25000xf32, #tpu.memory_space<hbm>>) target(%arg7 : memref<25000xf32, #tpu.memory_space<vmem>>) target_semaphore(%dma_start3A_1035 : memref<!tpu.dma_semaphore, #tpu.memory_space<semaphore_mem>>)
    %add3A_1037 = arith.constant 900000 : i32
    %add3A_1038 = arith.addi %mul3A_2, %add3A_1037 : i32
    %dma_wait3A_1039 = arith.constant 0 : i32
    %dma_wait3A_1040 = tpu.memref_slice %arg2[%add3A_1038] : memref<32000032xf32, #tpu.memory_space<hbm>> -> memref<25000xf32, #tpu.memory_space<hbm>>
    %dma_wait3A_1041 = tpu.memref_slice %arg8[%dma_wait3A_1039] : memref<4x!tpu.dma_semaphore, #tpu.memory_space<semaphore_mem>> -> memref<1x!tpu.dma_semaphore, #tpu.memory_space<semaphore_mem>>
    %dma_wait3A_1042 = tpu.memref_squeeze %dma_wait3A_1041 : memref<1x!tpu.dma_semaphore, #tpu.memory_space<semaphore_mem>> -> memref<!tpu.dma_semaphore, #tpu.memory_space<semaphore_mem>>
    %dma_wait3A_1043 = tpu.memref_slice %arg2[%add3A_1038] : memref<32000032xf32, #tpu.memory_space<hbm>> -> memref<25000xf32, #tpu.memory_space<hbm>>
    tpu.wait_dma2 semaphore(%dma_wait3A_1042 : memref<!tpu.dma_semaphore, #tpu.memory_space<semaphore_mem>>) src(%dma_wait3A_1043 : memref<25000xf32, #tpu.memory_space<hbm>>) dst(%arg4 : memref<25000xf32, #tpu.memory_space<vmem>>)
    %add3A_1044 = arith.constant 900000 : i32
    %add3A_1045 = arith.addi %mul3A_2, %add3A_1044 : i32
    %dma_start3A_1046 = arith.constant 0 : i32
    %dma_start3A_1047 = tpu.memref_slice %arg3[%add3A_1045] : memref<32000032xf32, #tpu.memory_space<hbm>> -> memref<25000xf32, #tpu.memory_space<hbm>>
    %dma_start3A_1048 = tpu.memref_slice %arg9[%dma_start3A_1046] : memref<4x!tpu.dma_semaphore, #tpu.memory_space<semaphore_mem>> -> memref<1x!tpu.dma_semaphore, #tpu.memory_space<semaphore_mem>>
    %dma_start3A_1049 = tpu.memref_squeeze %dma_start3A_1048 : memref<1x!tpu.dma_semaphore, #tpu.memory_space<semaphore_mem>> -> memref<!tpu.dma_semaphore, #tpu.memory_space<semaphore_mem>>
    %dma_start3A_1050 = tpu.memref_slice %arg3[%add3A_1045] : memref<32000032xf32, #tpu.memory_space<hbm>> -> memref<25000xf32, #tpu.memory_space<hbm>>
    tpu.enqueue_dma source(%arg4 : memref<25000xf32, #tpu.memory_space<vmem>>) target(%dma_start3A_1050 : memref<25000xf32, #tpu.memory_space<hbm>>) target_semaphore(%dma_start3A_1049 : memref<!tpu.dma_semaphore, #tpu.memory_space<semaphore_mem>>)
    %add3A_1051 = arith.constant 925000 : i32
    %add3A_1052 = arith.addi %mul3A_2, %add3A_1051 : i32
    %dma_wait3A_1053 = arith.constant 1 : i32
    %dma_wait3A_1054 = tpu.memref_slice %arg2[%add3A_1052] : memref<32000032xf32, #tpu.memory_space<hbm>> -> memref<25000xf32, #tpu.memory_space<hbm>>
    %dma_wait3A_1055 = tpu.memref_slice %arg8[%dma_wait3A_1053] : memref<4x!tpu.dma_semaphore, #tpu.memory_space<semaphore_mem>> -> memref<1x!tpu.dma_semaphore, #tpu.memory_space<semaphore_mem>>
    %dma_wait3A_1056 = tpu.memref_squeeze %dma_wait3A_1055 : memref<1x!tpu.dma_semaphore, #tpu.memory_space<semaphore_mem>> -> memref<!tpu.dma_semaphore, #tpu.memory_space<semaphore_mem>>
    %dma_wait3A_1057 = tpu.memref_slice %arg2[%add3A_1052] : memref<32000032xf32, #tpu.memory_space<hbm>> -> memref<25000xf32, #tpu.memory_space<hbm>>
    tpu.wait_dma2 semaphore(%dma_wait3A_1056 : memref<!tpu.dma_semaphore, #tpu.memory_space<semaphore_mem>>) src(%dma_wait3A_1057 : memref<25000xf32, #tpu.memory_space<hbm>>) dst(%arg5 : memref<25000xf32, #tpu.memory_space<vmem>>)
    %add3A_1058 = arith.constant 925000 : i32
    %add3A_1059 = arith.addi %mul3A_2, %add3A_1058 : i32
    %dma_start3A_1060 = arith.constant 1 : i32
    %dma_start3A_1061 = tpu.memref_slice %arg3[%add3A_1059] : memref<32000032xf32, #tpu.memory_space<hbm>> -> memref<25000xf32, #tpu.memory_space<hbm>>
    %dma_start3A_1062 = tpu.memref_slice %arg9[%dma_start3A_1060] : memref<4x!tpu.dma_semaphore, #tpu.memory_space<semaphore_mem>> -> memref<1x!tpu.dma_semaphore, #tpu.memory_space<semaphore_mem>>
    %dma_start3A_1063 = tpu.memref_squeeze %dma_start3A_1062 : memref<1x!tpu.dma_semaphore, #tpu.memory_space<semaphore_mem>> -> memref<!tpu.dma_semaphore, #tpu.memory_space<semaphore_mem>>
    %dma_start3A_1064 = tpu.memref_slice %arg3[%add3A_1059] : memref<32000032xf32, #tpu.memory_space<hbm>> -> memref<25000xf32, #tpu.memory_space<hbm>>
    tpu.enqueue_dma source(%arg5 : memref<25000xf32, #tpu.memory_space<vmem>>) target(%dma_start3A_1064 : memref<25000xf32, #tpu.memory_space<hbm>>) target_semaphore(%dma_start3A_1063 : memref<!tpu.dma_semaphore, #tpu.memory_space<semaphore_mem>>)
    %add3A_1065 = arith.constant 950000 : i32
    %add3A_1066 = arith.addi %mul3A_2, %add3A_1065 : i32
    %dma_wait3A_1067 = arith.constant 2 : i32
    %dma_wait3A_1068 = tpu.memref_slice %arg2[%add3A_1066] : memref<32000032xf32, #tpu.memory_space<hbm>> -> memref<25000xf32, #tpu.memory_space<hbm>>
    %dma_wait3A_1069 = tpu.memref_slice %arg8[%dma_wait3A_1067] : memref<4x!tpu.dma_semaphore, #tpu.memory_space<semaphore_mem>> -> memref<1x!tpu.dma_semaphore, #tpu.memory_space<semaphore_mem>>
    %dma_wait3A_1070 = tpu.memref_squeeze %dma_wait3A_1069 : memref<1x!tpu.dma_semaphore, #tpu.memory_space<semaphore_mem>> -> memref<!tpu.dma_semaphore, #tpu.memory_space<semaphore_mem>>
    %dma_wait3A_1071 = tpu.memref_slice %arg2[%add3A_1066] : memref<32000032xf32, #tpu.memory_space<hbm>> -> memref<25000xf32, #tpu.memory_space<hbm>>
    tpu.wait_dma2 semaphore(%dma_wait3A_1070 : memref<!tpu.dma_semaphore, #tpu.memory_space<semaphore_mem>>) src(%dma_wait3A_1071 : memref<25000xf32, #tpu.memory_space<hbm>>) dst(%arg6 : memref<25000xf32, #tpu.memory_space<vmem>>)
    %add3A_1072 = arith.constant 950000 : i32
    %add3A_1073 = arith.addi %mul3A_2, %add3A_1072 : i32
    %dma_start3A_1074 = arith.constant 2 : i32
    %dma_start3A_1075 = tpu.memref_slice %arg3[%add3A_1073] : memref<32000032xf32, #tpu.memory_space<hbm>> -> memref<25000xf32, #tpu.memory_space<hbm>>
    %dma_start3A_1076 = tpu.memref_slice %arg9[%dma_start3A_1074] : memref<4x!tpu.dma_semaphore, #tpu.memory_space<semaphore_mem>> -> memref<1x!tpu.dma_semaphore, #tpu.memory_space<semaphore_mem>>
    %dma_start3A_1077 = tpu.memref_squeeze %dma_start3A_1076 : memref<1x!tpu.dma_semaphore, #tpu.memory_space<semaphore_mem>> -> memref<!tpu.dma_semaphore, #tpu.memory_space<semaphore_mem>>
    %dma_start3A_1078 = tpu.memref_slice %arg3[%add3A_1073] : memref<32000032xf32, #tpu.memory_space<hbm>> -> memref<25000xf32, #tpu.memory_space<hbm>>
    tpu.enqueue_dma source(%arg6 : memref<25000xf32, #tpu.memory_space<vmem>>) target(%dma_start3A_1078 : memref<25000xf32, #tpu.memory_space<hbm>>) target_semaphore(%dma_start3A_1077 : memref<!tpu.dma_semaphore, #tpu.memory_space<semaphore_mem>>)
    %add3A_1079 = arith.constant 975000 : i32
    %add3A_1080 = arith.addi %mul3A_2, %add3A_1079 : i32
    %dma_wait3A_1081 = arith.constant 3 : i32
    %dma_wait3A_1082 = tpu.memref_slice %arg2[%add3A_1080] : memref<32000032xf32, #tpu.memory_space<hbm>> -> memref<25000xf32, #tpu.memory_space<hbm>>
    %dma_wait3A_1083 = tpu.memref_slice %arg8[%dma_wait3A_1081] : memref<4x!tpu.dma_semaphore, #tpu.memory_space<semaphore_mem>> -> memref<1x!tpu.dma_semaphore, #tpu.memory_space<semaphore_mem>>
    %dma_wait3A_1084 = tpu.memref_squeeze %dma_wait3A_1083 : memref<1x!tpu.dma_semaphore, #tpu.memory_space<semaphore_mem>> -> memref<!tpu.dma_semaphore, #tpu.memory_space<semaphore_mem>>
    %dma_wait3A_1085 = tpu.memref_slice %arg2[%add3A_1080] : memref<32000032xf32, #tpu.memory_space<hbm>> -> memref<25000xf32, #tpu.memory_space<hbm>>
    tpu.wait_dma2 semaphore(%dma_wait3A_1084 : memref<!tpu.dma_semaphore, #tpu.memory_space<semaphore_mem>>) src(%dma_wait3A_1085 : memref<25000xf32, #tpu.memory_space<hbm>>) dst(%arg7 : memref<25000xf32, #tpu.memory_space<vmem>>)
    %add3A_1086 = arith.constant 975000 : i32
    %add3A_1087 = arith.addi %mul3A_2, %add3A_1086 : i32
    %dma_start3A_1088 = arith.constant 3 : i32
    %dma_start3A_1089 = tpu.memref_slice %arg3[%add3A_1087] : memref<32000032xf32, #tpu.memory_space<hbm>> -> memref<25000xf32, #tpu.memory_space<hbm>>
    %dma_start3A_1090 = tpu.memref_slice %arg9[%dma_start3A_1088] : memref<4x!tpu.dma_semaphore, #tpu.memory_space<semaphore_mem>> -> memref<1x!tpu.dma_semaphore, #tpu.memory_space<semaphore_mem>>
    %dma_start3A_1091 = tpu.memref_squeeze %dma_start3A_1090 : memref<1x!tpu.dma_semaphore, #tpu.memory_space<semaphore_mem>> -> memref<!tpu.dma_semaphore, #tpu.memory_space<semaphore_mem>>
    %dma_start3A_1092 = tpu.memref_slice %arg3[%add3A_1087] : memref<32000032xf32, #tpu.memory_space<hbm>> -> memref<25000xf32, #tpu.memory_space<hbm>>
    tpu.enqueue_dma source(%arg7 : memref<25000xf32, #tpu.memory_space<vmem>>) target(%dma_start3A_1092 : memref<25000xf32, #tpu.memory_space<hbm>>) target_semaphore(%dma_start3A_1091 : memref<!tpu.dma_semaphore, #tpu.memory_space<semaphore_mem>>)
    %add3A_1093 = arith.constant 900000 : i32
    %add3A_1094 = arith.addi %mul3A_2, %add3A_1093 : i32
    %dma_wait3A_1095 = arith.constant 0 : i32
    %dma_wait3A_1096 = tpu.memref_slice %arg3[%add3A_1094] : memref<32000032xf32, #tpu.memory_space<hbm>> -> memref<25000xf32, #tpu.memory_space<hbm>>
    %dma_wait3A_1097 = tpu.memref_slice %arg9[%dma_wait3A_1095] : memref<4x!tpu.dma_semaphore, #tpu.memory_space<semaphore_mem>> -> memref<1x!tpu.dma_semaphore, #tpu.memory_space<semaphore_mem>>
    %dma_wait3A_1098 = tpu.memref_squeeze %dma_wait3A_1097 : memref<1x!tpu.dma_semaphore, #tpu.memory_space<semaphore_mem>> -> memref<!tpu.dma_semaphore, #tpu.memory_space<semaphore_mem>>
    %dma_wait3A_1099 = tpu.memref_slice %arg3[%add3A_1094] : memref<32000032xf32, #tpu.memory_space<hbm>> -> memref<25000xf32, #tpu.memory_space<hbm>>
    tpu.wait_dma2 semaphore(%dma_wait3A_1098 : memref<!tpu.dma_semaphore, #tpu.memory_space<semaphore_mem>>) src(%arg4 : memref<25000xf32, #tpu.memory_space<vmem>>) dst(%dma_wait3A_1099 : memref<25000xf32, #tpu.memory_space<hbm>>)
    %add3A_1100 = arith.constant 925000 : i32
    %add3A_1101 = arith.addi %mul3A_2, %add3A_1100 : i32
    %dma_wait3A_1102 = arith.constant 1 : i32
    %dma_wait3A_1103 = tpu.memref_slice %arg3[%add3A_1101] : memref<32000032xf32, #tpu.memory_space<hbm>> -> memref<25000xf32, #tpu.memory_space<hbm>>
    %dma_wait3A_1104 = tpu.memref_slice %arg9[%dma_wait3A_1102] : memref<4x!tpu.dma_semaphore, #tpu.memory_space<semaphore_mem>> -> memref<1x!tpu.dma_semaphore, #tpu.memory_space<semaphore_mem>>
    %dma_wait3A_1105 = tpu.memref_squeeze %dma_wait3A_1104 : memref<1x!tpu.dma_semaphore, #tpu.memory_space<semaphore_mem>> -> memref<!tpu.dma_semaphore, #tpu.memory_space<semaphore_mem>>
    %dma_wait3A_1106 = tpu.memref_slice %arg3[%add3A_1101] : memref<32000032xf32, #tpu.memory_space<hbm>> -> memref<25000xf32, #tpu.memory_space<hbm>>
    tpu.wait_dma2 semaphore(%dma_wait3A_1105 : memref<!tpu.dma_semaphore, #tpu.memory_space<semaphore_mem>>) src(%arg5 : memref<25000xf32, #tpu.memory_space<vmem>>) dst(%dma_wait3A_1106 : memref<25000xf32, #tpu.memory_space<hbm>>)
    %add3A_1107 = arith.constant 950000 : i32
    %add3A_1108 = arith.addi %mul3A_2, %add3A_1107 : i32
    %dma_wait3A_1109 = arith.constant 2 : i32
    %dma_wait3A_1110 = tpu.memref_slice %arg3[%add3A_1108] : memref<32000032xf32, #tpu.memory_space<hbm>> -> memref<25000xf32, #tpu.memory_space<hbm>>
    %dma_wait3A_1111 = tpu.memref_slice %arg9[%dma_wait3A_1109] : memref<4x!tpu.dma_semaphore, #tpu.memory_space<semaphore_mem>> -> memref<1x!tpu.dma_semaphore, #tpu.memory_space<semaphore_mem>>
    %dma_wait3A_1112 = tpu.memref_squeeze %dma_wait3A_1111 : memref<1x!tpu.dma_semaphore, #tpu.memory_space<semaphore_mem>> -> memref<!tpu.dma_semaphore, #tpu.memory_space<semaphore_mem>>
    %dma_wait3A_1113 = tpu.memref_slice %arg3[%add3A_1108] : memref<32000032xf32, #tpu.memory_space<hbm>> -> memref<25000xf32, #tpu.memory_space<hbm>>
    tpu.wait_dma2 semaphore(%dma_wait3A_1112 : memref<!tpu.dma_semaphore, #tpu.memory_space<semaphore_mem>>) src(%arg6 : memref<25000xf32, #tpu.memory_space<vmem>>) dst(%dma_wait3A_1113 : memref<25000xf32, #tpu.memory_space<hbm>>)
    %add3A_1114 = arith.constant 975000 : i32
    %add3A_1115 = arith.addi %mul3A_2, %add3A_1114 : i32
    %dma_wait3A_1116 = arith.constant 3 : i32
    %dma_wait3A_1117 = tpu.memref_slice %arg3[%add3A_1115] : memref<32000032xf32, #tpu.memory_space<hbm>> -> memref<25000xf32, #tpu.memory_space<hbm>>
    %dma_wait3A_1118 = tpu.memref_slice %arg9[%dma_wait3A_1116] : memref<4x!tpu.dma_semaphore, #tpu.memory_space<semaphore_mem>> -> memref<1x!tpu.dma_semaphore, #tpu.memory_space<semaphore_mem>>
    %dma_wait3A_1119 = tpu.memref_squeeze %dma_wait3A_1118 : memref<1x!tpu.dma_semaphore, #tpu.memory_space<semaphore_mem>> -> memref<!tpu.dma_semaphore, #tpu.memory_space<semaphore_mem>>
    %dma_wait3A_1120 = tpu.memref_slice %arg3[%add3A_1115] : memref<32000032xf32, #tpu.memory_space<hbm>> -> memref<25000xf32, #tpu.memory_space<hbm>>
    tpu.wait_dma2 semaphore(%dma_wait3A_1119 : memref<!tpu.dma_semaphore, #tpu.memory_space<semaphore_mem>>) src(%arg7 : memref<25000xf32, #tpu.memory_space<vmem>>) dst(%dma_wait3A_1120 : memref<25000xf32, #tpu.memory_space<hbm>>)
    %eq3A = arith.constant 31 : i32
    %eq3A_1121 = arith.cmpi eq, %add3A, %eq3A : i32
    %convert_element_type3A = arith.extui %eq3A_1121 : i1 to i32
    %cond3A = arith.constant 0 : i32
    %cond3A_1122 = arith.cmpi ne, %convert_element_type3A, %cond3A : i32
    scf.if %cond3A_1122 {
      %dma_start3A_1123 = arith.constant 0 : i32
      %dma_start3A_1124 = arith.constant 0 : i32
      %dma_start3A_1125 = tpu.memref_slice %arg4[%dma_start3A_1124] : memref<25000xf32, #tpu.memory_space<vmem>> -> memref<32xf32, #tpu.memory_space<vmem>>
      %dma_start3A_1126 = arith.constant 32000000 : i32
      %dma_start3A_1127 = tpu.memref_slice %arg2[%dma_start3A_1126] : memref<32000032xf32, #tpu.memory_space<hbm>> -> memref<32xf32, #tpu.memory_space<hbm>>
      %dma_start3A_1128 = tpu.memref_slice %arg8[%dma_start3A_1123] : memref<4x!tpu.dma_semaphore, #tpu.memory_space<semaphore_mem>> -> memref<1x!tpu.dma_semaphore, #tpu.memory_space<semaphore_mem>>
      %dma_start3A_1129 = tpu.memref_squeeze %dma_start3A_1128 : memref<1x!tpu.dma_semaphore, #tpu.memory_space<semaphore_mem>> -> memref<!tpu.dma_semaphore, #tpu.memory_space<semaphore_mem>>
      %dma_start3A_1130 = arith.constant 0 : i32
      %dma_start3A_1131 = tpu.memref_slice %arg4[%dma_start3A_1130] : memref<25000xf32, #tpu.memory_space<vmem>> -> memref<32xf32, #tpu.memory_space<vmem>>
      %dma_start3A_1132 = arith.constant 32000000 : i32
      %dma_start3A_1133 = tpu.memref_slice %arg2[%dma_start3A_1132] : memref<32000032xf32, #tpu.memory_space<hbm>> -> memref<32xf32, #tpu.memory_space<hbm>>
      tpu.enqueue_dma source(%dma_start3A_1133 : memref<32xf32, #tpu.memory_space<hbm>>) target(%dma_start3A_1131 : memref<32xf32, #tpu.memory_space<vmem>>) target_semaphore(%dma_start3A_1129 : memref<!tpu.dma_semaphore, #tpu.memory_space<semaphore_mem>>)
      %dma_wait3A_1134 = arith.constant 0 : i32
      %dma_wait3A_1135 = arith.constant 0 : i32
      %dma_wait3A_1136 = tpu.memref_slice %arg4[%dma_wait3A_1135] : memref<25000xf32, #tpu.memory_space<vmem>> -> memref<32xf32, #tpu.memory_space<vmem>>
      %dma_wait3A_1137 = arith.constant 32000000 : i32
      %dma_wait3A_1138 = tpu.memref_slice %arg2[%dma_wait3A_1137] : memref<32000032xf32, #tpu.memory_space<hbm>> -> memref<32xf32, #tpu.memory_space<hbm>>
      %dma_wait3A_1139 = tpu.memref_slice %arg8[%dma_wait3A_1134] : memref<4x!tpu.dma_semaphore, #tpu.memory_space<semaphore_mem>> -> memref<1x!tpu.dma_semaphore, #tpu.memory_space<semaphore_mem>>
      %dma_wait3A_1140 = tpu.memref_squeeze %dma_wait3A_1139 : memref<1x!tpu.dma_semaphore, #tpu.memory_space<semaphore_mem>> -> memref<!tpu.dma_semaphore, #tpu.memory_space<semaphore_mem>>
      %dma_wait3A_1141 = arith.constant 0 : i32
      %dma_wait3A_1142 = tpu.memref_slice %arg4[%dma_wait3A_1141] : memref<25000xf32, #tpu.memory_space<vmem>> -> memref<32xf32, #tpu.memory_space<vmem>>
      %dma_wait3A_1143 = arith.constant 32000000 : i32
      %dma_wait3A_1144 = tpu.memref_slice %arg2[%dma_wait3A_1143] : memref<32000032xf32, #tpu.memory_space<hbm>> -> memref<32xf32, #tpu.memory_space<hbm>>
      tpu.wait_dma2 semaphore(%dma_wait3A_1140 : memref<!tpu.dma_semaphore, #tpu.memory_space<semaphore_mem>>) src(%dma_wait3A_1144 : memref<32xf32, #tpu.memory_space<hbm>>) dst(%dma_wait3A_1142 : memref<32xf32, #tpu.memory_space<vmem>>)
      %dma_start3A_1145 = arith.constant 0 : i32
      %dma_start3A_1146 = arith.constant 0 : i32
      %dma_start3A_1147 = tpu.memref_slice %arg4[%dma_start3A_1146] : memref<25000xf32, #tpu.memory_space<vmem>> -> memref<32xf32, #tpu.memory_space<vmem>>
      %dma_start3A_1148 = arith.constant 32000000 : i32
      %dma_start3A_1149 = tpu.memref_slice %arg3[%dma_start3A_1148] : memref<32000032xf32, #tpu.memory_space<hbm>> -> memref<32xf32, #tpu.memory_space<hbm>>
      %dma_start3A_1150 = tpu.memref_slice %arg9[%dma_start3A_1145] : memref<4x!tpu.dma_semaphore, #tpu.memory_space<semaphore_mem>> -> memref<1x!tpu.dma_semaphore, #tpu.memory_space<semaphore_mem>>
      %dma_start3A_1151 = tpu.memref_squeeze %dma_start3A_1150 : memref<1x!tpu.dma_semaphore, #tpu.memory_space<semaphore_mem>> -> memref<!tpu.dma_semaphore, #tpu.memory_space<semaphore_mem>>
      %dma_start3A_1152 = arith.constant 32000000 : i32
      %dma_start3A_1153 = tpu.memref_slice %arg3[%dma_start3A_1152] : memref<32000032xf32, #tpu.memory_space<hbm>> -> memref<32xf32, #tpu.memory_space<hbm>>
      %dma_start3A_1154 = arith.constant 0 : i32
      %dma_start3A_1155 = tpu.memref_slice %arg4[%dma_start3A_1154] : memref<25000xf32, #tpu.memory_space<vmem>> -> memref<32xf32, #tpu.memory_space<vmem>>
      tpu.enqueue_dma source(%dma_start3A_1155 : memref<32xf32, #tpu.memory_space<vmem>>) target(%dma_start3A_1153 : memref<32xf32, #tpu.memory_space<hbm>>) target_semaphore(%dma_start3A_1151 : memref<!tpu.dma_semaphore, #tpu.memory_space<semaphore_mem>>)
      %dma_wait3A_1156 = arith.constant 0 : i32
      %dma_wait3A_1157 = arith.constant 0 : i32
      %dma_wait3A_1158 = tpu.memref_slice %arg4[%dma_wait3A_1157] : memref<25000xf32, #tpu.memory_space<vmem>> -> memref<32xf32, #tpu.memory_space<vmem>>
      %dma_wait3A_1159 = arith.constant 32000000 : i32
      %dma_wait3A_1160 = tpu.memref_slice %arg3[%dma_wait3A_1159] : memref<32000032xf32, #tpu.memory_space<hbm>> -> memref<32xf32, #tpu.memory_space<hbm>>
      %dma_wait3A_1161 = tpu.memref_slice %arg9[%dma_wait3A_1156] : memref<4x!tpu.dma_semaphore, #tpu.memory_space<semaphore_mem>> -> memref<1x!tpu.dma_semaphore, #tpu.memory_space<semaphore_mem>>
      %dma_wait3A_1162 = tpu.memref_squeeze %dma_wait3A_1161 : memref<1x!tpu.dma_semaphore, #tpu.memory_space<semaphore_mem>> -> memref<!tpu.dma_semaphore, #tpu.memory_space<semaphore_mem>>
      %dma_wait3A_1163 = arith.constant 32000000 : i32
      %dma_wait3A_1164 = tpu.memref_slice %arg3[%dma_wait3A_1163] : memref<32000032xf32, #tpu.memory_space<hbm>> -> memref<32xf32, #tpu.memory_space<hbm>>
      %dma_wait3A_1165 = arith.constant 0 : i32
      %dma_wait3A_1166 = tpu.memref_slice %arg4[%dma_wait3A_1165] : memref<25000xf32, #tpu.memory_space<vmem>> -> memref<32xf32, #tpu.memory_space<vmem>>
      tpu.wait_dma2 semaphore(%dma_wait3A_1162 : memref<!tpu.dma_semaphore, #tpu.memory_space<semaphore_mem>>) src(%dma_wait3A_1166 : memref<32xf32, #tpu.memory_space<vmem>>) dst(%dma_wait3A_1164 : memref<32xf32, #tpu.memory_space<hbm>>)
    } else {
    }
    return
  }
}

</mosaic_0001>

<sc_bundles>
// kernel: kernel.3.cloned.1.call-start
scs
__scs_entry_jumppad:
0x0: {  	(pc) =	sbr.rel $0x88, $3  }
0x1: {  	(tag) =	ssettag $0x0;
	lr =	simm.s32 $0x1  }
0x2: {  	[smem:$0x3FA0] =	sst lr;
	_ =	strace $0xD0000000  }
0x3: {  	_ = 	snop  }
0x4: {  	_ = 	snop  }
0x5: {  	_ = 	snop  }
0x6: {  	_ = 	snop  }
0x7: {  	_ = 	snop  }
__scs_overlays_trampoline_lowered:
0x8: {  	[smem:$0x3FAF] =	sst s0  }
0x9: {  	[smem:$0x3FB0] =	sst s1  }
0xa: {  	[smem:$0x3FB1] =	sst s2  }
0xb: {  	[smem:$0x3FB2] =	sst s3  }
0xc: {  	[smem:$0x3FB3] =	sst s4  }
0xd: {  	[smem:$0x3FB4] =	sst s5  }
0xe: {  	[smem:$0x3FB5] =	sst s6  }
0xf: {  	[smem:$0x3FB6] =	sst s7  }
0x10: {  	[smem:$0x3FB7] =	sst s8  }
0x11: {  	[smem:$0x3FB8] =	sst s9;
	s0 =	simm.s32 @!p0 $0x0  }
0x12: {  	s1 =	sld [smem:$0x3F9E];
	s0 =	simm.s32 @p0 $0x1  }
0x13: {  	[smem:$0x3FB9] =	sst s0;
	s0 =	simm.s32 @!p1 $0x0  }
0x14: {  	s2 =	sld [smem:$0x3F9D];
	s0 =	simm.s32 @p1 $0x1  }
0x15: {  	[smem:$0x3FBA] =	sst s0;
	s0 =	simm.s32 @!p2 $0x0  }
0x16: {  	s3 =	sld [smem:$0x3FDB];
	s0 =	simm.s32 @p2 $0x1  }
0x17: {  	s4 =	simm.s32 $0x1BF5;
	[smem:$0x3FBC] =	sst s0  }
0x18: {  	s0 =	sld [smem:$0x3F9F];
	_ =	swait.ge [sflag:s4], $0x0  }
0x19: {  	s7 =	sld [smem:$0x3FA0]  }
0x1a: {  	s8 =	sadd.s32 $0xFFFFE003, lr  }
0x1b: {  	s9 =	sadd.s32 $0xFFFFFEF7, lr;
	s5 =	simm.s32 $0xFFFFFFFF;
	p2 =	slt.u32 s8, $0xFFFFF086  }
0x1c: {  	p1 =	slt.u32 s9, $0xF7A;
	s5 =	simm.s32 @!p2 $0x0  }
0x1d: {  	s5 =	simm.s32 @p1 $0x1;
	p0 =	seq.s32 s7, s2  }
0x1e: {  	s7 =	smul.u32 @!p0 $0xF7A, s2;
	p2 =	seq.s32 @!p0 s5, $0x0  }
0x1f: {  	s9 =	smul.u32 $0xF7A, s1;
	s8 =	simm.s32 @!p0 $0x1BF5;
	p2 =	por !p2, p0  }
0x20: {  	[sflag:s8] =	ssyncset.s32 @!p0 $0xFFFFF086;
	s6 =	sadd.s32 @!p0 s3, s7;
	s7 =	simm.s32 @!p0 $0x108  }
0x21: {  	s3 =	sadd.s32 s3, s9;
	s6 =	sadd.s32 @!p0 $0x88, s6;
	s7 =	simm.s32 @p2 $0x1082  }
0x22: {  	[simem:s7], [sflag:s8] =	dma.local @!p0 [hbm:s6], $0xF7A  }
0x23: {  	s9 =	sor.u32 $0xD0000000, s2;
	s6 =	simm.s32 $0x108;
	_ =	swait.ge @!p0 [sflag:s8], $0x0  }
0x24: {  	s3 =	sadd.s32 $0x88, s3;
	s6 =	simm.s32 @!p1 $0x1082;
	[sflag:s4] =	ssyncset.s32 $0xFFFFF086  }
0x25: {  	[simem:s6], [sflag:s4] =	dma.local [hbm:s3], $0xF7A  }
0x26: {  	[smem:$0x3FA0] =	sst s1;
	(tag) =	ssettag s2;
	_ =	strace s9  }
0x27: {  	s1 =	sld [smem:$0x3FB0]  }
0x28: {  	s2 =	sld [smem:$0x3FB1]  }
0x29: {  	s4 =	sld [smem:$0x3FB3]  }
0x2a: {  	p0 =	seq.s32 s5, $0x0;
	s5 =	sld [smem:$0x3FB4]  }
0x2b: {  	s6 =	sld [smem:$0x3FB5]  }
0x2c: {  	s7 =	sld [smem:$0x3FB6]  }
0x2d: {  	s3 =	simm.s32 $0x108;
	s8 =	sld [smem:$0x3FB7]  }
0x2e: {  	s3 =	simm.s32 @!p0 $0x1082;
	s9 =	sld [smem:$0x3FB8]  }
0x2f: {  	lr =	sadd.s32 s0, s3;
	s0 =	sld [smem:$0x3FAF]  }
0x30: {  	s3 =	sld [smem:$0x3FB2]  }
0x31: {  	[smem:$0x3FBB] =	sst s10  }
0x32: {  	s10 =	sld [smem:$0x3FB9];
	_ =	sdelay $0x3  }
0x33: {  	p0 =	seq.s32 s10, $0x1;
	s10 =	sld [smem:$0x3FBB];
	_ =	sdelay $0x3  }
0x34: {  	[smem:$0x3FBB] =	sst s10  }
0x35: {  	s10 =	sld [smem:$0x3FBA];
	_ =	sdelay $0x3  }
0x36: {  	p1 =	seq.s32 s10, $0x1;
	s10 =	sld [smem:$0x3FBB];
	_ =	sdelay $0x3  }
0x37: {  	[smem:$0x3FBB] =	sst s10  }
0x38: {  	s10 =	sld [smem:$0x3FBC]  }
0x39: {  	_ = 	snop;
	(pc) =	sbr.ind lr, $3  }
0x3a: {  	_ = 	snop  }
0x3b: {  	_ = 	snop  }
0x3c: {  	p2 =	seq.s32 s10, $0x1;
	s10 =	sld [smem:$0x3FBB]  }
0x3d: {  	_ =	shalt  }
0x3e: {  	_ =	shalt  }
0x3f: {  	_ =	shalt  }
0x40: {  	_ =	shalt  }
0x41: {  	_ =	shalt  }
0x42: {  	_ =	shalt  }
0x43: {  	_ =	shalt  }
0x44: {  	_ =	shalt  }
0x45: {  	_ =	shalt  }
0x46: {  	_ =	shalt  }
0x47: {  	_ =	shalt  }
0x48: {  	_ =	shalt  }
0x49: {  	_ =	shalt  }
0x4a: {  	_ =	shalt  }
0x4b: {  	_ =	shalt  }
0x4c: {  	_ =	shalt  }
0x4d: {  	_ =	shalt  }
0x4e: {  	_ =	shalt  }
0x4f: {  	_ =	shalt  }
0x50: {  	_ =	shalt  }
0x51: {  	_ =	shalt  }
0x52: {  	_ =	shalt  }
0x53: {  	_ =	shalt  }
0x54: {  	_ =	shalt  }
0x55: {  	_ =	shalt  }
0x56: {  	_ =	shalt  }
0x57: {  	_ =	shalt  }
0x58: {  	_ =	shalt  }
0x59: {  	_ =	shalt  }
0x5a: {  	_ =	shalt  }
0x5b: {  	_ =	shalt  }
0x5c: {  	_ =	shalt  }
0x5d: {  	_ =	shalt  }
0x5e: {  	_ =	shalt  }
0x5f: {  	_ =	shalt  }
0x60: {  	_ =	shalt  }
0x61: {  	_ =	shalt  }
0x62: {  	_ =	shalt  }
0x63: {  	_ =	shalt  }
0x64: {  	_ =	shalt  }
0x65: {  	_ =	shalt  }
0x66: {  	_ =	shalt  }
0x67: {  	_ =	shalt  }
0x68: {  	_ =	shalt  }
0x69: {  	_ =	shalt  }
0x6a: {  	_ =	shalt  }
0x6b: {  	_ =	shalt  }
0x6c: {  	_ =	shalt  }
0x6d: {  	_ =	shalt  }
0x6e: {  	_ =	shalt  }
0x6f: {  	_ =	shalt  }
0x70: {  	_ =	shalt  }
0x71: {  	_ =	shalt  }
0x72: {  	_ =	shalt  }
0x73: {  	_ =	shalt  }
0x74: {  	_ =	shalt  }
0x75: {  	_ =	shalt  }
0x76: {  	_ =	shalt  }
0x77: {  	_ =	shalt  }
0x78: {  	_ =	shalt  }
0x79: {  	_ =	shalt  }
0x7a: {  	_ =	shalt  }
0x7b: {  	_ =	shalt  }
0x7c: {  	_ =	shalt  }
0x7d: {  	_ =	shalt  }
0x7e: {  	_ =	shalt  }
0x7f: {  	_ =	shalt  }
0x80: {  	_ =	shalt  }
0x81: {  	_ =	shalt  }
0x82: {  	_ =	shalt  }
0x83: {  	_ =	shalt  }
0x84: {  	_ =	shalt  }
0x85: {  	_ =	shalt  }
0x86: {  	_ =	shalt  }
0x87: {  	_ =	shalt  }
.Lfunc_end0:
.L_simem_size_0:
called_computation.1_lowered:
.L_overlay_start_0:
0x88: {  	s2 =	sld [smem:$0x3FD9]  }
0x89: {  	s3 =	sld [smem:$0x3FFE];
	_ =	sdelay $0x1  }
0x8a: {  	s1 =	srdreg.scid  }
0x8b: {  	s0 =	sand.u32 $0x1, s1  }
0x8c: {  	s17 =	sshll.u32 s0, $0xA;
	s2 =	sadd.s32 s3, s2  }
0x8d: {  	s2 =	sadd.s32 s2, s17  }
0x8e: {  	[smem:$0x3FC7] =	sst s2  }
0x8f: {  	_ = 	snop  }
0x90: {  	s2 =	sld [smem:$0x3FD0];
	(tm) =	ssettm $0x1  }
0x91: {  	s18 =	sld [smem:$0x3FFB];
	_ =	sdelay $0x3  }
0x92: {  	_ =	strace s18  }
0x93: {  	s3 =	sld [smem:$0x3FFC];
	_ =	sdelay $0x3  }
0x94: {  	_ =	strace s3  }
0x95: {  	s3 =	sld [smem:$0x3FFD];
	_ =	sdelay $0x3  }
0x96: {  	_ =	strace s3  }
0x97: {  	_ =	strace $0x8FFFFFFF  }
0x98: {  	s19 =	sld [smem:$0x3FDB];
	_ =	sdelay $0x1  }
0x99: {  	s4 =	simm.s32 $_scs_section_size  }
0x9a: {  	s5 =	simm.s32 $_size__tile_overlayer_lowered;
	s6 =	simm.s32 $_tile_overlayer_lowered  }
0x9b: {  	s22 =	simm.s32 $0x1BFF;
	s21 =	sshll.u32 s6, $0x1;
	s3 =	sadd.s32 s4, s19  }
0x9c: {  	s7 =	simm.s32 $0x0;
	s20 =	sshll.u32 s5, $0x1;
	s5 =	sadd.s32 s21, s3  }
0x9d: {  	[timem:s7], [sflag:s22] =	dma.local [hbm:s5], s20  }
0x9e: {  	_ =	swait.ge [sflag:s22], s20  }
0x9f: {  	s4 =	ssub.s32 $0x0, s20;
	[sflag:s22] =	ssyncset.done $0x0  }
0xa0: {  	[sflag:s22] =	ssyncadd.s32 s4;
	_ =	sdelay $0x1  }
0xa1: {  	s23 =	simm.s32 $0x1B8B  }
0xa2: {  	_ =	swait.ge [sflag:s23], $0x1  }
0xa3: {  	[sflag:s23] =	ssyncset.done $0x0  }
0xa4: {  	s25 =	simm.s32 $0x1B8E;
	s24 =	sld [smem:$0x3FFE];
	[sflag:s23] =	ssyncadd.s32 $0xFFFFFFFF  }
0xa5: {  	s26 =	simm.s32 $execute0_lowered;
	[smem:$0x3FD2] =	sst s25  }
0xa6: {  	s5 =	sshll.u32 s26, $0x1;
	_ =	strace $0x80000046;
	[dreg:$0x1] =	wrdreg $0xFFFFFFFF  }
0xa7: {  	s28 =	simm.s32 $_size_execute0_lowered;
	s3 =	sadd.s32 s3, s5;
	[dreg:$0x0] =	wrdreg $0x0  }
0xa8: {  	s5 =	sshll.u32 s28, $0x1;
	[dreg:$0x2] =	wrdreg s3  }
0xa9: {  	[dreg:$0x3] =	wrdreg s5  }
0xaa: {  	[dreg:$0x4] =	wrdreg $0xC0  }
0xab: {  	_ =	task [dreg:s7], $0x5FFFF  }
0xac: {  	[dreg:$0x1] =	wrdreg $0xFFFFFFFF  }
0xad: {  	[dreg:$0x0] =	wrdreg $0x60  }
0xae: {  	[dreg:$0x2] =	wrdreg s2  }
0xaf: {  	[dreg:$0x3] =	wrdreg s24  }
0xb0: {  	[dreg:$0x4] =	wrdreg $0x9  }
0xb1: {  	_ =	task.clear_ibuf [dreg:s7], $0x5FFFF;
	_ =	strace $0x90000046  }
0xb2: {  	s29 =	simm.s32 $0x9;
	_ =	strace $0x80000048  }
0xb3: {  	_ =	swait.ge [sflag:s29], $0x1  }
0xb4: {  	[sflag:s29] =	ssyncadd.s32 $0xFFFFFFFF  }
0xb5: {  	_ =	strace $0x90000048  }
0xb6: {  	_ =	sfence  }
0xb7: {  	s30 =	sld [smem:$0x0];
	_ =	sdelay $0x2  }
0xb8: {  	s31 =	sshll.u32 s1, $0xD;
	s1 =	sshrl.u32 s1, $0x2  }
0xb9: {  	s3 =	sand.u32 $0x4000, s31;
	s1 =	sadd.s32 s1, s30  }
0xba: {  	s0 =	sor.u32 s3, s0;
	s1 =	sshll.u32 s1, $0x11  }
0xbb: {  	s0 =	sor.u32 s1, s0  }
0xbc: {  	s0 =	sadd.s32 $0x8F2B, s0  }
0xbd: {  	[sflag:s0] =	ssyncadd.remote.s32 $0x1  }
0xbe: {  	_ =	sfence.sel $0xFFFF  }
0xbf: {  	[dreg:$0x0] =	wrdreg $0xFFFFFFFF;
	(pc) =	sbr.abs _section_cstart, $3  }
0xc0: {  	[dreg:$0x1] =	wrdreg $0xFFFFFFFF  }
0xc1: {  	_ =	task.clear_ibuf [dreg:s7], $0x2FFFF;
	_ =	strace $0x9FFFFFFF  }
0xc2: {  	(tm) =	ssettm $0x7FFFFFFF  }
0xc3: {  	_ =	shalt  }
tec
execute0_lowered:
.L_overlay_start_1:
0x0: {  	(tag) =	ssettag $0x1  }
0x1: {  	s0 =	srdreg.scid;
	s29 =	stileid.u32  }
0x2: {  	s3 =	rddreg [dreg:$0x0];
	s6 =	sand.u32 $0x1, s0;
	s24 =	sshll.u32 s29, $0x1  }
0x3: {  	s7 =	rddreg [dreg:$0x1];
	s1 =	sor.u32 s6, s24  }
0x4: {  	s31 =	rddreg [dreg:$0x2];
	s2 =	simm.s32 $0x0;
	s4 =	smul.u32 $0xF4240, s1  }
0x5: {  	[smem:$0x7FF] =	sst s2  }
0x6: {  	_ =	strace $0x80000047;
	s5 =	sshrl.u32 s4, $0x3;
	s8 =	sadd.s32 $0x61A8, s4  }
0x7: {  	s9 =	sadd.s32 $0x124F8, s4;
	s25 =	sadd.s32 s3, s5;
	s26 =	sshrl.u32 s8, $0x3  }
0x8: {  	s10 =	sadd.s32 $0x186A, s5;
	[dreg:$0x3] =	wrdreg s25;
	s8 =	sadd.s32 s3, s26  }
0x9: {  	s11 =	sshrl.u32 s9, $0x3;
	s30 =	sadd.s32 s3, s10;
	[dreg:$0x4] =	wrdreg s8  }
0xa: {  	s9 =	sadd.s32 $0x800, s7;
	s12 =	sadd.s32 s3, s11;
	[dreg:$0x5] =	wrdreg s30  }
0xb: {  	s13 =	sadd.s32 s9, s5;
	[dreg:$0x6] =	wrdreg s12  }
0xc: {  	s0 =	sadd.s32 s9, s26;
	[dreg:$0x7] =	wrdreg s13  }
0xd: {  	s18 =	sadd.s32 $0x493E, s5;
	s17 =	sadd.s32 s9, s10;
	[dreg:$0x9] =	wrdreg s0  }
0xe: {  	s20 =	sadd.s32 $0x2AB98, s4;
	s19 =	sadd.s32 s3, s18;
	[dreg:$0xb] =	wrdreg s17  }
0xf: {  	s22 =	sshrl.u32 s20, $0x3;
	s21 =	sadd.s32 s9, s11;
	[dreg:$0xc] =	wrdreg s19  }
0x10: {  	s23 =	sadd.s32 s3, s22;
	s25 =	sadd.s32 $0x61A8, s5;
	[dreg:$0xd] =	wrdreg s21  }
0x11: {  	[dreg:$0xe] =	wrdreg s23;
	s26 =	sadd.s32 s3, s25  }
0x12: {  	s17 =	sadd.s32 s9, s18;
	[dreg:$0x10] =	wrdreg s26  }
0x13: {  	s12 =	sadd.s32 $0x30D4, s5;
	s21 =	sadd.s32 s9, s22;
	[dreg:$0x13] =	wrdreg s17  }
0x14: {  	s20 =	sadd.s32 $0x43238, s4;
	s14 =	sadd.s32 s3, s12;
	[dreg:$0x15] =	wrdreg s21  }
0x15: {  	s18 =	sadd.s32 $0x7A12, s5;
	s24 =	sadd.s32 s9, s12;
	[dreg:$0x8] =	wrdreg s14  }
0x16: {  	s22 =	sshrl.u32 s20, $0x3;
	s19 =	sadd.s32 s3, s18;
	[dreg:$0xf] =	wrdreg s24  }
0x17: {  	p1 =	por $0x0, $0x0;
	s23 =	sadd.s32 s3, s22;
	[dreg:$0x14] =	wrdreg s19  }
0x18: {  	s13 =	sadd.s32 $0x1E848, s4;
	s17 =	sadd.s32 s9, s18;
	[dreg:$0x16] =	wrdreg s23  }
0x19: {  	s15 =	sshrl.u32 s13, $0x3;
	s21 =	sadd.s32 s9, s22;
	[dreg:$0x1b] =	wrdreg s17  }
0x1a: {  	s6 =	ssub.s32 $0x2, s6;
	s16 =	sadd.s32 s3, s15;
	[dreg:$0x1d] =	wrdreg s21  }
0x1b: {  	s20 =	sadd.s32 $0x5B8D8, s4;
	s14 =	sadd.s32 s9, s15;
	[dreg:$0xa] =	wrdreg s16  }
0x1c: {  	s18 =	sadd.s32 $0xAAE6, s5;
	s24 =	sadd.s32 s9, s25;
	[dreg:$0x11] =	wrdreg s14  }
0x1d: {  	s22 =	sshrl.u32 s20, $0x3;
	s19 =	sadd.s32 s3, s18;
	[dreg:$0x17] =	wrdreg s24  }
0x1e: {  	p0 =	sne.s32 s1, $0x1F;
	s23 =	sadd.s32 s3, s22;
	[dreg:$0x1c] =	wrdreg s19  }
0x1f: {  	s30 =	sadd.s32 $0x36EE8, s4;
	s17 =	sadd.s32 s9, s18;
	[dreg:$0x1e] =	wrdreg s23  }
0x20: {  	s15 =	sshrl.u32 s30, $0x3;
	s21 =	sadd.s32 s9, s22;
	[smem:$0x7DA] =	sst s17  }
0x21: {  	s25 =	sadd.s32 $0x927C, s5;
	s16 =	sadd.s32 s3, s15;
	[smem:$0x7DC] =	sst s21  }
0x22: {  	s11 =	simm.s32 $0x12600;
	s26 =	sadd.s32 s3, s25;
	[dreg:$0x12] =	wrdreg s16  }
0x23: {  	s20 =	sadd.s32 $0x73F78, s4;
	s14 =	sadd.s32 s9, s15;
	[dreg:$0x18] =	wrdreg s26  }
0x24: {  	s18 =	sadd.s32 $0xDBBA, s5;
	s24 =	sadd.s32 s9, s25;
	[dreg:$0x19] =	wrdreg s14  }
0x25: {  	s22 =	sshrl.u32 s20, $0x3;
	s19 =	sadd.s32 s3, s18;
	[dreg:$0x1f] =	wrdreg s24  }
0x26: {  	s10 =	simm.s32 $0x8;
	s23 =	sadd.s32 s3, s22;
	[smem:$0x7DB] =	sst s19  }
0x27: {  	s30 =	sadd.s32 $0x4F588, s4;
	s17 =	sadd.s32 s9, s18;
	[smem:$0x7DD] =	sst s23  }
0x28: {  	s15 =	sshrl.u32 s30, $0x3;
	s21 =	sadd.s32 s9, s22;
	[smem:$0x7E2] =	sst s17  }
0x29: {  	s25 =	sadd.s32 $0xC350, s5;
	s16 =	sadd.s32 s3, s15;
	[smem:$0x7E4] =	sst s21  }
0x2a: {  	s12 =	simm.s32 $0x7;
	s26 =	sadd.s32 s3, s25;
	[dreg:$0x1a] =	wrdreg s16  }
0x2b: {  	s20 =	sadd.s32 $0x8C618, s4;
	s14 =	sadd.s32 s9, s15;
	[smem:$0x7D7] =	sst s26  }
0x2c: {  	s18 =	sadd.s32 $0x10C8E, s5;
	s24 =	sadd.s32 s9, s25;
	[smem:$0x7D8] =	sst s14  }
0x2d: {  	s22 =	sshrl.u32 s20, $0x3;
	s19 =	sadd.s32 s3, s18;
	[smem:$0x7DE] =	sst s24  }
0x2e: {  	s30 =	sadd.s32 $0x67C28, s4;
	s23 =	sadd.s32 s3, s22;
	[smem:$0x7E3] =	sst s19  }
0x2f: {  	s20 =	sadd.s32 $0xA4CB8, s4;
	s17 =	sadd.s32 s9, s18;
	[smem:$0x7E5] =	sst s23  }
0x30: {  	s15 =	sshrl.u32 s30, $0x3;
	s21 =	sadd.s32 s9, s22;
	[smem:$0x7EA] =	sst s17  }
0x31: {  	s25 =	sadd.s32 $0xF424, s5;
	s16 =	sadd.s32 s3, s15;
	[smem:$0x7EC] =	sst s21  }
0x32: {  	s30 =	sadd.s32 $0x802C8, s4;
	s26 =	sadd.s32 s3, s25;
	[smem:$0x7D9] =	sst s16  }
0x33: {  	s18 =	sadd.s32 $0x13D62, s5;
	s14 =	sadd.s32 s9, s15;
	[smem:$0x7DF] =	sst s26  }
0x34: {  	s22 =	sshrl.u32 s20, $0x3;
	s24 =	sadd.s32 s9, s25;
	[smem:$0x7E0] =	sst s14  }
0x35: {  	s15 =	sshrl.u32 s30, $0x3;
	s19 =	sadd.s32 s3, s18;
	[smem:$0x7E6] =	sst s24  }
0x36: {  	s25 =	sadd.s32 $0x124F8, s5;
	s23 =	sadd.s32 s3, s22;
	[smem:$0x7EB] =	sst s19  }
0x37: {  	s30 =	sadd.s32 $0x98968, s4;
	s22 =	sadd.s32 s9, s22;
	[smem:$0x7ED] =	sst s23  }
0x38: {  	s17 =	sadd.s32 $0x16E36, s5;
	s16 =	sadd.s32 s3, s15;
	[smem:$0x7F4] =	sst s22  }
0x39: {  	s21 =	sadd.s32 $0xBD358, s4;
	s26 =	sadd.s32 s3, s25;
	[smem:$0x7E1] =	sst s16  }
0x3a: {  	s14 =	sadd.s32 s9, s15;
	s15 =	sshrl.u32 s30, $0x3;
	[smem:$0x7E7] =	sst s26  }
0x3b: {  	s24 =	sadd.s32 s9, s25;
	s25 =	sadd.s32 $0x155CC, s5;
	[smem:$0x7E8] =	sst s14  }
0x3c: {  	s30 =	sadd.s32 $0xB1008, s4;
	s20 =	sadd.s32 s3, s17;
	[smem:$0x7EE] =	sst s24  }
0x3d: {  	s23 =	sshrl.u32 s21, $0x3;
	s16 =	sadd.s32 s3, s15;
	[smem:$0x7F3] =	sst s20  }
0x3e: {  	s21 =	sshrl.u32 s6, $0x1;
	s26 =	sadd.s32 s3, s25;
	[smem:$0x7E9] =	sst s16  }
0x3f: {  	s8 =	sadd.s32 s9, s15;
	s14 =	sshrl.u32 s30, $0x3;
	[smem:$0x7EF] =	sst s26  }
0x40: {  	s19 =	sadd.s32 s9, s25;
	s20 =	sadd.s32 $0x186A0, s5;
	[smem:$0x7F0] =	sst s8  }
0x41: {  	s25 =	sadd.s32 $0xC96A8, s4;
	s15 =	sadd.s32 s3, s14;
	[smem:$0x7F6] =	sst s19  }
0x42: {  	s16 =	sadd.s32 s9, s18;
	s18 =	sadd.s32 s3, s23;
	[smem:$0x7F1] =	sst s15  }
0x43: {  	s24 =	sadd.s32 s3, s20;
	s26 =	sadd.s32 s9, s14;
	[smem:$0x7F2] =	sst s16  }
0x44: {  	s30 =	sshrl.u32 s25, $0x3;
	s14 =	sadd.s32 s9, s17;
	[smem:$0x7F5] =	sst s18  }
0x45: {  	s17 =	sadd.s32 $0xD59F8, s4;
	s28 =	sadd.s32 s9, s20;
	[smem:$0x7F7] =	sst s24  }
0x46: {  	[smem:$0x7F8] =	sst s26;
	s13 =	sadd.s32 s3, s30;
	s15 =	sadd.s32 $0x19F0A, s5  }
0x47: {  	[smem:$0x7FA] =	sst s14;
	s18 =	sadd.s32 s9, s23;
	s19 =	sshrl.u32 s17, $0x3  }
0x48: {  	s14 =	ssub.s32 s6, s21;
	s23 =	sadd.s32 $0xE1D48, s4;
	s24 =	sadd.s32 $0x1B774, s5  }
0x49: {  	s25 =	sadd.s32 s9, s30;
	s5 =	sadd.s32 $0x1CFDE, s5;
	s4 =	sadd.s32 $0xEE098, s4  }
0x4a: {  	s21 =	simm.s32 $0x4;
	[smem:$0x7F9] =	sst s13;
	s16 =	sadd.s32 s3, s15  }
0x4b: {  	[smem:$0x7FC] =	sst s18;
	s22 =	sadd.s32 s3, s19;
	s0 =	sshrl.u32 s23, $0x3  }
0x4c: {  	s26 =	sadd.s32 s3, s24;
	s20 =	sadd.s32 s9, s15;
	s18 =	sadd.s32 s3, s5  }
0x4d: {  	s17 =	sadd.s32 s9, s19;
	s4 =	sshrl.u32 s4, $0x3;
	s30 =	smax.u32 s14, $0x1  }
0x4e: {  	s13 =	sadd.s32 s9, s24;
	s6 =	sadd.s32 s9, s5;
	s1 =	sadd.s32 $0xFFFFFFFF, s30  }
0x4f: {  	s14 =	simm.s32 $0xC400;
	s24 =	simm.s32 $0x1;
	p2 =	sne.s32 s1, $0x0  }
.Ltmp0:
0x50: {  	s19 =	simm.s32 $0x3;
	[smem:$0x7FB] =	sst s16;
	(pc) =	sbr.rel @!p2 .LBB2_1-.Ltmp0, $4  }
0x51: {  	[smem:$0x7FD] =	sst s22;
	s23 =	sadd.s32 s3, s0;
	s15 =	sadd.s32 s3, s4  }
0x52: {  	s8 =	sadd.s32 s9, s0;
	s5 =	sadd.s32 s9, s4;
	s4 =	sadd.s32 $0x3D0900, s3  }
0x53: {  	s3 =	sadd.s32 $0x3D1100, s7;
	s16 =	simm.s32 $0x6200;
	s9 =	simm.s32 $0x5  }
0x54: {  	s22 =	simm.s32 $0x2;
	s7 =	simm.s32 $0x6;
	s0 =	rddreg [dreg:$0x3]  }
0x55: {  	[tilespmem:s2], [sflag:$0x1] =	stream.linear.gather [hbm4b:s0+s2], $0x61A8, $0x38;
	[tilespmem:$0x18800] =	vst v63  }
0x56: {  	s29 =	rddreg [dreg:$0x4]  }
0x57: {  	[tilespmem:s16], [sflag:$0x2] =	stream.linear.gather [hbm4b:s29+s2], $0x61A8, $0x38;
	[tilespmem:$0x18800] =	vst v63  }
0x58: {  	s0 =	rddreg [dreg:$0x5]  }
0x59: {  	[tilespmem:s14], [sflag:$0x3] =	stream.linear.gather [hbm4b:s0+s2], $0x61A8, $0x38;
	[tilespmem:$0x18800] =	vst v63  }
0x5a: {  	s29 =	rddreg [dreg:$0x6]  }
0x5b: {  	[tilespmem:s11], [sflag:$0x4] =	stream.linear.gather [hbm4b:s29+s2], $0x61A8, $0x38;
	[tilespmem:$0x18800] =	vst v63  }
0x5c: {  	_ =	swait.ge [sflag:s24], $0x61A8  }
0x5d: {  	[sflag:s24] =	ssyncset.done $0x0  }
0x5e: {  	s29 =	rddreg [dreg:$0x7];
	[sflag:s24] =	ssyncadd.s32 $0xFFFF9E58  }
0x5f: {  	[hbm4b:s29+s2] =	stream.linear.scatter [tilespmem:s2], [sflag:$0x5], $0x61A8, $0x38;
	[tilespmem:$0x18800] =	vst v63  }
0x60: {  	_ =	swait.ge [sflag:s9], $0x61A8  }
0x61: {  	[sflag:s9] =	ssyncset.done $0x0  }
0x62: {  	s29 =	rddreg [dreg:$0x8];
	[sflag:s9] =	ssyncadd.s32 $0xFFFF9E58  }
0x63: {  	[tilespmem:s2], [sflag:$0x1] =	stream.linear.gather [hbm4b:s29+s2], $0x61A8, $0x38;
	[tilespmem:$0x18800] =	vst v63  }
0x64: {  	_ =	swait.ge [sflag:s22], $0x61A8  }
0x65: {  	[sflag:s22] =	ssyncset.done $0x0  }
0x66: {  	s29 =	rddreg [dreg:$0x9];
	[sflag:s22] =	ssyncadd.s32 $0xFFFF9E58  }
0x67: {  	[hbm4b:s29+s2] =	stream.linear.scatter [tilespmem:s16], [sflag:$0x6], $0x61A8, $0x38;
	[tilespmem:$0x18800] =	vst v63  }
0x68: {  	_ =	swait.ge [sflag:s7], $0x61A8  }
0x69: {  	[sflag:s7] =	ssyncset.done $0x0  }
0x6a: {  	s29 =	rddreg [dreg:$0xa];
	[sflag:s7] =	ssyncadd.s32 $0xFFFF9E58  }
0x6b: {  	[tilespmem:s16], [sflag:$0x2] =	stream.linear.gather [hbm4b:s29+s2], $0x61A8, $0x38;
	[tilespmem:$0x18800] =	vst v63  }
0x6c: {  	_ =	swait.ge [sflag:s19], $0x61A8  }
0x6d: {  	[sflag:s19] =	ssyncset.done $0x0  }
0x6e: {  	s29 =	rddreg [dreg:$0xb];
	[sflag:s19] =	ssyncadd.s32 $0xFFFF9E58  }
0x6f: {  	[hbm4b:s29+s2] =	stream.linear.scatter [tilespmem:s14], [sflag:$0x7], $0x61A8, $0x38;
	[tilespmem:$0x18800] =	vst v63  }
0x70: {  	_ =	swait.ge [sflag:s12], $0x61A8  }
0x71: {  	[sflag:s12] =	ssyncset.done $0x0  }
0x72: {  	s29 =	rddreg [dreg:$0xc];
	[sflag:s12] =	ssyncadd.s32 $0xFFFF9E58  }
0x73: {  	[tilespmem:s14], [sflag:$0x3] =	stream.linear.gather [hbm4b:s29+s2], $0x61A8, $0x38;
	[tilespmem:$0x18800] =	vst v63  }
0x74: {  	_ =	swait.ge [sflag:s21], $0x61A8  }
0x75: {  	[sflag:s21] =	ssyncset.done $0x0  }
0x76: {  	s29 =	rddreg [dreg:$0xd];
	[sflag:s21] =	ssyncadd.s32 $0xFFFF9E58  }
0x77: {  	[hbm4b:s29+s2] =	stream.linear.scatter [tilespmem:s11], [sflag:$0x8], $0x61A8, $0x38;
	[tilespmem:$0x18800] =	vst v63  }
0x78: {  	_ =	swait.ge [sflag:s10], $0x61A8  }
0x79: {  	[sflag:s10] =	ssyncset.done $0x0  }
0x7a: {  	s29 =	rddreg [dreg:$0xe];
	[sflag:s10] =	ssyncadd.s32 $0xFFFF9E58  }
0x7b: {  	[tilespmem:s11], [sflag:$0x4] =	stream.linear.gather [hbm4b:s29+s2], $0x61A8, $0x38;
	[tilespmem:$0x18800] =	vst v63  }
0x7c: {  	_ =	swait.ge [sflag:s24], $0x61A8  }
0x7d: {  	[sflag:s24] =	ssyncset.done $0x0  }
0x7e: {  	s29 =	rddreg [dreg:$0xf];
	[sflag:s24] =	ssyncadd.s32 $0xFFFF9E58  }
0x7f: {  	[hbm4b:s29+s2] =	stream.linear.scatter [tilespmem:s2], [sflag:$0x5], $0x61A8, $0x38;
	[tilespmem:$0x18800] =	vst v63  }
0x80: {  	_ =	swait.ge [sflag:s9], $0x61A8  }
0x81: {  	[sflag:s9] =	ssyncset.done $0x0  }
0x82: {  	s29 =	rddreg [dreg:$0x10];
	[sflag:s9] =	ssyncadd.s32 $0xFFFF9E58  }
0x83: {  	[tilespmem:s2], [sflag:$0x1] =	stream.linear.gather [hbm4b:s29+s2], $0x61A8, $0x38;
	[tilespmem:$0x18800] =	vst v63  }
0x84: {  	_ =	swait.ge [sflag:s22], $0x61A8  }
0x85: {  	[sflag:s22] =	ssyncset.done $0x0  }
0x86: {  	s29 =	rddreg [dreg:$0x11];
	[sflag:s22] =	ssyncadd.s32 $0xFFFF9E58  }
0x87: {  	[hbm4b:s29+s2] =	stream.linear.scatter [tilespmem:s16], [sflag:$0x6], $0x61A8, $0x38;
	[tilespmem:$0x18800] =	vst v63  }
0x88: {  	_ =	swait.ge [sflag:s7], $0x61A8  }
0x89: {  	[sflag:s7] =	ssyncset.done $0x0  }
0x8a: {  	s29 =	rddreg [dreg:$0x12];
	[sflag:s7] =	ssyncadd.s32 $0xFFFF9E58  }
0x8b: {  	[tilespmem:s16], [sflag:$0x2] =	stream.linear.gather [hbm4b:s29+s2], $0x61A8, $0x38;
	[tilespmem:$0x18800] =	vst v63  }
0x8c: {  	_ =	swait.ge [sflag:s19], $0x61A8  }
0x8d: {  	[sflag:s19] =	ssyncset.done $0x0  }
0x8e: {  	s29 =	rddreg [dreg:$0x13];
	[sflag:s19] =	ssyncadd.s32 $0xFFFF9E58  }
0x8f: {  	[hbm4b:s29+s2] =	stream.linear.scatter [tilespmem:s14], [sflag:$0x7], $0x61A8, $0x38;
	[tilespmem:$0x18800] =	vst v63  }
0x90: {  	_ =	swait.ge [sflag:s12], $0x61A8  }
0x91: {  	[sflag:s12] =	ssyncset.done $0x0  }
0x92: {  	s29 =	rddreg [dreg:$0x14];
	[sflag:s12] =	ssyncadd.s32 $0xFFFF9E58  }
0x93: {  	[tilespmem:s14], [sflag:$0x3] =	stream.linear.gather [hbm4b:s29+s2], $0x61A8, $0x38;
	[tilespmem:$0x18800] =	vst v63  }
0x94: {  	_ =	swait.ge [sflag:s21], $0x61A8  }
0x95: {  	[sflag:s21] =	ssyncset.done $0x0  }
0x96: {  	s29 =	rddreg [dreg:$0x15];
	[sflag:s21] =	ssyncadd.s32 $0xFFFF9E58  }
0x97: {  	[hbm4b:s29+s2] =	stream.linear.scatter [tilespmem:s11], [sflag:$0x8], $0x61A8, $0x38;
	[tilespmem:$0x18800] =	vst v63  }
0x98: {  	_ =	swait.ge [sflag:s10], $0x61A8  }
0x99: {  	[sflag:s10] =	ssyncset.done $0x0  }
0x9a: {  	s29 =	rddreg [dreg:$0x16];
	[sflag:s10] =	ssyncadd.s32 $0xFFFF9E58  }
0x9b: {  	[tilespmem:s11], [sflag:$0x4] =	stream.linear.gather [hbm4b:s29+s2], $0x61A8, $0x38;
	[tilespmem:$0x18800] =	vst v63  }
0x9c: {  	_ =	swait.ge [sflag:s24], $0x61A8  }
0x9d: {  	[sflag:s24] =	ssyncset.done $0x0  }
0x9e: {  	s29 =	rddreg [dreg:$0x17];
	[sflag:s24] =	ssyncadd.s32 $0xFFFF9E58  }
0x9f: {  	[hbm4b:s29+s2] =	stream.linear.scatter [tilespmem:s2], [sflag:$0x5], $0x61A8, $0x38;
	[tilespmem:$0x18800] =	vst v63  }
0xa0: {  	_ =	swait.ge [sflag:s9], $0x61A8  }
0xa1: {  	[sflag:s9] =	ssyncset.done $0x0  }
0xa2: {  	s29 =	rddreg [dreg:$0x18];
	[sflag:s9] =	ssyncadd.s32 $0xFFFF9E58  }
0xa3: {  	[tilespmem:s2], [sflag:$0x1] =	stream.linear.gather [hbm4b:s29+s2], $0x61A8, $0x38;
	[tilespmem:$0x18800] =	vst v63  }
0xa4: {  	_ =	swait.ge [sflag:s22], $0x61A8  }
0xa5: {  	[sflag:s22] =	ssyncset.done $0x0  }
0xa6: {  	s29 =	rddreg [dreg:$0x19];
	[sflag:s22] =	ssyncadd.s32 $0xFFFF9E58  }
0xa7: {  	[hbm4b:s29+s2] =	stream.linear.scatter [tilespmem:s16], [sflag:$0x6], $0x61A8, $0x38;
	[tilespmem:$0x18800] =	vst v63  }
0xa8: {  	_ =	swait.ge [sflag:s7], $0x61A8  }
0xa9: {  	[sflag:s7] =	ssyncset.done $0x0  }
0xaa: {  	s29 =	rddreg [dreg:$0x1a];
	[sflag:s7] =	ssyncadd.s32 $0xFFFF9E58  }
0xab: {  	[tilespmem:s16], [sflag:$0x2] =	stream.linear.gather [hbm4b:s29+s2], $0x61A8, $0x38;
	[tilespmem:$0x18800] =	vst v63  }
0xac: {  	_ =	swait.ge [sflag:s19], $0x61A8  }
0xad: {  	[sflag:s19] =	ssyncset.done $0x0  }
0xae: {  	s29 =	rddreg [dreg:$0x1b];
	[sflag:s19] =	ssyncadd.s32 $0xFFFF9E58  }
0xaf: {  	[hbm4b:s29+s2] =	stream.linear.scatter [tilespmem:s14], [sflag:$0x7], $0x61A8, $0x38;
	[tilespmem:$0x18800] =	vst v63  }
0xb0: {  	_ =	swait.ge [sflag:s12], $0x61A8  }
0xb1: {  	[sflag:s12] =	ssyncset.done $0x0  }
0xb2: {  	s29 =	rddreg [dreg:$0x1c];
	[sflag:s12] =	ssyncadd.s32 $0xFFFF9E58  }
0xb3: {  	[tilespmem:s14], [sflag:$0x3] =	stream.linear.gather [hbm4b:s29+s2], $0x61A8, $0x38;
	[tilespmem:$0x18800] =	vst v63  }
0xb4: {  	_ =	swait.ge [sflag:s21], $0x61A8  }
0xb5: {  	[sflag:s21] =	ssyncset.done $0x0  }
0xb6: {  	s29 =	rddreg [dreg:$0x1d];
	[sflag:s21] =	ssyncadd.s32 $0xFFFF9E58  }
0xb7: {  	[hbm4b:s29+s2] =	stream.linear.scatter [tilespmem:s11], [sflag:$0x8], $0x61A8, $0x38;
	[tilespmem:$0x18800] =	vst v63  }
0xb8: {  	_ =	swait.ge [sflag:s10], $0x61A8  }
0xb9: {  	[sflag:s10] =	ssyncset.done $0x0  }
0xba: {  	s29 =	rddreg [dreg:$0x1e];
	[sflag:s10] =	ssyncadd.s32 $0xFFFF9E58  }
0xbb: {  	[tilespmem:s11], [sflag:$0x4] =	stream.linear.gather [hbm4b:s29+s2], $0x61A8, $0x38;
	[tilespmem:$0x18800] =	vst v63  }
0xbc: {  	_ =	swait.ge [sflag:s24], $0x61A8  }
0xbd: {  	[sflag:s24] =	ssyncset.done $0x0  }
0xbe: {  	s29 =	rddreg [dreg:$0x1f];
	[sflag:s24] =	ssyncadd.s32 $0xFFFF9E58  }
0xbf: {  	[hbm4b:s29+s2] =	stream.linear.scatter [tilespmem:s2], [sflag:$0x5], $0x61A8, $0x38;
	[tilespmem:$0x18800] =	vst v63  }
0xc0: {  	_ =	swait.ge [sflag:s9], $0x61A8  }
0xc1: {  	s29 =	sld [smem:$0x7D7]  }
0xc2: {  	[sflag:s9] =	ssyncset.done $0x0  }
0xc3: {  	[sflag:s9] =	ssyncadd.s32 $0xFFFF9E58  }
0xc4: {  	[tilespmem:s2], [sflag:$0x1] =	stream.linear.gather [hbm4b:s29+s2], $0x61A8, $0x38;
	[tilespmem:$0x18800] =	vst v63  }
0xc5: {  	_ =	swait.ge [sflag:s22], $0x61A8  }
0xc6: {  	s29 =	sld [smem:$0x7D8]  }
0xc7: {  	[sflag:s22] =	ssyncset.done $0x0  }
0xc8: {  	[sflag:s22] =	ssyncadd.s32 $0xFFFF9E58  }
0xc9: {  	[hbm4b:s29+s2] =	stream.linear.scatter [tilespmem:s16], [sflag:$0x6], $0x61A8, $0x38;
	[tilespmem:$0x18800] =	vst v63  }
0xca: {  	_ =	swait.ge [sflag:s7], $0x61A8  }
0xcb: {  	s29 =	sld [smem:$0x7D9]  }
0xcc: {  	[sflag:s7] =	ssyncset.done $0x0  }
0xcd: {  	[sflag:s7] =	ssyncadd.s32 $0xFFFF9E58  }
0xce: {  	[tilespmem:s16], [sflag:$0x2] =	stream.linear.gather [hbm4b:s29+s2], $0x61A8, $0x38;
	[tilespmem:$0x18800] =	vst v63  }
0xcf: {  	_ =	swait.ge [sflag:s19], $0x61A8  }
0xd0: {  	s29 =	sld [smem:$0x7DA]  }
0xd1: {  	[sflag:s19] =	ssyncset.done $0x0  }
0xd2: {  	[sflag:s19] =	ssyncadd.s32 $0xFFFF9E58  }
0xd3: {  	[hbm4b:s29+s2] =	stream.linear.scatter [tilespmem:s14], [sflag:$0x7], $0x61A8, $0x38;
	[tilespmem:$0x18800] =	vst v63  }
0xd4: {  	_ =	swait.ge [sflag:s12], $0x61A8  }
0xd5: {  	s29 =	sld [smem:$0x7DB]  }
0xd6: {  	[sflag:s12] =	ssyncset.done $0x0  }
0xd7: {  	[sflag:s12] =	ssyncadd.s32 $0xFFFF9E58  }
0xd8: {  	[tilespmem:s14], [sflag:$0x3] =	stream.linear.gather [hbm4b:s29+s2], $0x61A8, $0x38;
	[tilespmem:$0x18800] =	vst v63  }
0xd9: {  	_ =	swait.ge [sflag:s21], $0x61A8  }
0xda: {  	s29 =	sld [smem:$0x7DC]  }
0xdb: {  	[sflag:s21] =	ssyncset.done $0x0  }
0xdc: {  	[sflag:s21] =	ssyncadd.s32 $0xFFFF9E58  }
0xdd: {  	[hbm4b:s29+s2] =	stream.linear.scatter [tilespmem:s11], [sflag:$0x8], $0x61A8, $0x38;
	[tilespmem:$0x18800] =	vst v63  }
0xde: {  	_ =	swait.ge [sflag:s10], $0x61A8  }
0xdf: {  	s29 =	sld [smem:$0x7DD]  }
0xe0: {  	[sflag:s10] =	ssyncset.done $0x0  }
0xe1: {  	[sflag:s10] =	ssyncadd.s32 $0xFFFF9E58  }
0xe2: {  	[tilespmem:s11], [sflag:$0x4] =	stream.linear.gather [hbm4b:s29+s2], $0x61A8, $0x38;
	[tilespmem:$0x18800] =	vst v63  }
0xe3: {  	_ =	swait.ge [sflag:s24], $0x61A8  }
0xe4: {  	s29 =	sld [smem:$0x7DE]  }
0xe5: {  	[sflag:s24] =	ssyncset.done $0x0  }
0xe6: {  	[sflag:s24] =	ssyncadd.s32 $0xFFFF9E58  }
0xe7: {  	[hbm4b:s29+s2] =	stream.linear.scatter [tilespmem:s2], [sflag:$0x5], $0x61A8, $0x38;
	[tilespmem:$0x18800] =	vst v63  }
0xe8: {  	_ =	swait.ge [sflag:s9], $0x61A8  }
0xe9: {  	s29 =	sld [smem:$0x7DF]  }
0xea: {  	[sflag:s9] =	ssyncset.done $0x0  }
0xeb: {  	[sflag:s9] =	ssyncadd.s32 $0xFFFF9E58  }
0xec: {  	[tilespmem:s2], [sflag:$0x1] =	stream.linear.gather [hbm4b:s29+s2], $0x61A8, $0x38;
	[tilespmem:$0x18800] =	vst v63  }
0xed: {  	_ =	swait.ge [sflag:s22], $0x61A8  }
0xee: {  	s29 =	sld [smem:$0x7E0]  }
0xef: {  	[sflag:s22] =	ssyncset.done $0x0  }
0xf0: {  	[sflag:s22] =	ssyncadd.s32 $0xFFFF9E58  }
0xf1: {  	[hbm4b:s29+s2] =	stream.linear.scatter [tilespmem:s16], [sflag:$0x6], $0x61A8, $0x38;
	[tilespmem:$0x18800] =	vst v63  }
0xf2: {  	_ =	swait.ge [sflag:s7], $0x61A8  }
0xf3: {  	s29 =	sld [smem:$0x7E1]  }
0xf4: {  	[sflag:s7] =	ssyncset.done $0x0  }
0xf5: {  	[sflag:s7] =	ssyncadd.s32 $0xFFFF9E58  }
0xf6: {  	[tilespmem:s16], [sflag:$0x2] =	stream.linear.gather [hbm4b:s29+s2], $0x61A8, $0x38;
	[tilespmem:$0x18800] =	vst v63  }
0xf7: {  	_ =	swait.ge [sflag:s19], $0x61A8  }
0xf8: {  	s29 =	sld [smem:$0x7E2]  }
0xf9: {  	[sflag:s19] =	ssyncset.done $0x0  }
0xfa: {  	[sflag:s19] =	ssyncadd.s32 $0xFFFF9E58  }
0xfb: {  	[hbm4b:s29+s2] =	stream.linear.scatter [tilespmem:s14], [sflag:$0x7], $0x61A8, $0x38;
	[tilespmem:$0x18800] =	vst v63  }
0xfc: {  	_ =	swait.ge [sflag:s12], $0x61A8  }
0xfd: {  	s29 =	sld [smem:$0x7E3]  }
0xfe: {  	[sflag:s12] =	ssyncset.done $0x0  }
0xff: {  	[sflag:s12] =	ssyncadd.s32 $0xFFFF9E58  }
0x100: {  	[tilespmem:s14], [sflag:$0x3] =	stream.linear.gather [hbm4b:s29+s2], $0x61A8, $0x38;
	[tilespmem:$0x18800] =	vst v63  }
0x101: {  	_ =	swait.ge [sflag:s21], $0x61A8  }
0x102: {  	s29 =	sld [smem:$0x7E4]  }
0x103: {  	[sflag:s21] =	ssyncset.done $0x0  }
0x104: {  	[sflag:s21] =	ssyncadd.s32 $0xFFFF9E58  }
0x105: {  	[hbm4b:s29+s2] =	stream.linear.scatter [tilespmem:s11], [sflag:$0x8], $0x61A8, $0x38;
	[tilespmem:$0x18800] =	vst v63  }
0x106: {  	_ =	swait.ge [sflag:s10], $0x61A8  }
0x107: {  	s29 =	sld [smem:$0x7E5]  }
0x108: {  	[sflag:s10] =	ssyncset.done $0x0  }
0x109: {  	[sflag:s10] =	ssyncadd.s32 $0xFFFF9E58  }
0x10a: {  	[tilespmem:s11], [sflag:$0x4] =	stream.linear.gather [hbm4b:s29+s2], $0x61A8, $0x38;
	[tilespmem:$0x18800] =	vst v63  }
0x10b: {  	_ =	swait.ge [sflag:s24], $0x61A8  }
0x10c: {  	s29 =	sld [smem:$0x7E6]  }
0x10d: {  	[sflag:s24] =	ssyncset.done $0x0  }
0x10e: {  	[sflag:s24] =	ssyncadd.s32 $0xFFFF9E58  }
0x10f: {  	[hbm4b:s29+s2] =	stream.linear.scatter [tilespmem:s2], [sflag:$0x5], $0x61A8, $0x38;
	[tilespmem:$0x18800] =	vst v63  }
0x110: {  	_ =	swait.ge [sflag:s9], $0x61A8  }
0x111: {  	s29 =	sld [smem:$0x7E7]  }
0x112: {  	[sflag:s9] =	ssyncset.done $0x0  }
0x113: {  	[sflag:s9] =	ssyncadd.s32 $0xFFFF9E58  }
0x114: {  	[tilespmem:s2], [sflag:$0x1] =	stream.linear.gather [hbm4b:s29+s2], $0x61A8, $0x38;
	[tilespmem:$0x18800] =	vst v63  }
0x115: {  	_ =	swait.ge [sflag:s22], $0x61A8  }
0x116: {  	s29 =	sld [smem:$0x7E8]  }
0x117: {  	[sflag:s22] =	ssyncset.done $0x0  }
0x118: {  	[sflag:s22] =	ssyncadd.s32 $0xFFFF9E58  }
0x119: {  	[hbm4b:s29+s2] =	stream.linear.scatter [tilespmem:s16], [sflag:$0x6], $0x61A8, $0x38;
	[tilespmem:$0x18800] =	vst v63  }
0x11a: {  	_ =	swait.ge [sflag:s7], $0x61A8  }
0x11b: {  	s29 =	sld [smem:$0x7E9]  }
0x11c: {  	[sflag:s7] =	ssyncset.done $0x0  }
0x11d: {  	[sflag:s7] =	ssyncadd.s32 $0xFFFF9E58  }
0x11e: {  	[tilespmem:s16], [sflag:$0x2] =	stream.linear.gather [hbm4b:s29+s2], $0x61A8, $0x38;
	[tilespmem:$0x18800] =	vst v63  }
0x11f: {  	_ =	swait.ge [sflag:s19], $0x61A8  }
0x120: {  	s29 =	sld [smem:$0x7EA]  }
0x121: {  	[sflag:s19] =	ssyncset.done $0x0  }
0x122: {  	[sflag:s19] =	ssyncadd.s32 $0xFFFF9E58  }
0x123: {  	[hbm4b:s29+s2] =	stream.linear.scatter [tilespmem:s14], [sflag:$0x7], $0x61A8, $0x38;
	[tilespmem:$0x18800] =	vst v63  }
0x124: {  	_ =	swait.ge [sflag:s12], $0x61A8  }
0x125: {  	s29 =	sld [smem:$0x7EB]  }
0x126: {  	[sflag:s12] =	ssyncset.done $0x0  }
0x127: {  	[sflag:s12] =	ssyncadd.s32 $0xFFFF9E58  }
0x128: {  	[tilespmem:s14], [sflag:$0x3] =	stream.linear.gather [hbm4b:s29+s2], $0x61A8, $0x38;
	[tilespmem:$0x18800] =	vst v63  }
0x129: {  	_ =	swait.ge [sflag:s21], $0x61A8  }
0x12a: {  	s29 =	sld [smem:$0x7EC]  }
0x12b: {  	[sflag:s21] =	ssyncset.done $0x0  }
0x12c: {  	[sflag:s21] =	ssyncadd.s32 $0xFFFF9E58  }
0x12d: {  	[hbm4b:s29+s2] =	stream.linear.scatter [tilespmem:s11], [sflag:$0x8], $0x61A8, $0x38;
	[tilespmem:$0x18800] =	vst v63  }
0x12e: {  	_ =	swait.ge [sflag:s10], $0x61A8  }
0x12f: {  	s29 =	sld [smem:$0x7ED]  }
0x130: {  	[sflag:s10] =	ssyncset.done $0x0  }
0x131: {  	[sflag:s10] =	ssyncadd.s32 $0xFFFF9E58  }
0x132: {  	[tilespmem:s11], [sflag:$0x4] =	stream.linear.gather [hbm4b:s29+s2], $0x61A8, $0x38;
	[tilespmem:$0x18800] =	vst v63  }
0x133: {  	_ =	swait.ge [sflag:s24], $0x61A8  }
0x134: {  	s29 =	sld [smem:$0x7EE]  }
0x135: {  	[sflag:s24] =	ssyncset.done $0x0  }
0x136: {  	[sflag:s24] =	ssyncadd.s32 $0xFFFF9E58  }
0x137: {  	[hbm4b:s29+s2] =	stream.linear.scatter [tilespmem:s2], [sflag:$0x5], $0x61A8, $0x38;
	[tilespmem:$0x18800] =	vst v63  }
0x138: {  	_ =	swait.ge [sflag:s9], $0x61A8  }
0x139: {  	s29 =	sld [smem:$0x7EF]  }
0x13a: {  	[sflag:s9] =	ssyncset.done $0x0  }
0x13b: {  	[sflag:s9] =	ssyncadd.s32 $0xFFFF9E58  }
0x13c: {  	[tilespmem:s2], [sflag:$0x1] =	stream.linear.gather [hbm4b:s29+s2], $0x61A8, $0x38;
	[tilespmem:$0x18800] =	vst v63  }
0x13d: {  	_ =	swait.ge [sflag:s22], $0x61A8  }
0x13e: {  	s29 =	sld [smem:$0x7F0]  }
0x13f: {  	[sflag:s22] =	ssyncset.done $0x0  }
0x140: {  	[sflag:s22] =	ssyncadd.s32 $0xFFFF9E58  }
0x141: {  	[hbm4b:s29+s2] =	stream.linear.scatter [tilespmem:s16], [sflag:$0x6], $0x61A8, $0x38;
	[tilespmem:$0x18800] =	vst v63  }
0x142: {  	_ =	swait.ge [sflag:s7], $0x61A8  }
0x143: {  	s29 =	sld [smem:$0x7F1]  }
0x144: {  	[sflag:s7] =	ssyncset.done $0x0  }
0x145: {  	[sflag:s7] =	ssyncadd.s32 $0xFFFF9E58  }
0x146: {  	[tilespmem:s16], [sflag:$0x2] =	stream.linear.gather [hbm4b:s29+s2], $0x61A8, $0x38;
	[tilespmem:$0x18800] =	vst v63  }
0x147: {  	_ =	swait.ge [sflag:s19], $0x61A8  }
0x148: {  	s29 =	sld [smem:$0x7F2]  }
0x149: {  	[sflag:s19] =	ssyncset.done $0x0  }
0x14a: {  	[sflag:s19] =	ssyncadd.s32 $0xFFFF9E58  }
0x14b: {  	[hbm4b:s29+s2] =	stream.linear.scatter [tilespmem:s14], [sflag:$0x7], $0x61A8, $0x38;
	[tilespmem:$0x18800] =	vst v63  }
0x14c: {  	_ =	swait.ge [sflag:s12], $0x61A8  }
0x14d: {  	s29 =	sld [smem:$0x7F3]  }
0x14e: {  	[sflag:s12] =	ssyncset.done $0x0  }
0x14f: {  	[sflag:s12] =	ssyncadd.s32 $0xFFFF9E58  }
0x150: {  	[tilespmem:s14], [sflag:$0x3] =	stream.linear.gather [hbm4b:s29+s2], $0x61A8, $0x38;
	[tilespmem:$0x18800] =	vst v63  }
0x151: {  	_ =	swait.ge [sflag:s21], $0x61A8  }
0x152: {  	s29 =	sld [smem:$0x7F4]  }
0x153: {  	[sflag:s21] =	ssyncset.done $0x0  }
0x154: {  	[sflag:s21] =	ssyncadd.s32 $0xFFFF9E58  }
0x155: {  	[hbm4b:s29+s2] =	stream.linear.scatter [tilespmem:s11], [sflag:$0x8], $0x61A8, $0x38;
	[tilespmem:$0x18800] =	vst v63  }
0x156: {  	_ =	swait.ge [sflag:s10], $0x61A8  }
0x157: {  	s29 =	sld [smem:$0x7F5]  }
0x158: {  	[sflag:s10] =	ssyncset.done $0x0  }
0x159: {  	[sflag:s10] =	ssyncadd.s32 $0xFFFF9E58  }
0x15a: {  	[tilespmem:s11], [sflag:$0x4] =	stream.linear.gather [hbm4b:s29+s2], $0x61A8, $0x38;
	[tilespmem:$0x18800] =	vst v63  }
0x15b: {  	_ =	swait.ge [sflag:s24], $0x61A8  }
0x15c: {  	s29 =	sld [smem:$0x7F6]  }
0x15d: {  	[sflag:s24] =	ssyncset.done $0x0  }
0x15e: {  	[sflag:s24] =	ssyncadd.s32 $0xFFFF9E58  }
0x15f: {  	[hbm4b:s29+s2] =	stream.linear.scatter [tilespmem:s2], [sflag:$0x5], $0x61A8, $0x38;
	[tilespmem:$0x18800] =	vst v63  }
0x160: {  	_ =	swait.ge [sflag:s9], $0x61A8  }
0x161: {  	s29 =	sld [smem:$0x7F7]  }
0x162: {  	[sflag:s9] =	ssyncset.done $0x0  }
0x163: {  	[sflag:s9] =	ssyncadd.s32 $0xFFFF9E58  }
0x164: {  	[tilespmem:s2], [sflag:$0x1] =	stream.linear.gather [hbm4b:s29+s2], $0x61A8, $0x38;
	[tilespmem:$0x18800] =	vst v63  }
0x165: {  	_ =	swait.ge [sflag:s22], $0x61A8  }
0x166: {  	s29 =	sld [smem:$0x7F8]  }
0x167: {  	[sflag:s22] =	ssyncset.done $0x0  }
0x168: {  	[sflag:s22] =	ssyncadd.s32 $0xFFFF9E58  }
0x169: {  	[hbm4b:s29+s2] =	stream.linear.scatter [tilespmem:s16], [sflag:$0x6], $0x61A8, $0x38;
	[tilespmem:$0x18800] =	vst v63  }
0x16a: {  	_ =	swait.ge [sflag:s7], $0x61A8  }
0x16b: {  	s29 =	sld [smem:$0x7F9]  }
0x16c: {  	[sflag:s7] =	ssyncset.done $0x0  }
0x16d: {  	[sflag:s7] =	ssyncadd.s32 $0xFFFF9E58  }
0x16e: {  	[tilespmem:s16], [sflag:$0x2] =	stream.linear.gather [hbm4b:s29+s2], $0x61A8, $0x38;
	[tilespmem:$0x18800] =	vst v63  }
0x16f: {  	_ =	swait.ge [sflag:s19], $0x61A8  }
0x170: {  	s29 =	sld [smem:$0x7FA]  }
0x171: {  	[sflag:s19] =	ssyncset.done $0x0  }
0x172: {  	[sflag:s19] =	ssyncadd.s32 $0xFFFF9E58  }
0x173: {  	[hbm4b:s29+s2] =	stream.linear.scatter [tilespmem:s14], [sflag:$0x7], $0x61A8, $0x38;
	[tilespmem:$0x18800] =	vst v63  }
0x174: {  	_ =	swait.ge [sflag:s12], $0x61A8  }
0x175: {  	s29 =	sld [smem:$0x7FB]  }
0x176: {  	[sflag:s12] =	ssyncset.done $0x0  }
0x177: {  	[sflag:s12] =	ssyncadd.s32 $0xFFFF9E58  }
0x178: {  	[tilespmem:s14], [sflag:$0x3] =	stream.linear.gather [hbm4b:s29+s2], $0x61A8, $0x38;
	[tilespmem:$0x18800] =	vst v63  }
0x179: {  	_ =	swait.ge [sflag:s21], $0x61A8  }
0x17a: {  	s29 =	sld [smem:$0x7FC]  }
0x17b: {  	[sflag:s21] =	ssyncset.done $0x0  }
0x17c: {  	[sflag:s21] =	ssyncadd.s32 $0xFFFF9E58  }
0x17d: {  	[hbm4b:s29+s2] =	stream.linear.scatter [tilespmem:s11], [sflag:$0x8], $0x61A8, $0x38;
	[tilespmem:$0x18800] =	vst v63  }
0x17e: {  	_ =	swait.ge [sflag:s10], $0x61A8  }
0x17f: {  	s29 =	sld [smem:$0x7FD]  }
0x180: {  	[sflag:s10] =	ssyncset.done $0x0  }
0x181: {  	[sflag:s10] =	ssyncadd.s32 $0xFFFF9E58  }
0x182: {  	[tilespmem:s11], [sflag:$0x4] =	stream.linear.gather [hbm4b:s29+s2], $0x61A8, $0x38;
	[tilespmem:$0x18800] =	vst v63  }
0x183: {  	_ =	swait.ge [sflag:s24], $0x61A8  }
0x184: {  	[sflag:s24] =	ssyncset.done $0x0  }
0x185: {  	[sflag:s24] =	ssyncadd.s32 $0xFFFF9E58  }
0x186: {  	[hbm4b:s28+s2] =	stream.linear.scatter [tilespmem:s2], [sflag:$0x5], $0x61A8, $0x38;
	[tilespmem:$0x18800] =	vst v63  }
0x187: {  	_ =	swait.ge [sflag:s9], $0x61A8  }
0x188: {  	[sflag:s9] =	ssyncset.done $0x0  }
0x189: {  	[sflag:s9] =	ssyncadd.s32 $0xFFFF9E58  }
0x18a: {  	[tilespmem:s2], [sflag:$0x1] =	stream.linear.gather [hbm4b:s26+s2], $0x61A8, $0x38;
	[tilespmem:$0x18800] =	vst v63  }
0x18b: {  	_ =	swait.ge [sflag:s22], $0x61A8  }
0x18c: {  	[sflag:s22] =	ssyncset.done $0x0  }
0x18d: {  	[sflag:s22] =	ssyncadd.s32 $0xFFFF9E58  }
0x18e: {  	[hbm4b:s25+s2] =	stream.linear.scatter [tilespmem:s16], [sflag:$0x6], $0x61A8, $0x38;
	[tilespmem:$0x18800] =	vst v63  }
0x18f: {  	_ =	swait.ge [sflag:s7], $0x61A8  }
0x190: {  	[sflag:s7] =	ssyncset.done $0x0  }
0x191: {  	[sflag:s7] =	ssyncadd.s32 $0xFFFF9E58  }
0x192: {  	[tilespmem:s16], [sflag:$0x2] =	stream.linear.gather [hbm4b:s23+s2], $0x61A8, $0x38;
	[tilespmem:$0x18800] =	vst v63  }
0x193: {  	_ =	swait.ge [sflag:s19], $0x61A8  }
0x194: {  	[sflag:s19] =	ssyncset.done $0x0  }
0x195: {  	[sflag:s19] =	ssyncadd.s32 $0xFFFF9E58  }
0x196: {  	[hbm4b:s20+s2] =	stream.linear.scatter [tilespmem:s14], [sflag:$0x7], $0x61A8, $0x38;
	[tilespmem:$0x18800] =	vst v63  }
0x197: {  	_ =	swait.ge [sflag:s12], $0x61A8  }
0x198: {  	[sflag:s12] =	ssyncset.done $0x0  }
0x199: {  	[sflag:s12] =	ssyncadd.s32 $0xFFFF9E58  }
0x19a: {  	[tilespmem:s14], [sflag:$0x3] =	stream.linear.gather [hbm4b:s18+s2], $0x61A8, $0x38;
	[tilespmem:$0x18800] =	vst v63  }
0x19b: {  	_ =	swait.ge [sflag:s21], $0x61A8  }
0x19c: {  	[sflag:s21] =	ssyncset.done $0x0  }
0x19d: {  	[sflag:s21] =	ssyncadd.s32 $0xFFFF9E58  }
0x19e: {  	[hbm4b:s17+s2] =	stream.linear.scatter [tilespmem:s11], [sflag:$0x8], $0x61A8, $0x38;
	[tilespmem:$0x18800] =	vst v63  }
0x19f: {  	_ =	swait.ge [sflag:s10], $0x61A8  }
0x1a0: {  	[sflag:s10] =	ssyncset.done $0x0  }
0x1a1: {  	[sflag:s10] =	ssyncadd.s32 $0xFFFF9E58  }
0x1a2: {  	[tilespmem:s11], [sflag:$0x4] =	stream.linear.gather [hbm4b:s15+s2], $0x61A8, $0x38;
	[tilespmem:$0x18800] =	vst v63  }
0x1a3: {  	_ =	swait.ge [sflag:s24], $0x61A8  }
0x1a4: {  	[sflag:s24] =	ssyncset.done $0x0  }
0x1a5: {  	[sflag:s24] =	ssyncadd.s32 $0xFFFF9E58  }
0x1a6: {  	[hbm4b:s13+s2] =	stream.linear.scatter [tilespmem:s2], [sflag:$0x5], $0x61A8, $0x38;
	[tilespmem:$0x18800] =	vst v63  }
0x1a7: {  	_ =	swait.ge [sflag:s22], $0x61A8  }
0x1a8: {  	[sflag:s22] =	ssyncset.done $0x0  }
0x1a9: {  	[sflag:s22] =	ssyncadd.s32 $0xFFFF9E58  }
0x1aa: {  	[hbm4b:s8+s2] =	stream.linear.scatter [tilespmem:s16], [sflag:$0x6], $0x61A8, $0x38;
	[tilespmem:$0x18800] =	vst v63  }
0x1ab: {  	_ =	swait.ge [sflag:s19], $0x61A8  }
0x1ac: {  	[sflag:s19] =	ssyncset.done $0x0  }
0x1ad: {  	[sflag:s19] =	ssyncadd.s32 $0xFFFF9E58  }
0x1ae: {  	[hbm4b:s6+s2] =	stream.linear.scatter [tilespmem:s14], [sflag:$0x7], $0x61A8, $0x38;
	[tilespmem:$0x18800] =	vst v63  }
0x1af: {  	_ =	swait.ge [sflag:s21], $0x61A8  }
0x1b0: {  	[sflag:s21] =	ssyncset.done $0x0  }
0x1b1: {  	[sflag:s21] =	ssyncadd.s32 $0xFFFF9E58  }
0x1b2: {  	[hbm4b:s5+s2] =	stream.linear.scatter [tilespmem:s11], [sflag:$0x8], $0x61A8, $0x38;
	[tilespmem:$0x18800] =	vst v63  }
0x1b3: {  	_ =	swait.ge [sflag:s9], $0x61A8  }
0x1b4: {  	[sflag:s9] =	ssyncset.done $0x0  }
0x1b5: {  	[sflag:s9] =	ssyncadd.s32 $0xFFFF9E58  }
0x1b6: {  	_ =	swait.ge [sflag:s7], $0x61A8  }
0x1b7: {  	[sflag:s7] =	ssyncset.done $0x0  }
0x1b8: {  	[sflag:s7] =	ssyncadd.s32 $0xFFFF9E58  }
0x1b9: {  	_ =	swait.ge [sflag:s12], $0x61A8  }
0x1ba: {  	[sflag:s12] =	ssyncset.done $0x0  }
0x1bb: {  	[sflag:s12] =	ssyncadd.s32 $0xFFFF9E58  }
0x1bc: {  	_ =	swait.ge [sflag:s10], $0x61A8  }
0x1bd: {  	s31 =	simm.s32 @!p0 $0x1;
	[sflag:s10] =	ssyncset.done $0x0  }
0x1be: {  	s1 =	sadd.s32 $0xFFFFFFFF, s1;
	s0 =	simm.s32 @!p0 $0x0;
	[sflag:s10] =	ssyncadd.s32 $0xFFFF9E58  }
0x1bf: {  	[tilespmem:s0], [sflag:$0x1] =	stream.linear.gather @!p0 [hbm4b:s4+s0], $0x20, $0x38;
	[tilespmem:$0x18800] =	vst v63  }
0x1c0: {  	p2 =	sne.s32 s1, $0x0;
	_ =	swait.ge @!p0 [sflag:s31], $0x20  }
.Ltmp1:
0x1c1: {  	[sflag:s31] =	ssyncset.done @!p0 $0x0;
	(pc) =	sbr.rel @!p2 .LBB2_3-.Ltmp1, $4  }
0x1c2: {  	s30 =	simm.s32 @!p0 $0x5;
	[sflag:s31] =	ssyncadd.s32 @!p0 $0xFFFFFFE0  }
0x1c3: {  	[hbm4b:s3+s0] =	stream.linear.scatter @!p0 [tilespmem:s0], [sflag:$0x5], $0x20, $0x38;
	[tilespmem:$0x18800] =	vst v63  }
0x1c4: {  	_ =	swait.ge @!p0 [sflag:s30], $0x20  }
0x1c5: {  	p1 =	por $0x1, $0x1;
	s0 =	rddreg [dreg:$0x3];
	[sflag:s30] =	ssyncset.done @!p0 $0x0  }
.LBB2_4:
0x1c6: {  	[sflag:s30] =	ssyncadd.s32 @!p0 $0xFFFFFFE0  }
0x1c7: {  	s29 =	smov.u32 s28;
	s28 =	smov.u32 s26;
	s26 =	smov.u32 s25  }
0x1c8: {  	s25 =	smov.u32 s23;
	s23 =	smov.u32 s20;
	s20 =	smov.u32 s18  }
0x1c9: {  	s18 =	smov.u32 s17;
	s17 =	smov.u32 s15;
	s15 =	smov.u32 s13  }
0x1ca: {  	s13 =	smov.u32 s8;
	s8 =	smov.u32 s6;
	s6 =	smov.u32 s5  }
0x1cb: {  	[tilespmem:s2], [sflag:$0x1] =	stream.linear.gather [hbm4b:s0+s2], $0x61A8, $0x38;
	[tilespmem:$0x18800] =	vst v63  }
0x1cc: {  	s5 =	smov.u32 s4;
	s4 =	smov.u32 s3;
	s3 =	rddreg [dreg:$0x4]  }
0x1cd: {  	[tilespmem:s16], [sflag:$0x2] =	stream.linear.gather [hbm4b:s3+s2], $0x61A8, $0x38;
	[tilespmem:$0x18800] =	vst v63  }
0x1ce: {  	s0 =	rddreg [dreg:$0x5]  }
0x1cf: {  	[tilespmem:s14], [sflag:$0x3] =	stream.linear.gather [hbm4b:s0+s2], $0x61A8, $0x38;
	[tilespmem:$0x18800] =	vst v63  }
0x1d0: {  	s3 =	rddreg [dreg:$0x6]  }
0x1d1: {  	[tilespmem:s11], [sflag:$0x4] =	stream.linear.gather [hbm4b:s3+s2], $0x61A8, $0x38;
	[tilespmem:$0x18800] =	vst v63  }
0x1d2: {  	_ =	swait.ge [sflag:s24], $0x61A8  }
0x1d3: {  	[sflag:s24] =	ssyncset.done $0x0  }
0x1d4: {  	s0 =	rddreg [dreg:$0x7];
	[sflag:s24] =	ssyncadd.s32 $0xFFFF9E58  }
0x1d5: {  	[hbm4b:s0+s2] =	stream.linear.scatter [tilespmem:s2], [sflag:$0x5], $0x61A8, $0x38;
	[tilespmem:$0x18800] =	vst v63  }
0x1d6: {  	_ =	swait.ge [sflag:s9], $0x61A8  }
0x1d7: {  	[sflag:s9] =	ssyncset.done $0x0  }
0x1d8: {  	s0 =	rddreg [dreg:$0x8];
	[sflag:s9] =	ssyncadd.s32 $0xFFFF9E58  }
0x1d9: {  	[tilespmem:s2], [sflag:$0x1] =	stream.linear.gather [hbm4b:s0+s2], $0x61A8, $0x38;
	[tilespmem:$0x18800] =	vst v63  }
0x1da: {  	_ =	swait.ge [sflag:s22], $0x61A8  }
0x1db: {  	[sflag:s22] =	ssyncset.done $0x0  }
0x1dc: {  	s0 =	rddreg [dreg:$0x9];
	[sflag:s22] =	ssyncadd.s32 $0xFFFF9E58  }
0x1dd: {  	[hbm4b:s0+s2] =	stream.linear.scatter [tilespmem:s16], [sflag:$0x6], $0x61A8, $0x38;
	[tilespmem:$0x18800] =	vst v63  }
0x1de: {  	_ =	swait.ge [sflag:s7], $0x61A8  }
0x1df: {  	[sflag:s7] =	ssyncset.done $0x0  }
0x1e0: {  	s0 =	rddreg [dreg:$0xa];
	[sflag:s7] =	ssyncadd.s32 $0xFFFF9E58  }
0x1e1: {  	[tilespmem:s16], [sflag:$0x2] =	stream.linear.gather [hbm4b:s0+s2], $0x61A8, $0x38;
	[tilespmem:$0x18800] =	vst v63  }
0x1e2: {  	_ =	swait.ge [sflag:s19], $0x61A8  }
0x1e3: {  	[sflag:s19] =	ssyncset.done $0x0  }
0x1e4: {  	s0 =	rddreg [dreg:$0xb];
	[sflag:s19] =	ssyncadd.s32 $0xFFFF9E58  }
0x1e5: {  	[hbm4b:s0+s2] =	stream.linear.scatter [tilespmem:s14], [sflag:$0x7], $0x61A8, $0x38;
	[tilespmem:$0x18800] =	vst v63  }
0x1e6: {  	_ =	swait.ge [sflag:s12], $0x61A8  }
0x1e7: {  	[sflag:s12] =	ssyncset.done $0x0  }
0x1e8: {  	s0 =	rddreg [dreg:$0xc];
	[sflag:s12] =	ssyncadd.s32 $0xFFFF9E58  }
0x1e9: {  	[tilespmem:s14], [sflag:$0x3] =	stream.linear.gather [hbm4b:s0+s2], $0x61A8, $0x38;
	[tilespmem:$0x18800] =	vst v63  }
0x1ea: {  	_ =	swait.ge [sflag:s21], $0x61A8  }
0x1eb: {  	[sflag:s21] =	ssyncset.done $0x0  }
0x1ec: {  	s0 =	rddreg [dreg:$0xd];
	[sflag:s21] =	ssyncadd.s32 $0xFFFF9E58  }
0x1ed: {  	[hbm4b:s0+s2] =	stream.linear.scatter [tilespmem:s11], [sflag:$0x8], $0x61A8, $0x38;
	[tilespmem:$0x18800] =	vst v63  }
0x1ee: {  	_ =	swait.ge [sflag:s10], $0x61A8  }
0x1ef: {  	[sflag:s10] =	ssyncset.done $0x0  }
0x1f0: {  	s0 =	rddreg [dreg:$0xe];
	[sflag:s10] =	ssyncadd.s32 $0xFFFF9E58  }
0x1f1: {  	[tilespmem:s11], [sflag:$0x4] =	stream.linear.gather [hbm4b:s0+s2], $0x61A8, $0x38;
	[tilespmem:$0x18800] =	vst v63  }
0x1f2: {  	_ =	swait.ge [sflag:s24], $0x61A8  }
0x1f3: {  	[sflag:s24] =	ssyncset.done $0x0  }
0x1f4: {  	s0 =	rddreg [dreg:$0xf];
	[sflag:s24] =	ssyncadd.s32 $0xFFFF9E58  }
0x1f5: {  	[hbm4b:s0+s2] =	stream.linear.scatter [tilespmem:s2], [sflag:$0x5], $0x61A8, $0x38;
	[tilespmem:$0x18800] =	vst v63  }
0x1f6: {  	_ =	swait.ge [sflag:s9], $0x61A8  }
0x1f7: {  	[sflag:s9] =	ssyncset.done $0x0  }
0x1f8: {  	s0 =	rddreg [dreg:$0x10];
	[sflag:s9] =	ssyncadd.s32 $0xFFFF9E58  }
0x1f9: {  	[tilespmem:s2], [sflag:$0x1] =	stream.linear.gather [hbm4b:s0+s2], $0x61A8, $0x38;
	[tilespmem:$0x18800] =	vst v63  }
0x1fa: {  	_ =	swait.ge [sflag:s22], $0x61A8  }
0x1fb: {  	[sflag:s22] =	ssyncset.done $0x0  }
0x1fc: {  	s0 =	rddreg [dreg:$0x11];
	[sflag:s22] =	ssyncadd.s32 $0xFFFF9E58  }
0x1fd: {  	[hbm4b:s0+s2] =	stream.linear.scatter [tilespmem:s16], [sflag:$0x6], $0x61A8, $0x38;
	[tilespmem:$0x18800] =	vst v63  }
0x1fe: {  	_ =	swait.ge [sflag:s7], $0x61A8  }
0x1ff: {  	[sflag:s7] =	ssyncset.done $0x0  }
0x200: {  	s0 =	rddreg [dreg:$0x12];
	[sflag:s7] =	ssyncadd.s32 $0xFFFF9E58  }
0x201: {  	[tilespmem:s16], [sflag:$0x2] =	stream.linear.gather [hbm4b:s0+s2], $0x61A8, $0x38;
	[tilespmem:$0x18800] =	vst v63  }
0x202: {  	_ =	swait.ge [sflag:s19], $0x61A8  }
0x203: {  	[sflag:s19] =	ssyncset.done $0x0  }
0x204: {  	s0 =	rddreg [dreg:$0x13];
	[sflag:s19] =	ssyncadd.s32 $0xFFFF9E58  }
0x205: {  	[hbm4b:s0+s2] =	stream.linear.scatter [tilespmem:s14], [sflag:$0x7], $0x61A8, $0x38;
	[tilespmem:$0x18800] =	vst v63  }
0x206: {  	_ =	swait.ge [sflag:s12], $0x61A8  }
0x207: {  	[sflag:s12] =	ssyncset.done $0x0  }
0x208: {  	s0 =	rddreg [dreg:$0x14];
	[sflag:s12] =	ssyncadd.s32 $0xFFFF9E58  }
0x209: {  	[tilespmem:s14], [sflag:$0x3] =	stream.linear.gather [hbm4b:s0+s2], $0x61A8, $0x38;
	[tilespmem:$0x18800] =	vst v63  }
0x20a: {  	_ =	swait.ge [sflag:s21], $0x61A8  }
0x20b: {  	[sflag:s21] =	ssyncset.done $0x0  }
0x20c: {  	s0 =	rddreg [dreg:$0x15];
	[sflag:s21] =	ssyncadd.s32 $0xFFFF9E58  }
0x20d: {  	[hbm4b:s0+s2] =	stream.linear.scatter [tilespmem:s11], [sflag:$0x8], $0x61A8, $0x38;
	[tilespmem:$0x18800] =	vst v63  }
0x20e: {  	_ =	swait.ge [sflag:s10], $0x61A8  }
0x20f: {  	[sflag:s10] =	ssyncset.done $0x0  }
0x210: {  	s0 =	rddreg [dreg:$0x16];
	[sflag:s10] =	ssyncadd.s32 $0xFFFF9E58  }
0x211: {  	[tilespmem:s11], [sflag:$0x4] =	stream.linear.gather [hbm4b:s0+s2], $0x61A8, $0x38;
	[tilespmem:$0x18800] =	vst v63  }
0x212: {  	_ =	swait.ge [sflag:s24], $0x61A8  }
0x213: {  	[sflag:s24] =	ssyncset.done $0x0  }
0x214: {  	s0 =	rddreg [dreg:$0x17];
	[sflag:s24] =	ssyncadd.s32 $0xFFFF9E58  }
0x215: {  	[hbm4b:s0+s2] =	stream.linear.scatter [tilespmem:s2], [sflag:$0x5], $0x61A8, $0x38;
	[tilespmem:$0x18800] =	vst v63  }
0x216: {  	_ =	swait.ge [sflag:s9], $0x61A8  }
0x217: {  	[sflag:s9] =	ssyncset.done $0x0  }
0x218: {  	s0 =	rddreg [dreg:$0x18];
	[sflag:s9] =	ssyncadd.s32 $0xFFFF9E58  }
0x219: {  	[tilespmem:s2], [sflag:$0x1] =	stream.linear.gather [hbm4b:s0+s2], $0x61A8, $0x38;
	[tilespmem:$0x18800] =	vst v63  }
0x21a: {  	_ =	swait.ge [sflag:s22], $0x61A8  }
0x21b: {  	[sflag:s22] =	ssyncset.done $0x0  }
0x21c: {  	s0 =	rddreg [dreg:$0x19];
	[sflag:s22] =	ssyncadd.s32 $0xFFFF9E58  }
0x21d: {  	[hbm4b:s0+s2] =	stream.linear.scatter [tilespmem:s16], [sflag:$0x6], $0x61A8, $0x38;
	[tilespmem:$0x18800] =	vst v63  }
0x21e: {  	_ =	swait.ge [sflag:s7], $0x61A8  }
0x21f: {  	[sflag:s7] =	ssyncset.done $0x0  }
0x220: {  	s0 =	rddreg [dreg:$0x1a];
	[sflag:s7] =	ssyncadd.s32 $0xFFFF9E58  }
0x221: {  	[tilespmem:s16], [sflag:$0x2] =	stream.linear.gather [hbm4b:s0+s2], $0x61A8, $0x38;
	[tilespmem:$0x18800] =	vst v63  }
0x222: {  	_ =	swait.ge [sflag:s19], $0x61A8  }
0x223: {  	[sflag:s19] =	ssyncset.done $0x0  }
0x224: {  	s0 =	rddreg [dreg:$0x1b];
	[sflag:s19] =	ssyncadd.s32 $0xFFFF9E58  }
0x225: {  	[hbm4b:s0+s2] =	stream.linear.scatter [tilespmem:s14], [sflag:$0x7], $0x61A8, $0x38;
	[tilespmem:$0x18800] =	vst v63  }
0x226: {  	_ =	swait.ge [sflag:s12], $0x61A8  }
0x227: {  	[sflag:s12] =	ssyncset.done $0x0  }
0x228: {  	s0 =	rddreg [dreg:$0x1c];
	[sflag:s12] =	ssyncadd.s32 $0xFFFF9E58  }
0x229: {  	[tilespmem:s14], [sflag:$0x3] =	stream.linear.gather [hbm4b:s0+s2], $0x61A8, $0x38;
	[tilespmem:$0x18800] =	vst v63  }
0x22a: {  	_ =	swait.ge [sflag:s21], $0x61A8  }
0x22b: {  	[sflag:s21] =	ssyncset.done $0x0  }
0x22c: {  	s0 =	rddreg [dreg:$0x1d];
	[sflag:s21] =	ssyncadd.s32 $0xFFFF9E58  }
0x22d: {  	[hbm4b:s0+s2] =	stream.linear.scatter [tilespmem:s11], [sflag:$0x8], $0x61A8, $0x38;
	[tilespmem:$0x18800] =	vst v63  }
0x22e: {  	_ =	swait.ge [sflag:s10], $0x61A8  }
0x22f: {  	[sflag:s10] =	ssyncset.done $0x0  }
0x230: {  	s0 =	rddreg [dreg:$0x1e];
	[sflag:s10] =	ssyncadd.s32 $0xFFFF9E58  }
0x231: {  	[tilespmem:s11], [sflag:$0x4] =	stream.linear.gather [hbm4b:s0+s2], $0x61A8, $0x38;
	[tilespmem:$0x18800] =	vst v63  }
0x232: {  	_ =	swait.ge [sflag:s24], $0x61A8  }
0x233: {  	[sflag:s24] =	ssyncset.done $0x0  }
0x234: {  	s0 =	rddreg [dreg:$0x1f];
	[sflag:s24] =	ssyncadd.s32 $0xFFFF9E58  }
0x235: {  	[hbm4b:s0+s2] =	stream.linear.scatter [tilespmem:s2], [sflag:$0x5], $0x61A8, $0x38;
	[tilespmem:$0x18800] =	vst v63  }
0x236: {  	_ =	swait.ge [sflag:s9], $0x61A8  }
0x237: {  	s0 =	sld [smem:$0x7D7]  }
0x238: {  	[sflag:s9] =	ssyncset.done $0x0  }
0x239: {  	[sflag:s9] =	ssyncadd.s32 $0xFFFF9E58  }
0x23a: {  	[tilespmem:s2], [sflag:$0x1] =	stream.linear.gather [hbm4b:s0+s2], $0x61A8, $0x38;
	[tilespmem:$0x18800] =	vst v63  }
0x23b: {  	_ =	swait.ge [sflag:s22], $0x61A8  }
0x23c: {  	s0 =	sld [smem:$0x7D8]  }
0x23d: {  	[sflag:s22] =	ssyncset.done $0x0  }
0x23e: {  	[sflag:s22] =	ssyncadd.s32 $0xFFFF9E58  }
0x23f: {  	[hbm4b:s0+s2] =	stream.linear.scatter [tilespmem:s16], [sflag:$0x6], $0x61A8, $0x38;
	[tilespmem:$0x18800] =	vst v63  }
0x240: {  	_ =	swait.ge [sflag:s7], $0x61A8  }
0x241: {  	s0 =	sld [smem:$0x7D9]  }
0x242: {  	[sflag:s7] =	ssyncset.done $0x0  }
0x243: {  	[sflag:s7] =	ssyncadd.s32 $0xFFFF9E58  }
0x244: {  	[tilespmem:s16], [sflag:$0x2] =	stream.linear.gather [hbm4b:s0+s2], $0x61A8, $0x38;
	[tilespmem:$0x18800] =	vst v63  }
0x245: {  	_ =	swait.ge [sflag:s19], $0x61A8  }
0x246: {  	s0 =	sld [smem:$0x7DA]  }
0x247: {  	[sflag:s19] =	ssyncset.done $0x0  }
0x248: {  	[sflag:s19] =	ssyncadd.s32 $0xFFFF9E58  }
0x249: {  	[hbm4b:s0+s2] =	stream.linear.scatter [tilespmem:s14], [sflag:$0x7], $0x61A8, $0x38;
	[tilespmem:$0x18800] =	vst v63  }
0x24a: {  	_ =	swait.ge [sflag:s12], $0x61A8  }
0x24b: {  	s0 =	sld [smem:$0x7DB]  }
0x24c: {  	[sflag:s12] =	ssyncset.done $0x0  }
0x24d: {  	[sflag:s12] =	ssyncadd.s32 $0xFFFF9E58  }
0x24e: {  	[tilespmem:s14], [sflag:$0x3] =	stream.linear.gather [hbm4b:s0+s2], $0x61A8, $0x38;
	[tilespmem:$0x18800] =	vst v63  }
0x24f: {  	_ =	swait.ge [sflag:s21], $0x61A8  }
0x250: {  	s0 =	sld [smem:$0x7DC]  }
0x251: {  	[sflag:s21] =	ssyncset.done $0x0  }
0x252: {  	[sflag:s21] =	ssyncadd.s32 $0xFFFF9E58  }
0x253: {  	[hbm4b:s0+s2] =	stream.linear.scatter [tilespmem:s11], [sflag:$0x8], $0x61A8, $0x38;
	[tilespmem:$0x18800] =	vst v63  }
0x254: {  	_ =	swait.ge [sflag:s10], $0x61A8  }
0x255: {  	s0 =	sld [smem:$0x7DD]  }
0x256: {  	[sflag:s10] =	ssyncset.done $0x0  }
0x257: {  	[sflag:s10] =	ssyncadd.s32 $0xFFFF9E58  }
0x258: {  	[tilespmem:s11], [sflag:$0x4] =	stream.linear.gather [hbm4b:s0+s2], $0x61A8, $0x38;
	[tilespmem:$0x18800] =	vst v63  }
0x259: {  	_ =	swait.ge [sflag:s24], $0x61A8  }
0x25a: {  	s0 =	sld [smem:$0x7DE]  }
0x25b: {  	[sflag:s24] =	ssyncset.done $0x0  }
0x25c: {  	[sflag:s24] =	ssyncadd.s32 $0xFFFF9E58  }
0x25d: {  	[hbm4b:s0+s2] =	stream.linear.scatter [tilespmem:s2], [sflag:$0x5], $0x61A8, $0x38;
	[tilespmem:$0x18800] =	vst v63  }
0x25e: {  	_ =	swait.ge [sflag:s9], $0x61A8  }
0x25f: {  	s0 =	sld [smem:$0x7DF]  }
0x260: {  	[sflag:s9] =	ssyncset.done $0x0  }
0x261: {  	[sflag:s9] =	ssyncadd.s32 $0xFFFF9E58  }
0x262: {  	[tilespmem:s2], [sflag:$0x1] =	stream.linear.gather [hbm4b:s0+s2], $0x61A8, $0x38;
	[tilespmem:$0x18800] =	vst v63  }
0x263: {  	_ =	swait.ge [sflag:s22], $0x61A8  }
0x264: {  	s0 =	sld [smem:$0x7E0]  }
0x265: {  	[sflag:s22] =	ssyncset.done $0x0  }
0x266: {  	[sflag:s22] =	ssyncadd.s32 $0xFFFF9E58  }
0x267: {  	[hbm4b:s0+s2] =	stream.linear.scatter [tilespmem:s16], [sflag:$0x6], $0x61A8, $0x38;
	[tilespmem:$0x18800] =	vst v63  }
0x268: {  	_ =	swait.ge [sflag:s7], $0x61A8  }
0x269: {  	s0 =	sld [smem:$0x7E1]  }
0x26a: {  	[sflag:s7] =	ssyncset.done $0x0  }
0x26b: {  	[sflag:s7] =	ssyncadd.s32 $0xFFFF9E58  }
0x26c: {  	[tilespmem:s16], [sflag:$0x2] =	stream.linear.gather [hbm4b:s0+s2], $0x61A8, $0x38;
	[tilespmem:$0x18800] =	vst v63  }
0x26d: {  	_ =	swait.ge [sflag:s19], $0x61A8  }
0x26e: {  	s0 =	sld [smem:$0x7E2]  }
0x26f: {  	[sflag:s19] =	ssyncset.done $0x0  }
0x270: {  	[sflag:s19] =	ssyncadd.s32 $0xFFFF9E58  }
0x271: {  	[hbm4b:s0+s2] =	stream.linear.scatter [tilespmem:s14], [sflag:$0x7], $0x61A8, $0x38;
	[tilespmem:$0x18800] =	vst v63  }
0x272: {  	_ =	swait.ge [sflag:s12], $0x61A8  }
0x273: {  	s0 =	sld [smem:$0x7E3]  }
0x274: {  	[sflag:s12] =	ssyncset.done $0x0  }
0x275: {  	[sflag:s12] =	ssyncadd.s32 $0xFFFF9E58  }
0x276: {  	[tilespmem:s14], [sflag:$0x3] =	stream.linear.gather [hbm4b:s0+s2], $0x61A8, $0x38;
	[tilespmem:$0x18800] =	vst v63  }
0x277: {  	_ =	swait.ge [sflag:s21], $0x61A8  }
0x278: {  	s0 =	sld [smem:$0x7E4]  }
0x279: {  	[sflag:s21] =	ssyncset.done $0x0  }
0x27a: {  	[sflag:s21] =	ssyncadd.s32 $0xFFFF9E58  }
0x27b: {  	[hbm4b:s0+s2] =	stream.linear.scatter [tilespmem:s11], [sflag:$0x8], $0x61A8, $0x38;
	[tilespmem:$0x18800] =	vst v63  }
0x27c: {  	_ =	swait.ge [sflag:s10], $0x61A8  }
0x27d: {  	s0 =	sld [smem:$0x7E5]  }
0x27e: {  	[sflag:s10] =	ssyncset.done $0x0  }
0x27f: {  	[sflag:s10] =	ssyncadd.s32 $0xFFFF9E58  }
0x280: {  	[tilespmem:s11], [sflag:$0x4] =	stream.linear.gather [hbm4b:s0+s2], $0x61A8, $0x38;
	[tilespmem:$0x18800] =	vst v63  }
0x281: {  	_ =	swait.ge [sflag:s24], $0x61A8  }
0x282: {  	s0 =	sld [smem:$0x7E6]  }
0x283: {  	[sflag:s24] =	ssyncset.done $0x0  }
0x284: {  	[sflag:s24] =	ssyncadd.s32 $0xFFFF9E58  }
0x285: {  	[hbm4b:s0+s2] =	stream.linear.scatter [tilespmem:s2], [sflag:$0x5], $0x61A8, $0x38;
	[tilespmem:$0x18800] =	vst v63  }
0x286: {  	_ =	swait.ge [sflag:s9], $0x61A8  }
0x287: {  	s0 =	sld [smem:$0x7E7]  }
0x288: {  	[sflag:s9] =	ssyncset.done $0x0  }
0x289: {  	[sflag:s9] =	ssyncadd.s32 $0xFFFF9E58  }
0x28a: {  	[tilespmem:s2], [sflag:$0x1] =	stream.linear.gather [hbm4b:s0+s2], $0x61A8, $0x38;
	[tilespmem:$0x18800] =	vst v63  }
0x28b: {  	_ =	swait.ge [sflag:s22], $0x61A8  }
0x28c: {  	s0 =	sld [smem:$0x7E8]  }
0x28d: {  	[sflag:s22] =	ssyncset.done $0x0  }
0x28e: {  	[sflag:s22] =	ssyncadd.s32 $0xFFFF9E58  }
0x28f: {  	[hbm4b:s0+s2] =	stream.linear.scatter [tilespmem:s16], [sflag:$0x6], $0x61A8, $0x38;
	[tilespmem:$0x18800] =	vst v63  }
0x290: {  	_ =	swait.ge [sflag:s7], $0x61A8  }
0x291: {  	s0 =	sld [smem:$0x7E9]  }
0x292: {  	[sflag:s7] =	ssyncset.done $0x0  }
0x293: {  	[sflag:s7] =	ssyncadd.s32 $0xFFFF9E58  }
0x294: {  	[tilespmem:s16], [sflag:$0x2] =	stream.linear.gather [hbm4b:s0+s2], $0x61A8, $0x38;
	[tilespmem:$0x18800] =	vst v63  }
0x295: {  	_ =	swait.ge [sflag:s19], $0x61A8  }
0x296: {  	s0 =	sld [smem:$0x7EA]  }
0x297: {  	[sflag:s19] =	ssyncset.done $0x0  }
0x298: {  	[sflag:s19] =	ssyncadd.s32 $0xFFFF9E58  }
0x299: {  	[hbm4b:s0+s2] =	stream.linear.scatter [tilespmem:s14], [sflag:$0x7], $0x61A8, $0x38;
	[tilespmem:$0x18800] =	vst v63  }
0x29a: {  	_ =	swait.ge [sflag:s12], $0x61A8  }
0x29b: {  	s0 =	sld [smem:$0x7EB]  }
0x29c: {  	[sflag:s12] =	ssyncset.done $0x0  }
0x29d: {  	[sflag:s12] =	ssyncadd.s32 $0xFFFF9E58  }
0x29e: {  	[tilespmem:s14], [sflag:$0x3] =	stream.linear.gather [hbm4b:s0+s2], $0x61A8, $0x38;
	[tilespmem:$0x18800] =	vst v63  }
0x29f: {  	_ =	swait.ge [sflag:s21], $0x61A8  }
0x2a0: {  	s0 =	sld [smem:$0x7EC]  }
0x2a1: {  	[sflag:s21] =	ssyncset.done $0x0  }
0x2a2: {  	[sflag:s21] =	ssyncadd.s32 $0xFFFF9E58  }
0x2a3: {  	[hbm4b:s0+s2] =	stream.linear.scatter [tilespmem:s11], [sflag:$0x8], $0x61A8, $0x38;
	[tilespmem:$0x18800] =	vst v63  }
0x2a4: {  	_ =	swait.ge [sflag:s10], $0x61A8  }
0x2a5: {  	s0 =	sld [smem:$0x7ED]  }
0x2a6: {  	[sflag:s10] =	ssyncset.done $0x0  }
0x2a7: {  	[sflag:s10] =	ssyncadd.s32 $0xFFFF9E58  }
0x2a8: {  	[tilespmem:s11], [sflag:$0x4] =	stream.linear.gather [hbm4b:s0+s2], $0x61A8, $0x38;
	[tilespmem:$0x18800] =	vst v63  }
0x2a9: {  	_ =	swait.ge [sflag:s24], $0x61A8  }
0x2aa: {  	s0 =	sld [smem:$0x7EE]  }
0x2ab: {  	[sflag:s24] =	ssyncset.done $0x0  }
0x2ac: {  	[sflag:s24] =	ssyncadd.s32 $0xFFFF9E58  }
0x2ad: {  	[hbm4b:s0+s2] =	stream.linear.scatter [tilespmem:s2], [sflag:$0x5], $0x61A8, $0x38;
	[tilespmem:$0x18800] =	vst v63  }
0x2ae: {  	_ =	swait.ge [sflag:s9], $0x61A8  }
0x2af: {  	s0 =	sld [smem:$0x7EF]  }
0x2b0: {  	[sflag:s9] =	ssyncset.done $0x0  }
0x2b1: {  	[sflag:s9] =	ssyncadd.s32 $0xFFFF9E58  }
0x2b2: {  	[tilespmem:s2], [sflag:$0x1] =	stream.linear.gather [hbm4b:s0+s2], $0x61A8, $0x38;
	[tilespmem:$0x18800] =	vst v63  }
0x2b3: {  	_ =	swait.ge [sflag:s22], $0x61A8  }
0x2b4: {  	s0 =	sld [smem:$0x7F0]  }
0x2b5: {  	[sflag:s22] =	ssyncset.done $0x0  }
0x2b6: {  	[sflag:s22] =	ssyncadd.s32 $0xFFFF9E58  }
0x2b7: {  	[hbm4b:s0+s2] =	stream.linear.scatter [tilespmem:s16], [sflag:$0x6], $0x61A8, $0x38;
	[tilespmem:$0x18800] =	vst v63  }
0x2b8: {  	_ =	swait.ge [sflag:s7], $0x61A8  }
0x2b9: {  	s0 =	sld [smem:$0x7F1]  }
0x2ba: {  	[sflag:s7] =	ssyncset.done $0x0  }
0x2bb: {  	[sflag:s7] =	ssyncadd.s32 $0xFFFF9E58  }
0x2bc: {  	[tilespmem:s16], [sflag:$0x2] =	stream.linear.gather [hbm4b:s0+s2], $0x61A8, $0x38;
	[tilespmem:$0x18800] =	vst v63  }
0x2bd: {  	_ =	swait.ge [sflag:s19], $0x61A8  }
0x2be: {  	s0 =	sld [smem:$0x7F2]  }
0x2bf: {  	[sflag:s19] =	ssyncset.done $0x0  }
0x2c0: {  	[sflag:s19] =	ssyncadd.s32 $0xFFFF9E58  }
0x2c1: {  	[hbm4b:s0+s2] =	stream.linear.scatter [tilespmem:s14], [sflag:$0x7], $0x61A8, $0x38;
	[tilespmem:$0x18800] =	vst v63  }
0x2c2: {  	_ =	swait.ge [sflag:s12], $0x61A8  }
0x2c3: {  	s0 =	sld [smem:$0x7F3]  }
0x2c4: {  	[sflag:s12] =	ssyncset.done $0x0  }
0x2c5: {  	[sflag:s12] =	ssyncadd.s32 $0xFFFF9E58  }
0x2c6: {  	[tilespmem:s14], [sflag:$0x3] =	stream.linear.gather [hbm4b:s0+s2], $0x61A8, $0x38;
	[tilespmem:$0x18800] =	vst v63  }
0x2c7: {  	_ =	swait.ge [sflag:s21], $0x61A8  }
0x2c8: {  	s0 =	sld [smem:$0x7F4]  }
0x2c9: {  	[sflag:s21] =	ssyncset.done $0x0  }
0x2ca: {  	[sflag:s21] =	ssyncadd.s32 $0xFFFF9E58  }
0x2cb: {  	[hbm4b:s0+s2] =	stream.linear.scatter [tilespmem:s11], [sflag:$0x8], $0x61A8, $0x38;
	[tilespmem:$0x18800] =	vst v63  }
0x2cc: {  	_ =	swait.ge [sflag:s10], $0x61A8  }
0x2cd: {  	s0 =	sld [smem:$0x7F5]  }
0x2ce: {  	[sflag:s10] =	ssyncset.done $0x0  }
0x2cf: {  	[sflag:s10] =	ssyncadd.s32 $0xFFFF9E58  }
0x2d0: {  	[tilespmem:s11], [sflag:$0x4] =	stream.linear.gather [hbm4b:s0+s2], $0x61A8, $0x38;
	[tilespmem:$0x18800] =	vst v63  }
0x2d1: {  	_ =	swait.ge [sflag:s24], $0x61A8  }
0x2d2: {  	s0 =	sld [smem:$0x7F6]  }
0x2d3: {  	[sflag:s24] =	ssyncset.done $0x0  }
0x2d4: {  	[sflag:s24] =	ssyncadd.s32 $0xFFFF9E58  }
0x2d5: {  	[hbm4b:s0+s2] =	stream.linear.scatter [tilespmem:s2], [sflag:$0x5], $0x61A8, $0x38;
	[tilespmem:$0x18800] =	vst v63  }
0x2d6: {  	_ =	swait.ge [sflag:s9], $0x61A8  }
0x2d7: {  	s0 =	sld [smem:$0x7F7]  }
0x2d8: {  	[sflag:s9] =	ssyncset.done $0x0  }
0x2d9: {  	[sflag:s9] =	ssyncadd.s32 $0xFFFF9E58  }
0x2da: {  	[tilespmem:s2], [sflag:$0x1] =	stream.linear.gather [hbm4b:s0+s2], $0x61A8, $0x38;
	[tilespmem:$0x18800] =	vst v63  }
0x2db: {  	_ =	swait.ge [sflag:s22], $0x61A8  }
0x2dc: {  	s0 =	sld [smem:$0x7F8]  }
0x2dd: {  	[sflag:s22] =	ssyncset.done $0x0  }
0x2de: {  	[sflag:s22] =	ssyncadd.s32 $0xFFFF9E58  }
0x2df: {  	[hbm4b:s0+s2] =	stream.linear.scatter [tilespmem:s16], [sflag:$0x6], $0x61A8, $0x38;
	[tilespmem:$0x18800] =	vst v63  }
0x2e0: {  	_ =	swait.ge [sflag:s7], $0x61A8  }
0x2e1: {  	s0 =	sld [smem:$0x7F9]  }
0x2e2: {  	[sflag:s7] =	ssyncset.done $0x0  }
0x2e3: {  	[sflag:s7] =	ssyncadd.s32 $0xFFFF9E58  }
0x2e4: {  	[tilespmem:s16], [sflag:$0x2] =	stream.linear.gather [hbm4b:s0+s2], $0x61A8, $0x38;
	[tilespmem:$0x18800] =	vst v63  }
0x2e5: {  	_ =	swait.ge [sflag:s19], $0x61A8  }
0x2e6: {  	s0 =	sld [smem:$0x7FA]  }
0x2e7: {  	[sflag:s19] =	ssyncset.done $0x0  }
0x2e8: {  	[sflag:s19] =	ssyncadd.s32 $0xFFFF9E58  }
0x2e9: {  	[hbm4b:s0+s2] =	stream.linear.scatter [tilespmem:s14], [sflag:$0x7], $0x61A8, $0x38;
	[tilespmem:$0x18800] =	vst v63  }
0x2ea: {  	_ =	swait.ge [sflag:s12], $0x61A8  }
0x2eb: {  	s0 =	sld [smem:$0x7FB]  }
0x2ec: {  	[sflag:s12] =	ssyncset.done $0x0  }
0x2ed: {  	[sflag:s12] =	ssyncadd.s32 $0xFFFF9E58  }
0x2ee: {  	[tilespmem:s14], [sflag:$0x3] =	stream.linear.gather [hbm4b:s0+s2], $0x61A8, $0x38;
	[tilespmem:$0x18800] =	vst v63  }
0x2ef: {  	_ =	swait.ge [sflag:s21], $0x61A8  }
0x2f0: {  	s0 =	sld [smem:$0x7FC]  }
0x2f1: {  	[sflag:s21] =	ssyncset.done $0x0  }
0x2f2: {  	[sflag:s21] =	ssyncadd.s32 $0xFFFF9E58  }
0x2f3: {  	[hbm4b:s0+s2] =	stream.linear.scatter [tilespmem:s11], [sflag:$0x8], $0x61A8, $0x38;
	[tilespmem:$0x18800] =	vst v63  }
0x2f4: {  	_ =	swait.ge [sflag:s10], $0x61A8  }
0x2f5: {  	s0 =	sld [smem:$0x7FD]  }
0x2f6: {  	[sflag:s10] =	ssyncset.done $0x0  }
0x2f7: {  	s3 =	smov.u32 s4;
	[sflag:s10] =	ssyncadd.s32 $0xFFFF9E58  }
0x2f8: {  	[tilespmem:s11], [sflag:$0x4] =	stream.linear.gather [hbm4b:s0+s2], $0x61A8, $0x38;
	[tilespmem:$0x18800] =	vst v63  }
0x2f9: {  	s4 =	smov.u32 s5;
	s5 =	smov.u32 s6;
	_ =	swait.ge [sflag:s24], $0x61A8  }
0x2fa: {  	s6 =	smov.u32 s8;
	s8 =	smov.u32 s13;
	[sflag:s24] =	ssyncset.done $0x0  }
0x2fb: {  	s13 =	smov.u32 s15;
	s15 =	smov.u32 s17;
	[sflag:s24] =	ssyncadd.s32 $0xFFFF9E58  }
0x2fc: {  	[hbm4b:s29+s2] =	stream.linear.scatter [tilespmem:s2], [sflag:$0x5], $0x61A8, $0x38;
	[tilespmem:$0x18800] =	vst v63  }
0x2fd: {  	s17 =	smov.u32 s18;
	s18 =	smov.u32 s20;
	_ =	swait.ge [sflag:s9], $0x61A8  }
0x2fe: {  	s20 =	smov.u32 s23;
	s23 =	smov.u32 s25;
	[sflag:s9] =	ssyncset.done $0x0  }
0x2ff: {  	s25 =	smov.u32 s26;
	s26 =	smov.u32 s28;
	[sflag:s9] =	ssyncadd.s32 $0xFFFF9E58  }
0x300: {  	[tilespmem:s2], [sflag:$0x1] =	stream.linear.gather [hbm4b:s26+s2], $0x61A8, $0x38;
	[tilespmem:$0x18800] =	vst v63  }
0x301: {  	_ =	swait.ge [sflag:s22], $0x61A8  }
0x302: {  	[sflag:s22] =	ssyncset.done $0x0  }
0x303: {  	[sflag:s22] =	ssyncadd.s32 $0xFFFF9E58  }
0x304: {  	[hbm4b:s25+s2] =	stream.linear.scatter [tilespmem:s16], [sflag:$0x6], $0x61A8, $0x38;
	[tilespmem:$0x18800] =	vst v63  }
0x305: {  	_ =	swait.ge [sflag:s7], $0x61A8  }
0x306: {  	[sflag:s7] =	ssyncset.done $0x0  }
0x307: {  	[sflag:s7] =	ssyncadd.s32 $0xFFFF9E58  }
0x308: {  	[tilespmem:s16], [sflag:$0x2] =	stream.linear.gather [hbm4b:s23+s2], $0x61A8, $0x38;
	[tilespmem:$0x18800] =	vst v63  }
0x309: {  	_ =	swait.ge [sflag:s19], $0x61A8  }
0x30a: {  	[sflag:s19] =	ssyncset.done $0x0  }
0x30b: {  	[sflag:s19] =	ssyncadd.s32 $0xFFFF9E58  }
0x30c: {  	[hbm4b:s20+s2] =	stream.linear.scatter [tilespmem:s14], [sflag:$0x7], $0x61A8, $0x38;
	[tilespmem:$0x18800] =	vst v63  }
0x30d: {  	_ =	swait.ge [sflag:s12], $0x61A8  }
0x30e: {  	[sflag:s12] =	ssyncset.done $0x0  }
0x30f: {  	[sflag:s12] =	ssyncadd.s32 $0xFFFF9E58  }
0x310: {  	[tilespmem:s14], [sflag:$0x3] =	stream.linear.gather [hbm4b:s18+s2], $0x61A8, $0x38;
	[tilespmem:$0x18800] =	vst v63  }
0x311: {  	_ =	swait.ge [sflag:s21], $0x61A8  }
0x312: {  	[sflag:s21] =	ssyncset.done $0x0  }
0x313: {  	[sflag:s21] =	ssyncadd.s32 $0xFFFF9E58  }
0x314: {  	[hbm4b:s17+s2] =	stream.linear.scatter [tilespmem:s11], [sflag:$0x8], $0x61A8, $0x38;
	[tilespmem:$0x18800] =	vst v63  }
0x315: {  	_ =	swait.ge [sflag:s10], $0x61A8  }
0x316: {  	[sflag:s10] =	ssyncset.done $0x0  }
0x317: {  	[sflag:s10] =	ssyncadd.s32 $0xFFFF9E58  }
0x318: {  	[tilespmem:s11], [sflag:$0x4] =	stream.linear.gather [hbm4b:s15+s2], $0x61A8, $0x38;
	[tilespmem:$0x18800] =	vst v63  }
0x319: {  	_ =	swait.ge [sflag:s24], $0x61A8  }
0x31a: {  	[sflag:s24] =	ssyncset.done $0x0  }
0x31b: {  	[sflag:s24] =	ssyncadd.s32 $0xFFFF9E58  }
0x31c: {  	[hbm4b:s13+s2] =	stream.linear.scatter [tilespmem:s2], [sflag:$0x5], $0x61A8, $0x38;
	[tilespmem:$0x18800] =	vst v63  }
0x31d: {  	_ =	swait.ge [sflag:s22], $0x61A8  }
0x31e: {  	[sflag:s22] =	ssyncset.done $0x0  }
0x31f: {  	[sflag:s22] =	ssyncadd.s32 $0xFFFF9E58  }
0x320: {  	[hbm4b:s8+s2] =	stream.linear.scatter [tilespmem:s16], [sflag:$0x6], $0x61A8, $0x38;
	[tilespmem:$0x18800] =	vst v63  }
0x321: {  	_ =	swait.ge [sflag:s19], $0x61A8  }
0x322: {  	[sflag:s19] =	ssyncset.done $0x0  }
0x323: {  	[sflag:s19] =	ssyncadd.s32 $0xFFFF9E58  }
0x324: {  	[hbm4b:s6+s2] =	stream.linear.scatter [tilespmem:s14], [sflag:$0x7], $0x61A8, $0x38;
	[tilespmem:$0x18800] =	vst v63  }
0x325: {  	_ =	swait.ge [sflag:s21], $0x61A8  }
0x326: {  	[sflag:s21] =	ssyncset.done $0x0  }
0x327: {  	[sflag:s21] =	ssyncadd.s32 $0xFFFF9E58  }
0x328: {  	[hbm4b:s5+s2] =	stream.linear.scatter [tilespmem:s11], [sflag:$0x8], $0x61A8, $0x38;
	[tilespmem:$0x18800] =	vst v63  }
0x329: {  	_ =	swait.ge [sflag:s9], $0x61A8  }
0x32a: {  	[sflag:s9] =	ssyncset.done $0x0  }
0x32b: {  	[sflag:s9] =	ssyncadd.s32 $0xFFFF9E58  }
0x32c: {  	_ =	swait.ge [sflag:s7], $0x61A8  }
0x32d: {  	[sflag:s7] =	ssyncset.done $0x0  }
0x32e: {  	[sflag:s7] =	ssyncadd.s32 $0xFFFF9E58  }
0x32f: {  	_ =	swait.ge [sflag:s12], $0x61A8  }
0x330: {  	[sflag:s12] =	ssyncset.done $0x0  }
0x331: {  	[sflag:s12] =	ssyncadd.s32 $0xFFFF9E58  }
0x332: {  	_ =	swait.ge [sflag:s10], $0x61A8  }
0x333: {  	[sflag:s10] =	ssyncset.done $0x0  }
0x334: {  	s1 =	sadd.s32 $0xFFFFFFFF, s1;
	s0 =	simm.s32 @!p0 $0x0;
	[sflag:s10] =	ssyncadd.s32 $0xFFFF9E58  }
0x335: {  	[tilespmem:s0], [sflag:$0x1] =	stream.linear.gather @!p0 [hbm4b:s4+s0], $0x20, $0x38;
	[tilespmem:$0x18800] =	vst v63  }
0x336: {  	p2 =	sne.s32 s1, $0x0;
	_ =	swait.ge @!p0 [sflag:s31], $0x20  }
.Ltmp2:
0x337: {  	[sflag:s31] =	ssyncset.done @!p0 $0x0;
	(pc) =	sbr.rel @p2 .LBB2_4-.Ltmp2, $4  }
0x338: {  	[sflag:s31] =	ssyncadd.s32 @!p0 $0xFFFFFFE0  }
0x339: {  	[hbm4b:s3+s0] =	stream.linear.scatter @!p0 [tilespmem:s0], [sflag:$0x5], $0x20, $0x38;
	[tilespmem:$0x18800] =	vst v63  }
0x33a: {  	_ =	swait.ge @!p0 [sflag:s30], $0x20  }
0x33b: {  	s28 =	smov.u32 s29;
	s0 =	rddreg [dreg:$0x3];
	[sflag:s30] =	ssyncset.done @!p0 $0x0  }
0x33c: {  	s29 =	stileid.u32;
	s31 =	rddreg [dreg:$0x2]  }
.LBB2_6:
0x33d: {  	p1 =	por p0, !p1  }
0x33e: {  	[sflag:s30] =	ssyncadd.s32 @!p1 $0xFFFFFFE0  }
0x33f: {  	[tilespmem:s2], [sflag:$0x1] =	stream.linear.gather [hbm4b:s0+s2], $0x61A8, $0x38;
	[tilespmem:$0x18800] =	vst v63  }
0x340: {  	s1 =	rddreg [dreg:$0x4]  }
0x341: {  	[tilespmem:s16], [sflag:$0x2] =	stream.linear.gather [hbm4b:s1+s2], $0x61A8, $0x38;
	[tilespmem:$0x18800] =	vst v63  }
0x342: {  	s0 =	rddreg [dreg:$0x5]  }
0x343: {  	[tilespmem:s14], [sflag:$0x3] =	stream.linear.gather [hbm4b:s0+s2], $0x61A8, $0x38;
	[tilespmem:$0x18800] =	vst v63  }
0x344: {  	s30 =	rddreg [dreg:$0x6]  }
0x345: {  	[tilespmem:s11], [sflag:$0x4] =	stream.linear.gather [hbm4b:s30+s2], $0x61A8, $0x38;
	[tilespmem:$0x18800] =	vst v63  }
0x346: {  	_ =	swait.ge [sflag:s24], $0x61A8  }
0x347: {  	[sflag:s24] =	ssyncset.done $0x0  }
0x348: {  	s1 =	rddreg [dreg:$0x7];
	[sflag:s24] =	ssyncadd.s32 $0xFFFF9E58  }
0x349: {  	[hbm4b:s1+s2] =	stream.linear.scatter [tilespmem:s2], [sflag:$0x5], $0x61A8, $0x38;
	[tilespmem:$0x18800] =	vst v63  }
0x34a: {  	_ =	swait.ge [sflag:s9], $0x61A8  }
0x34b: {  	[sflag:s9] =	ssyncset.done $0x0  }
0x34c: {  	s30 =	rddreg [dreg:$0x8];
	[sflag:s9] =	ssyncadd.s32 $0xFFFF9E58  }
0x34d: {  	[tilespmem:s2], [sflag:$0x1] =	stream.linear.gather [hbm4b:s30+s2], $0x61A8, $0x38;
	[tilespmem:$0x18800] =	vst v63  }
0x34e: {  	_ =	swait.ge [sflag:s22], $0x61A8  }
0x34f: {  	[sflag:s22] =	ssyncset.done $0x0  }
0x350: {  	s1 =	rddreg [dreg:$0x9];
	[sflag:s22] =	ssyncadd.s32 $0xFFFF9E58  }
0x351: {  	[hbm4b:s1+s2] =	stream.linear.scatter [tilespmem:s16], [sflag:$0x6], $0x61A8, $0x38;
	[tilespmem:$0x18800] =	vst v63  }
0x352: {  	_ =	swait.ge [sflag:s7], $0x61A8  }
0x353: {  	[sflag:s7] =	ssyncset.done $0x0  }
0x354: {  	s30 =	rddreg [dreg:$0xa];
	[sflag:s7] =	ssyncadd.s32 $0xFFFF9E58  }
0x355: {  	[tilespmem:s16], [sflag:$0x2] =	stream.linear.gather [hbm4b:s30+s2], $0x61A8, $0x38;
	[tilespmem:$0x18800] =	vst v63  }
0x356: {  	_ =	swait.ge [sflag:s19], $0x61A8  }
0x357: {  	[sflag:s19] =	ssyncset.done $0x0  }
0x358: {  	s1 =	rddreg [dreg:$0xb];
	[sflag:s19] =	ssyncadd.s32 $0xFFFF9E58  }
0x359: {  	[hbm4b:s1+s2] =	stream.linear.scatter [tilespmem:s14], [sflag:$0x7], $0x61A8, $0x38;
	[tilespmem:$0x18800] =	vst v63  }
0x35a: {  	_ =	swait.ge [sflag:s12], $0x61A8  }
0x35b: {  	[sflag:s12] =	ssyncset.done $0x0  }
0x35c: {  	s30 =	rddreg [dreg:$0xc];
	[sflag:s12] =	ssyncadd.s32 $0xFFFF9E58  }
0x35d: {  	[tilespmem:s14], [sflag:$0x3] =	stream.linear.gather [hbm4b:s30+s2], $0x61A8, $0x38;
	[tilespmem:$0x18800] =	vst v63  }
0x35e: {  	_ =	swait.ge [sflag:s21], $0x61A8  }
0x35f: {  	[sflag:s21] =	ssyncset.done $0x0  }
0x360: {  	s1 =	rddreg [dreg:$0xd];
	[sflag:s21] =	ssyncadd.s32 $0xFFFF9E58  }
0x361: {  	[hbm4b:s1+s2] =	stream.linear.scatter [tilespmem:s11], [sflag:$0x8], $0x61A8, $0x38;
	[tilespmem:$0x18800] =	vst v63  }
0x362: {  	_ =	swait.ge [sflag:s10], $0x61A8  }
0x363: {  	[sflag:s10] =	ssyncset.done $0x0  }
0x364: {  	s30 =	rddreg [dreg:$0xe];
	[sflag:s10] =	ssyncadd.s32 $0xFFFF9E58  }
0x365: {  	[tilespmem:s11], [sflag:$0x4] =	stream.linear.gather [hbm4b:s30+s2], $0x61A8, $0x38;
	[tilespmem:$0x18800] =	vst v63  }
0x366: {  	_ =	swait.ge [sflag:s24], $0x61A8  }
0x367: {  	[sflag:s24] =	ssyncset.done $0x0  }
0x368: {  	s1 =	rddreg [dreg:$0xf];
	[sflag:s24] =	ssyncadd.s32 $0xFFFF9E58  }
0x369: {  	[hbm4b:s1+s2] =	stream.linear.scatter [tilespmem:s2], [sflag:$0x5], $0x61A8, $0x38;
	[tilespmem:$0x18800] =	vst v63  }
0x36a: {  	_ =	swait.ge [sflag:s9], $0x61A8  }
0x36b: {  	[sflag:s9] =	ssyncset.done $0x0  }
0x36c: {  	s30 =	rddreg [dreg:$0x10];
	[sflag:s9] =	ssyncadd.s32 $0xFFFF9E58  }
0x36d: {  	[tilespmem:s2], [sflag:$0x1] =	stream.linear.gather [hbm4b:s30+s2], $0x61A8, $0x38;
	[tilespmem:$0x18800] =	vst v63  }
0x36e: {  	_ =	swait.ge [sflag:s22], $0x61A8  }
0x36f: {  	[sflag:s22] =	ssyncset.done $0x0  }
0x370: {  	s1 =	rddreg [dreg:$0x11];
	[sflag:s22] =	ssyncadd.s32 $0xFFFF9E58  }
0x371: {  	[hbm4b:s1+s2] =	stream.linear.scatter [tilespmem:s16], [sflag:$0x6], $0x61A8, $0x38;
	[tilespmem:$0x18800] =	vst v63  }
0x372: {  	_ =	swait.ge [sflag:s7], $0x61A8  }
0x373: {  	[sflag:s7] =	ssyncset.done $0x0  }
0x374: {  	s30 =	rddreg [dreg:$0x12];
	[sflag:s7] =	ssyncadd.s32 $0xFFFF9E58  }
0x375: {  	[tilespmem:s16], [sflag:$0x2] =	stream.linear.gather [hbm4b:s30+s2], $0x61A8, $0x38;
	[tilespmem:$0x18800] =	vst v63  }
0x376: {  	_ =	swait.ge [sflag:s19], $0x61A8  }
0x377: {  	[sflag:s19] =	ssyncset.done $0x0  }
0x378: {  	s1 =	rddreg [dreg:$0x13];
	[sflag:s19] =	ssyncadd.s32 $0xFFFF9E58  }
0x379: {  	[hbm4b:s1+s2] =	stream.linear.scatter [tilespmem:s14], [sflag:$0x7], $0x61A8, $0x38;
	[tilespmem:$0x18800] =	vst v63  }
0x37a: {  	_ =	swait.ge [sflag:s12], $0x61A8  }
0x37b: {  	[sflag:s12] =	ssyncset.done $0x0  }
0x37c: {  	s30 =	rddreg [dreg:$0x14];
	[sflag:s12] =	ssyncadd.s32 $0xFFFF9E58  }
0x37d: {  	[tilespmem:s14], [sflag:$0x3] =	stream.linear.gather [hbm4b:s30+s2], $0x61A8, $0x38;
	[tilespmem:$0x18800] =	vst v63  }
0x37e: {  	_ =	swait.ge [sflag:s21], $0x61A8  }
0x37f: {  	[sflag:s21] =	ssyncset.done $0x0  }
0x380: {  	s1 =	rddreg [dreg:$0x15];
	[sflag:s21] =	ssyncadd.s32 $0xFFFF9E58  }
0x381: {  	[hbm4b:s1+s2] =	stream.linear.scatter [tilespmem:s11], [sflag:$0x8], $0x61A8, $0x38;
	[tilespmem:$0x18800] =	vst v63  }
0x382: {  	_ =	swait.ge [sflag:s10], $0x61A8  }
0x383: {  	[sflag:s10] =	ssyncset.done $0x0  }
0x384: {  	s30 =	rddreg [dreg:$0x16];
	[sflag:s10] =	ssyncadd.s32 $0xFFFF9E58  }
0x385: {  	[tilespmem:s11], [sflag:$0x4] =	stream.linear.gather [hbm4b:s30+s2], $0x61A8, $0x38;
	[tilespmem:$0x18800] =	vst v63  }
0x386: {  	_ =	swait.ge [sflag:s24], $0x61A8  }
0x387: {  	[sflag:s24] =	ssyncset.done $0x0  }
0x388: {  	s1 =	rddreg [dreg:$0x17];
	[sflag:s24] =	ssyncadd.s32 $0xFFFF9E58  }
0x389: {  	[hbm4b:s1+s2] =	stream.linear.scatter [tilespmem:s2], [sflag:$0x5], $0x61A8, $0x38;
	[tilespmem:$0x18800] =	vst v63  }
0x38a: {  	_ =	swait.ge [sflag:s9], $0x61A8  }
0x38b: {  	[sflag:s9] =	ssyncset.done $0x0  }
0x38c: {  	s30 =	rddreg [dreg:$0x18];
	[sflag:s9] =	ssyncadd.s32 $0xFFFF9E58  }
0x38d: {  	[tilespmem:s2], [sflag:$0x1] =	stream.linear.gather [hbm4b:s30+s2], $0x61A8, $0x38;
	[tilespmem:$0x18800] =	vst v63  }
0x38e: {  	_ =	swait.ge [sflag:s22], $0x61A8  }
0x38f: {  	[sflag:s22] =	ssyncset.done $0x0  }
0x390: {  	s1 =	rddreg [dreg:$0x19];
	[sflag:s22] =	ssyncadd.s32 $0xFFFF9E58  }
0x391: {  	[hbm4b:s1+s2] =	stream.linear.scatter [tilespmem:s16], [sflag:$0x6], $0x61A8, $0x38;
	[tilespmem:$0x18800] =	vst v63  }
0x392: {  	_ =	swait.ge [sflag:s7], $0x61A8  }
0x393: {  	[sflag:s7] =	ssyncset.done $0x0  }
0x394: {  	s30 =	rddreg [dreg:$0x1a];
	[sflag:s7] =	ssyncadd.s32 $0xFFFF9E58  }
0x395: {  	[tilespmem:s16], [sflag:$0x2] =	stream.linear.gather [hbm4b:s30+s2], $0x61A8, $0x38;
	[tilespmem:$0x18800] =	vst v63  }
0x396: {  	_ =	swait.ge [sflag:s19], $0x61A8  }
0x397: {  	[sflag:s19] =	ssyncset.done $0x0  }
0x398: {  	s1 =	rddreg [dreg:$0x1b];
	[sflag:s19] =	ssyncadd.s32 $0xFFFF9E58  }
0x399: {  	[hbm4b:s1+s2] =	stream.linear.scatter [tilespmem:s14], [sflag:$0x7], $0x61A8, $0x38;
	[tilespmem:$0x18800] =	vst v63  }
0x39a: {  	_ =	swait.ge [sflag:s12], $0x61A8  }
0x39b: {  	[sflag:s12] =	ssyncset.done $0x0  }
0x39c: {  	s30 =	rddreg [dreg:$0x1c];
	[sflag:s12] =	ssyncadd.s32 $0xFFFF9E58  }
0x39d: {  	[tilespmem:s14], [sflag:$0x3] =	stream.linear.gather [hbm4b:s30+s2], $0x61A8, $0x38;
	[tilespmem:$0x18800] =	vst v63  }
0x39e: {  	_ =	swait.ge [sflag:s21], $0x61A8  }
0x39f: {  	[sflag:s21] =	ssyncset.done $0x0  }
0x3a0: {  	s1 =	rddreg [dreg:$0x1d];
	[sflag:s21] =	ssyncadd.s32 $0xFFFF9E58  }
0x3a1: {  	[hbm4b:s1+s2] =	stream.linear.scatter [tilespmem:s11], [sflag:$0x8], $0x61A8, $0x38;
	[tilespmem:$0x18800] =	vst v63  }
0x3a2: {  	_ =	swait.ge [sflag:s10], $0x61A8  }
0x3a3: {  	[sflag:s10] =	ssyncset.done $0x0  }
0x3a4: {  	s30 =	rddreg [dreg:$0x1e];
	[sflag:s10] =	ssyncadd.s32 $0xFFFF9E58  }
0x3a5: {  	[tilespmem:s11], [sflag:$0x4] =	stream.linear.gather [hbm4b:s30+s2], $0x61A8, $0x38;
	[tilespmem:$0x18800] =	vst v63  }
0x3a6: {  	_ =	swait.ge [sflag:s24], $0x61A8  }
0x3a7: {  	[sflag:s24] =	ssyncset.done $0x0  }
0x3a8: {  	s1 =	rddreg [dreg:$0x1f];
	[sflag:s24] =	ssyncadd.s32 $0xFFFF9E58  }
0x3a9: {  	[hbm4b:s1+s2] =	stream.linear.scatter [tilespmem:s2], [sflag:$0x5], $0x61A8, $0x38;
	[tilespmem:$0x18800] =	vst v63  }
0x3aa: {  	_ =	swait.ge [sflag:s9], $0x61A8  }
0x3ab: {  	s30 =	sld [smem:$0x7D7]  }
0x3ac: {  	[sflag:s9] =	ssyncset.done $0x0  }
0x3ad: {  	[sflag:s9] =	ssyncadd.s32 $0xFFFF9E58  }
0x3ae: {  	[tilespmem:s2], [sflag:$0x1] =	stream.linear.gather [hbm4b:s30+s2], $0x61A8, $0x38;
	[tilespmem:$0x18800] =	vst v63  }
0x3af: {  	_ =	swait.ge [sflag:s22], $0x61A8  }
0x3b0: {  	s1 =	sld [smem:$0x7D8]  }
0x3b1: {  	[sflag:s22] =	ssyncset.done $0x0  }
0x3b2: {  	[sflag:s22] =	ssyncadd.s32 $0xFFFF9E58  }
0x3b3: {  	[hbm4b:s1+s2] =	stream.linear.scatter [tilespmem:s16], [sflag:$0x6], $0x61A8, $0x38;
	[tilespmem:$0x18800] =	vst v63  }
0x3b4: {  	_ =	swait.ge [sflag:s7], $0x61A8  }
0x3b5: {  	s30 =	sld [smem:$0x7D9]  }
0x3b6: {  	[sflag:s7] =	ssyncset.done $0x0  }
0x3b7: {  	[sflag:s7] =	ssyncadd.s32 $0xFFFF9E58  }
0x3b8: {  	[tilespmem:s16], [sflag:$0x2] =	stream.linear.gather [hbm4b:s30+s2], $0x61A8, $0x38;
	[tilespmem:$0x18800] =	vst v63  }
0x3b9: {  	_ =	swait.ge [sflag:s19], $0x61A8  }
0x3ba: {  	s1 =	sld [smem:$0x7DA]  }
0x3bb: {  	[sflag:s19] =	ssyncset.done $0x0  }
0x3bc: {  	[sflag:s19] =	ssyncadd.s32 $0xFFFF9E58  }
0x3bd: {  	[hbm4b:s1+s2] =	stream.linear.scatter [tilespmem:s14], [sflag:$0x7], $0x61A8, $0x38;
	[tilespmem:$0x18800] =	vst v63  }
0x3be: {  	_ =	swait.ge [sflag:s12], $0x61A8  }
0x3bf: {  	s30 =	sld [smem:$0x7DB]  }
0x3c0: {  	[sflag:s12] =	ssyncset.done $0x0  }
0x3c1: {  	[sflag:s12] =	ssyncadd.s32 $0xFFFF9E58  }
0x3c2: {  	[tilespmem:s14], [sflag:$0x3] =	stream.linear.gather [hbm4b:s30+s2], $0x61A8, $0x38;
	[tilespmem:$0x18800] =	vst v63  }
0x3c3: {  	_ =	swait.ge [sflag:s21], $0x61A8  }
0x3c4: {  	s1 =	sld [smem:$0x7DC]  }
0x3c5: {  	[sflag:s21] =	ssyncset.done $0x0  }
0x3c6: {  	[sflag:s21] =	ssyncadd.s32 $0xFFFF9E58  }
0x3c7: {  	[hbm4b:s1+s2] =	stream.linear.scatter [tilespmem:s11], [sflag:$0x8], $0x61A8, $0x38;
	[tilespmem:$0x18800] =	vst v63  }
0x3c8: {  	_ =	swait.ge [sflag:s10], $0x61A8  }
0x3c9: {  	s30 =	sld [smem:$0x7DD]  }
0x3ca: {  	[sflag:s10] =	ssyncset.done $0x0  }
0x3cb: {  	[sflag:s10] =	ssyncadd.s32 $0xFFFF9E58  }
0x3cc: {  	[tilespmem:s11], [sflag:$0x4] =	stream.linear.gather [hbm4b:s30+s2], $0x61A8, $0x38;
	[tilespmem:$0x18800] =	vst v63  }
0x3cd: {  	_ =	swait.ge [sflag:s24], $0x61A8  }
0x3ce: {  	s1 =	sld [smem:$0x7DE]  }
0x3cf: {  	[sflag:s24] =	ssyncset.done $0x0  }
0x3d0: {  	[sflag:s24] =	ssyncadd.s32 $0xFFFF9E58  }
0x3d1: {  	[hbm4b:s1+s2] =	stream.linear.scatter [tilespmem:s2], [sflag:$0x5], $0x61A8, $0x38;
	[tilespmem:$0x18800] =	vst v63  }
0x3d2: {  	_ =	swait.ge [sflag:s9], $0x61A8  }
0x3d3: {  	s30 =	sld [smem:$0x7DF]  }
0x3d4: {  	[sflag:s9] =	ssyncset.done $0x0  }
0x3d5: {  	[sflag:s9] =	ssyncadd.s32 $0xFFFF9E58  }
0x3d6: {  	[tilespmem:s2], [sflag:$0x1] =	stream.linear.gather [hbm4b:s30+s2], $0x61A8, $0x38;
	[tilespmem:$0x18800] =	vst v63  }
0x3d7: {  	_ =	swait.ge [sflag:s22], $0x61A8  }
0x3d8: {  	s1 =	sld [smem:$0x7E0]  }
0x3d9: {  	[sflag:s22] =	ssyncset.done $0x0  }
0x3da: {  	[sflag:s22] =	ssyncadd.s32 $0xFFFF9E58  }
0x3db: {  	[hbm4b:s1+s2] =	stream.linear.scatter [tilespmem:s16], [sflag:$0x6], $0x61A8, $0x38;
	[tilespmem:$0x18800] =	vst v63  }
0x3dc: {  	_ =	swait.ge [sflag:s7], $0x61A8  }
0x3dd: {  	s30 =	sld [smem:$0x7E1]  }
0x3de: {  	[sflag:s7] =	ssyncset.done $0x0  }
0x3df: {  	[sflag:s7] =	ssyncadd.s32 $0xFFFF9E58  }
0x3e0: {  	[tilespmem:s16], [sflag:$0x2] =	stream.linear.gather [hbm4b:s30+s2], $0x61A8, $0x38;
	[tilespmem:$0x18800] =	vst v63  }
0x3e1: {  	_ =	swait.ge [sflag:s19], $0x61A8  }
0x3e2: {  	s1 =	sld [smem:$0x7E2]  }
0x3e3: {  	[sflag:s19] =	ssyncset.done $0x0  }
0x3e4: {  	[sflag:s19] =	ssyncadd.s32 $0xFFFF9E58  }
0x3e5: {  	[hbm4b:s1+s2] =	stream.linear.scatter [tilespmem:s14], [sflag:$0x7], $0x61A8, $0x38;
	[tilespmem:$0x18800] =	vst v63  }
0x3e6: {  	_ =	swait.ge [sflag:s12], $0x61A8  }
0x3e7: {  	s30 =	sld [smem:$0x7E3]  }
0x3e8: {  	[sflag:s12] =	ssyncset.done $0x0  }
0x3e9: {  	[sflag:s12] =	ssyncadd.s32 $0xFFFF9E58  }
0x3ea: {  	[tilespmem:s14], [sflag:$0x3] =	stream.linear.gather [hbm4b:s30+s2], $0x61A8, $0x38;
	[tilespmem:$0x18800] =	vst v63  }
0x3eb: {  	_ =	swait.ge [sflag:s21], $0x61A8  }
0x3ec: {  	s1 =	sld [smem:$0x7E4]  }
0x3ed: {  	[sflag:s21] =	ssyncset.done $0x0  }
0x3ee: {  	[sflag:s21] =	ssyncadd.s32 $0xFFFF9E58  }
0x3ef: {  	[hbm4b:s1+s2] =	stream.linear.scatter [tilespmem:s11], [sflag:$0x8], $0x61A8, $0x38;
	[tilespmem:$0x18800] =	vst v63  }
0x3f0: {  	_ =	swait.ge [sflag:s10], $0x61A8  }
0x3f1: {  	s30 =	sld [smem:$0x7E5]  }
0x3f2: {  	[sflag:s10] =	ssyncset.done $0x0  }
0x3f3: {  	[sflag:s10] =	ssyncadd.s32 $0xFFFF9E58  }
0x3f4: {  	[tilespmem:s11], [sflag:$0x4] =	stream.linear.gather [hbm4b:s30+s2], $0x61A8, $0x38;
	[tilespmem:$0x18800] =	vst v63  }
0x3f5: {  	_ =	swait.ge [sflag:s24], $0x61A8  }
0x3f6: {  	s1 =	sld [smem:$0x7E6]  }
0x3f7: {  	[sflag:s24] =	ssyncset.done $0x0  }
0x3f8: {  	[sflag:s24] =	ssyncadd.s32 $0xFFFF9E58  }
0x3f9: {  	[hbm4b:s1+s2] =	stream.linear.scatter [tilespmem:s2], [sflag:$0x5], $0x61A8, $0x38;
	[tilespmem:$0x18800] =	vst v63  }
0x3fa: {  	_ =	swait.ge [sflag:s9], $0x61A8  }
0x3fb: {  	s30 =	sld [smem:$0x7E7]  }
0x3fc: {  	[sflag:s9] =	ssyncset.done $0x0  }
0x3fd: {  	[sflag:s9] =	ssyncadd.s32 $0xFFFF9E58  }
0x3fe: {  	[tilespmem:s2], [sflag:$0x1] =	stream.linear.gather [hbm4b:s30+s2], $0x61A8, $0x38;
	[tilespmem:$0x18800] =	vst v63  }
0x3ff: {  	_ =	swait.ge [sflag:s22], $0x61A8  }
0x400: {  	s1 =	sld [smem:$0x7E8]  }
0x401: {  	[sflag:s22] =	ssyncset.done $0x0  }
0x402: {  	[sflag:s22] =	ssyncadd.s32 $0xFFFF9E58  }
0x403: {  	[hbm4b:s1+s2] =	stream.linear.scatter [tilespmem:s16], [sflag:$0x6], $0x61A8, $0x38;
	[tilespmem:$0x18800] =	vst v63  }
0x404: {  	_ =	swait.ge [sflag:s7], $0x61A8  }
0x405: {  	s30 =	sld [smem:$0x7E9]  }
0x406: {  	[sflag:s7] =	ssyncset.done $0x0  }
0x407: {  	[sflag:s7] =	ssyncadd.s32 $0xFFFF9E58  }
0x408: {  	[tilespmem:s16], [sflag:$0x2] =	stream.linear.gather [hbm4b:s30+s2], $0x61A8, $0x38;
	[tilespmem:$0x18800] =	vst v63  }
0x409: {  	_ =	swait.ge [sflag:s19], $0x61A8  }
0x40a: {  	s1 =	sld [smem:$0x7EA]  }
0x40b: {  	[sflag:s19] =	ssyncset.done $0x0  }
0x40c: {  	[sflag:s19] =	ssyncadd.s32 $0xFFFF9E58  }
0x40d: {  	[hbm4b:s1+s2] =	stream.linear.scatter [tilespmem:s14], [sflag:$0x7], $0x61A8, $0x38;
	[tilespmem:$0x18800] =	vst v63  }
0x40e: {  	_ =	swait.ge [sflag:s12], $0x61A8  }
0x40f: {  	s30 =	sld [smem:$0x7EB]  }
0x410: {  	[sflag:s12] =	ssyncset.done $0x0  }
0x411: {  	[sflag:s12] =	ssyncadd.s32 $0xFFFF9E58  }
0x412: {  	[tilespmem:s14], [sflag:$0x3] =	stream.linear.gather [hbm4b:s30+s2], $0x61A8, $0x38;
	[tilespmem:$0x18800] =	vst v63  }
0x413: {  	_ =	swait.ge [sflag:s21], $0x61A8  }
0x414: {  	s1 =	sld [smem:$0x7EC]  }
0x415: {  	[sflag:s21] =	ssyncset.done $0x0  }
0x416: {  	[sflag:s21] =	ssyncadd.s32 $0xFFFF9E58  }
0x417: {  	[hbm4b:s1+s2] =	stream.linear.scatter [tilespmem:s11], [sflag:$0x8], $0x61A8, $0x38;
	[tilespmem:$0x18800] =	vst v63  }
0x418: {  	_ =	swait.ge [sflag:s10], $0x61A8  }
0x419: {  	s30 =	sld [smem:$0x7ED]  }
0x41a: {  	[sflag:s10] =	ssyncset.done $0x0  }
0x41b: {  	[sflag:s10] =	ssyncadd.s32 $0xFFFF9E58  }
0x41c: {  	[tilespmem:s11], [sflag:$0x4] =	stream.linear.gather [hbm4b:s30+s2], $0x61A8, $0x38;
	[tilespmem:$0x18800] =	vst v63  }
0x41d: {  	_ =	swait.ge [sflag:s24], $0x61A8  }
0x41e: {  	s1 =	sld [smem:$0x7EE]  }
0x41f: {  	[sflag:s24] =	ssyncset.done $0x0  }
0x420: {  	[sflag:s24] =	ssyncadd.s32 $0xFFFF9E58  }
0x421: {  	[hbm4b:s1+s2] =	stream.linear.scatter [tilespmem:s2], [sflag:$0x5], $0x61A8, $0x38;
	[tilespmem:$0x18800] =	vst v63  }
0x422: {  	_ =	swait.ge [sflag:s9], $0x61A8  }
0x423: {  	s30 =	sld [smem:$0x7EF]  }
0x424: {  	[sflag:s9] =	ssyncset.done $0x0  }
0x425: {  	[sflag:s9] =	ssyncadd.s32 $0xFFFF9E58  }
0x426: {  	[tilespmem:s2], [sflag:$0x1] =	stream.linear.gather [hbm4b:s30+s2], $0x61A8, $0x38;
	[tilespmem:$0x18800] =	vst v63  }
0x427: {  	_ =	swait.ge [sflag:s22], $0x61A8  }
0x428: {  	s1 =	sld [smem:$0x7F0]  }
0x429: {  	[sflag:s22] =	ssyncset.done $0x0  }
0x42a: {  	[sflag:s22] =	ssyncadd.s32 $0xFFFF9E58  }
0x42b: {  	[hbm4b:s1+s2] =	stream.linear.scatter [tilespmem:s16], [sflag:$0x6], $0x61A8, $0x38;
	[tilespmem:$0x18800] =	vst v63  }
0x42c: {  	_ =	swait.ge [sflag:s7], $0x61A8  }
0x42d: {  	s30 =	sld [smem:$0x7F1]  }
0x42e: {  	[sflag:s7] =	ssyncset.done $0x0  }
0x42f: {  	[sflag:s7] =	ssyncadd.s32 $0xFFFF9E58  }
0x430: {  	[tilespmem:s16], [sflag:$0x2] =	stream.linear.gather [hbm4b:s30+s2], $0x61A8, $0x38;
	[tilespmem:$0x18800] =	vst v63  }
0x431: {  	_ =	swait.ge [sflag:s19], $0x61A8  }
0x432: {  	s1 =	sld [smem:$0x7F2]  }
0x433: {  	[sflag:s19] =	ssyncset.done $0x0  }
0x434: {  	[sflag:s19] =	ssyncadd.s32 $0xFFFF9E58  }
0x435: {  	[hbm4b:s1+s2] =	stream.linear.scatter [tilespmem:s14], [sflag:$0x7], $0x61A8, $0x38;
	[tilespmem:$0x18800] =	vst v63  }
0x436: {  	_ =	swait.ge [sflag:s12], $0x61A8  }
0x437: {  	s30 =	sld [smem:$0x7F3]  }
0x438: {  	[sflag:s12] =	ssyncset.done $0x0  }
0x439: {  	[sflag:s12] =	ssyncadd.s32 $0xFFFF9E58  }
0x43a: {  	[tilespmem:s14], [sflag:$0x3] =	stream.linear.gather [hbm4b:s30+s2], $0x61A8, $0x38;
	[tilespmem:$0x18800] =	vst v63  }
0x43b: {  	_ =	swait.ge [sflag:s21], $0x61A8  }
0x43c: {  	s1 =	sld [smem:$0x7F4]  }
0x43d: {  	[sflag:s21] =	ssyncset.done $0x0  }
0x43e: {  	[sflag:s21] =	ssyncadd.s32 $0xFFFF9E58  }
0x43f: {  	[hbm4b:s1+s2] =	stream.linear.scatter [tilespmem:s11], [sflag:$0x8], $0x61A8, $0x38;
	[tilespmem:$0x18800] =	vst v63  }
0x440: {  	_ =	swait.ge [sflag:s10], $0x61A8  }
0x441: {  	s30 =	sld [smem:$0x7F5]  }
0x442: {  	[sflag:s10] =	ssyncset.done $0x0  }
0x443: {  	[sflag:s10] =	ssyncadd.s32 $0xFFFF9E58  }
0x444: {  	[tilespmem:s11], [sflag:$0x4] =	stream.linear.gather [hbm4b:s30+s2], $0x61A8, $0x38;
	[tilespmem:$0x18800] =	vst v63  }
0x445: {  	_ =	swait.ge [sflag:s24], $0x61A8  }
0x446: {  	s1 =	sld [smem:$0x7F6]  }
0x447: {  	[sflag:s24] =	ssyncset.done $0x0  }
0x448: {  	[sflag:s24] =	ssyncadd.s32 $0xFFFF9E58  }
0x449: {  	[hbm4b:s1+s2] =	stream.linear.scatter [tilespmem:s2], [sflag:$0x5], $0x61A8, $0x38;
	[tilespmem:$0x18800] =	vst v63  }
0x44a: {  	_ =	swait.ge [sflag:s9], $0x61A8  }
0x44b: {  	s30 =	sld [smem:$0x7F7]  }
0x44c: {  	[sflag:s9] =	ssyncset.done $0x0  }
0x44d: {  	[sflag:s9] =	ssyncadd.s32 $0xFFFF9E58  }
0x44e: {  	[tilespmem:s2], [sflag:$0x1] =	stream.linear.gather [hbm4b:s30+s2], $0x61A8, $0x38;
	[tilespmem:$0x18800] =	vst v63  }
0x44f: {  	_ =	swait.ge [sflag:s22], $0x61A8  }
0x450: {  	s1 =	sld [smem:$0x7F8]  }
0x451: {  	[sflag:s22] =	ssyncset.done $0x0  }
0x452: {  	[sflag:s22] =	ssyncadd.s32 $0xFFFF9E58  }
0x453: {  	[hbm4b:s1+s2] =	stream.linear.scatter [tilespmem:s16], [sflag:$0x6], $0x61A8, $0x38;
	[tilespmem:$0x18800] =	vst v63  }
0x454: {  	_ =	swait.ge [sflag:s7], $0x61A8  }
0x455: {  	s30 =	sld [smem:$0x7F9]  }
0x456: {  	[sflag:s7] =	ssyncset.done $0x0  }
0x457: {  	[sflag:s7] =	ssyncadd.s32 $0xFFFF9E58  }
0x458: {  	[tilespmem:s16], [sflag:$0x2] =	stream.linear.gather [hbm4b:s30+s2], $0x61A8, $0x38;
	[tilespmem:$0x18800] =	vst v63  }
0x459: {  	_ =	swait.ge [sflag:s19], $0x61A8  }
0x45a: {  	s1 =	sld [smem:$0x7FA]  }
0x45b: {  	[sflag:s19] =	ssyncset.done $0x0  }
0x45c: {  	[sflag:s19] =	ssyncadd.s32 $0xFFFF9E58  }
0x45d: {  	[hbm4b:s1+s2] =	stream.linear.scatter [tilespmem:s14], [sflag:$0x7], $0x61A8, $0x38;
	[tilespmem:$0x18800] =	vst v63  }
0x45e: {  	_ =	swait.ge [sflag:s12], $0x61A8  }
0x45f: {  	s30 =	sld [smem:$0x7FB]  }
0x460: {  	[sflag:s12] =	ssyncset.done $0x0  }
0x461: {  	[sflag:s12] =	ssyncadd.s32 $0xFFFF9E58  }
0x462: {  	[tilespmem:s14], [sflag:$0x3] =	stream.linear.gather [hbm4b:s30+s2], $0x61A8, $0x38;
	[tilespmem:$0x18800] =	vst v63  }
0x463: {  	_ =	swait.ge [sflag:s21], $0x61A8  }
0x464: {  	s1 =	sld [smem:$0x7FC]  }
0x465: {  	[sflag:s21] =	ssyncset.done $0x0  }
0x466: {  	[sflag:s21] =	ssyncadd.s32 $0xFFFF9E58  }
0x467: {  	[hbm4b:s1+s2] =	stream.linear.scatter [tilespmem:s11], [sflag:$0x8], $0x61A8, $0x38;
	[tilespmem:$0x18800] =	vst v63  }
0x468: {  	_ =	swait.ge [sflag:s10], $0x61A8  }
0x469: {  	s30 =	sld [smem:$0x7FD]  }
0x46a: {  	[sflag:s10] =	ssyncset.done $0x0  }
0x46b: {  	[sflag:s10] =	ssyncadd.s32 $0xFFFF9E58  }
0x46c: {  	[tilespmem:s11], [sflag:$0x4] =	stream.linear.gather [hbm4b:s30+s2], $0x61A8, $0x38;
	[tilespmem:$0x18800] =	vst v63  }
0x46d: {  	_ =	swait.ge [sflag:s24], $0x61A8  }
0x46e: {  	[sflag:s24] =	ssyncset.done $0x0  }
0x46f: {  	[sflag:s24] =	ssyncadd.s32 $0xFFFF9E58  }
0x470: {  	[hbm4b:s28+s2] =	stream.linear.scatter [tilespmem:s2], [sflag:$0x5], $0x61A8, $0x38;
	[tilespmem:$0x18800] =	vst v63  }
0x471: {  	_ =	swait.ge [sflag:s9], $0x61A8  }
0x472: {  	[sflag:s9] =	ssyncset.done $0x0  }
0x473: {  	[sflag:s9] =	ssyncadd.s32 $0xFFFF9E58  }
0x474: {  	[tilespmem:s2], [sflag:$0x1] =	stream.linear.gather [hbm4b:s26+s2], $0x61A8, $0x38;
	[tilespmem:$0x18800] =	vst v63  }
0x475: {  	_ =	swait.ge [sflag:s22], $0x61A8  }
0x476: {  	[sflag:s22] =	ssyncset.done $0x0  }
0x477: {  	[sflag:s22] =	ssyncadd.s32 $0xFFFF9E58  }
0x478: {  	[hbm4b:s25+s2] =	stream.linear.scatter [tilespmem:s16], [sflag:$0x6], $0x61A8, $0x38;
	[tilespmem:$0x18800] =	vst v63  }
0x479: {  	_ =	swait.ge [sflag:s7], $0x61A8  }
0x47a: {  	[sflag:s7] =	ssyncset.done $0x0  }
0x47b: {  	[sflag:s7] =	ssyncadd.s32 $0xFFFF9E58  }
0x47c: {  	[tilespmem:s16], [sflag:$0x2] =	stream.linear.gather [hbm4b:s23+s2], $0x61A8, $0x38;
	[tilespmem:$0x18800] =	vst v63  }
0x47d: {  	_ =	swait.ge [sflag:s19], $0x61A8  }
0x47e: {  	[sflag:s19] =	ssyncset.done $0x0  }
0x47f: {  	[sflag:s19] =	ssyncadd.s32 $0xFFFF9E58  }
0x480: {  	[hbm4b:s20+s2] =	stream.linear.scatter [tilespmem:s14], [sflag:$0x7], $0x61A8, $0x38;
	[tilespmem:$0x18800] =	vst v63  }
0x481: {  	_ =	swait.ge [sflag:s12], $0x61A8  }
0x482: {  	[sflag:s12] =	ssyncset.done $0x0  }
0x483: {  	[sflag:s12] =	ssyncadd.s32 $0xFFFF9E58  }
0x484: {  	[tilespmem:s14], [sflag:$0x3] =	stream.linear.gather [hbm4b:s18+s2], $0x61A8, $0x38;
	[tilespmem:$0x18800] =	vst v63  }
0x485: {  	_ =	swait.ge [sflag:s21], $0x61A8  }
0x486: {  	[sflag:s21] =	ssyncset.done $0x0  }
0x487: {  	[sflag:s21] =	ssyncadd.s32 $0xFFFF9E58  }
0x488: {  	[hbm4b:s17+s2] =	stream.linear.scatter [tilespmem:s11], [sflag:$0x8], $0x61A8, $0x38;
	[tilespmem:$0x18800] =	vst v63  }
0x489: {  	_ =	swait.ge [sflag:s10], $0x61A8  }
0x48a: {  	[sflag:s10] =	ssyncset.done $0x0  }
0x48b: {  	[sflag:s10] =	ssyncadd.s32 $0xFFFF9E58  }
0x48c: {  	[tilespmem:s11], [sflag:$0x4] =	stream.linear.gather [hbm4b:s15+s2], $0x61A8, $0x38;
	[tilespmem:$0x18800] =	vst v63  }
0x48d: {  	_ =	swait.ge [sflag:s24], $0x61A8  }
0x48e: {  	[sflag:s24] =	ssyncset.done $0x0  }
0x48f: {  	[sflag:s24] =	ssyncadd.s32 $0xFFFF9E58  }
0x490: {  	[hbm4b:s13+s2] =	stream.linear.scatter [tilespmem:s2], [sflag:$0x5], $0x61A8, $0x38;
	[tilespmem:$0x18800] =	vst v63  }
0x491: {  	_ =	swait.ge [sflag:s22], $0x61A8  }
0x492: {  	[sflag:s22] =	ssyncset.done $0x0  }
0x493: {  	[sflag:s22] =	ssyncadd.s32 $0xFFFF9E58  }
0x494: {  	[hbm4b:s8+s2] =	stream.linear.scatter [tilespmem:s16], [sflag:$0x6], $0x61A8, $0x38;
	[tilespmem:$0x18800] =	vst v63  }
0x495: {  	_ =	swait.ge [sflag:s19], $0x61A8  }
0x496: {  	[sflag:s19] =	ssyncset.done $0x0  }
0x497: {  	[sflag:s19] =	ssyncadd.s32 $0xFFFF9E58  }
0x498: {  	[hbm4b:s6+s2] =	stream.linear.scatter [tilespmem:s14], [sflag:$0x7], $0x61A8, $0x38;
	[tilespmem:$0x18800] =	vst v63  }
0x499: {  	_ =	swait.ge [sflag:s21], $0x61A8  }
0x49a: {  	[sflag:s21] =	ssyncset.done $0x0  }
0x49b: {  	[sflag:s21] =	ssyncadd.s32 $0xFFFF9E58  }
0x49c: {  	[hbm4b:s5+s2] =	stream.linear.scatter [tilespmem:s11], [sflag:$0x8], $0x61A8, $0x38;
	[tilespmem:$0x18800] =	vst v63  }
0x49d: {  	_ =	swait.ge [sflag:s9], $0x61A8  }
0x49e: {  	[sflag:s9] =	ssyncset.done $0x0  }
0x49f: {  	[sflag:s9] =	ssyncadd.s32 $0xFFFF9E58  }
0x4a0: {  	_ =	swait.ge [sflag:s7], $0x61A8  }
0x4a1: {  	[sflag:s7] =	ssyncset.done $0x0  }
0x4a2: {  	[sflag:s7] =	ssyncadd.s32 $0xFFFF9E58  }
0x4a3: {  	_ =	swait.ge [sflag:s12], $0x61A8  }
0x4a4: {  	[sflag:s12] =	ssyncset.done $0x0  }
0x4a5: {  	[sflag:s12] =	ssyncadd.s32 $0xFFFF9E58  }
0x4a6: {  	_ =	swait.ge [sflag:s10], $0x61A8  }
0x4a7: {  	[sflag:s10] =	ssyncset.done $0x0  }
0x4a8: {  	s0 =	simm.s32 @!p0 $0x0;
	s1 =	simm.s32 @!p0 $0x1;
	[sflag:s10] =	ssyncadd.s32 $0xFFFF9E58  }
0x4a9: {  	[tilespmem:s0], [sflag:$0x1] =	stream.linear.gather @!p0 [hbm4b:s4+s0], $0x20, $0x38;
	[tilespmem:$0x18800] =	vst v63  }
0x4aa: {  	_ =	swait.ge @!p0 [sflag:s1], $0x20  }
0x4ab: {  	[sflag:s1] =	ssyncset.done @!p0 $0x0  }
0x4ac: {  	[sflag:s1] =	ssyncadd.s32 @!p0 $0xFFFFFFE0  }
0x4ad: {  	[hbm4b:s3+s0] =	stream.linear.scatter @!p0 [tilespmem:s0], [sflag:$0x5], $0x20, $0x38;
	[tilespmem:$0x18800] =	vst v63  }
0x4ae: {  	s0 =	simm.s32 @!p0 $0x5  }
0x4af: {  	_ =	swait.ge @!p0 [sflag:s0], $0x20  }
0x4b0: {  	[sflag:s0] =	ssyncset.done @!p0 $0x0  }
0x4b1: {  	[sflag:s0] =	ssyncadd.s32 @!p0 $0xFFFFFFE0  }
0x4b2: {  	_ =	sfence.sel $0x180000  }
0x4b3: {  	[bflag:$0x0] =	sbarrier.arrive $0xFFFF  }
0x4b4: {  	p0 =	sne.s32 s29, $0x0;
	_ =	strace $0x90000047  }
0x4b5: {  	s0 =	sadd.s32 @!p0 $0x100000, s31;
	[bflag:$0x2] =	sbarrier.arrive $0xFFFF  }
0x4b6: {  	[sflag:s0] =	ssyncadd.tile.s32 @!p0 $0x1;
	_ =	shalt  }
.LBB2_1:
.Ltmp3:
0x4b7: {  	(pc) =	sbr.rel .LBB2_6-.Ltmp3, $2  }
0x4b8: {  	_ =	sdelay $0x2  }
0x4b9: {  	_ = 	snop  }
.LBB2_3:
.Ltmp4:
0x4ba: {  	(pc) =	sbr.rel .LBB2_6-.Ltmp4, $2  }
0x4bb: {  	_ =	sdelay $0x2  }
0x4bc: {  	s29 =	stileid.u32;
	s31 =	rddreg [dreg:$0x2]  }
.Lfunc_end2:
_tile_overlayer_lowered:
.L_overlay_start_2:
0x4bd: {  	(tag) =	ssettag $0x2  }
0x4be: {  	s0 =	rddreg [dreg:$0x0];
	s2 =	stileid.u32  }
0x4bf: {  	s1 =	rddreg [dreg:$0x1];
	p0 =	sne.s32 s2, $0x0  }
0x4c0: {  	s3 =	rddreg [dreg:$0x2];
	[bflag:$0x3] =	sbarrier.arrive $0xFFFF;
	s2 =	simm.s32 @!p0 $0x1C09  }
0x4c1: {  	[timem:s3], [sflag:s2] =	dma.local @!p0 [hbm:s0], s1  }
0x4c2: {  	s0 =	simm.s32 @!p0 $0x9  }
0x4c3: {  	_ =	swait.ge @!p0 [sflag:s0], s1  }
0x4c4: {  	s1 =	ssub.s32 @!p0 $0x0, s1;
	[sflag:s0] =	ssyncset.done @!p0 $0x0  }
0x4c5: {  	[sflag:s0] =	ssyncadd.s32 @!p0 s1  }
0x4c6: {  	[bflag:$0x3] =	sbarrier.arrive $0xFFFF  }
0x4c7: {  	_ =	shalt  }

// kernel: sparse-core-data-format-call.cloned.1.call-start
scs
called_computation_lowered:
.L_overlay_start_0:
0x0: {  	s2 =	sld [smem:$0x3FD9]  }
0x1: {  	s3 =	sld [smem:$0x3FFE];
	_ =	sdelay $0x1  }
0x2: {  	s1 =	srdreg.scid  }
0x3: {  	s0 =	sand.u32 $0x1, s1  }
0x4: {  	s18 =	sshll.u32 s0, $0xA;
	s2 =	sadd.s32 s3, s2  }
0x5: {  	s2 =	sadd.s32 s2, s18  }
0x6: {  	[smem:$0x3FC7] =	sst s2  }
0x7: {  	_ = 	snop  }
0x8: {  	s2 =	sld [smem:$0x3FD0];
	(tm) =	ssettm $0x1  }
0x9: {  	s19 =	sld [smem:$0x3FFB];
	_ =	sdelay $0x3  }
0xa: {  	_ =	strace s19  }
0xb: {  	s3 =	sld [smem:$0x3FFC];
	_ =	sdelay $0x3  }
0xc: {  	_ =	strace s3  }
0xd: {  	s3 =	sld [smem:$0x3FFD];
	_ =	sdelay $0x3  }
0xe: {  	_ =	strace s3  }
0xf: {  	_ =	strace $0x8FFFFFFF  }
0x10: {  	s20 =	sld [smem:$0x3FDB];
	_ =	sdelay $0x1  }
0x11: {  	s4 =	simm.s32 $_scs_section_size  }
0x12: {  	s5 =	simm.s32 $_size__tile_overlayer_lowered;
	s6 =	simm.s32 $_tile_overlayer_lowered  }
0x13: {  	s23 =	simm.s32 $0x1BFF;
	s22 =	sshll.u32 s6, $0x1;
	s3 =	sadd.s32 s4, s20  }
0x14: {  	s7 =	simm.s32 $0x0;
	s21 =	sshll.u32 s5, $0x1;
	s5 =	sadd.s32 s22, s3  }
0x15: {  	[timem:s7], [sflag:s23] =	dma.local [hbm:s5], s21  }
0x16: {  	_ =	swait.ge [sflag:s23], s21  }
0x17: {  	s4 =	ssub.s32 $0x0, s21;
	[sflag:s23] =	ssyncset.done $0x0  }
0x18: {  	[sflag:s23] =	ssyncadd.s32 s4;
	_ =	sdelay $0x1  }
0x19: {  	s24 =	simm.s32 $0x1B8B  }
0x1a: {  	_ =	swait.ge [sflag:s24], $0x1  }
0x1b: {  	[sflag:s24] =	ssyncset.done $0x0  }
0x1c: {  	s26 =	simm.s32 $0x1B8E;
	s25 =	sld [smem:$0x3FFE];
	[sflag:s24] =	ssyncadd.s32 $0xFFFFFFFF  }
0x1d: {  	s27 =	simm.s32 $execute0_lowered;
	[smem:$0x3FD2] =	sst s26  }
0x1e: {  	s5 =	sshll.u32 s27, $0x1;
	_ =	strace $0x80000049;
	[dreg:$0x1] =	wrdreg $0xFFFFFFFF  }
0x1f: {  	s28 =	simm.s32 $_size_execute0_lowered;
	s3 =	sadd.s32 s3, s5;
	[dreg:$0x0] =	wrdreg $0x0  }
0x20: {  	s5 =	sshll.u32 s28, $0x1;
	[dreg:$0x2] =	wrdreg s3  }
0x21: {  	[dreg:$0x3] =	wrdreg s5  }
0x22: {  	[dreg:$0x4] =	wrdreg $0xC0  }
0x23: {  	_ =	task [dreg:s7], $0x5FFFF  }
0x24: {  	[dreg:$0x1] =	wrdreg $0xFFFFFFFF  }
0x25: {  	[dreg:$0x0] =	wrdreg $0x60  }
0x26: {  	[dreg:$0x2] =	wrdreg s25  }
0x27: {  	[dreg:$0x3] =	wrdreg s2  }
0x28: {  	[dreg:$0x4] =	wrdreg $0x9  }
0x29: {  	_ =	task.clear_ibuf [dreg:s7], $0x5FFFF;
	_ =	strace $0x90000049  }
0x2a: {  	s29 =	simm.s32 $0x9;
	_ =	strace $0x8000004B  }
0x2b: {  	_ =	swait.ge [sflag:s29], $0x1  }
0x2c: {  	[sflag:s29] =	ssyncadd.s32 $0xFFFFFFFF  }
0x2d: {  	_ =	strace $0x9000004B  }
0x2e: {  	_ =	sfence  }
0x2f: {  	s30 =	sld [smem:$0x0];
	_ =	sdelay $0x2  }
0x30: {  	s31 =	sshll.u32 s1, $0xD;
	s1 =	sshrl.u32 s1, $0x2  }
0x31: {  	s3 =	sand.u32 $0x4000, s31;
	s1 =	sadd.s32 s1, s30  }
0x32: {  	s0 =	sor.u32 s3, s0;
	s1 =	sshll.u32 s1, $0x11  }
0x33: {  	s0 =	sor.u32 s1, s0  }
0x34: {  	s0 =	sadd.s32 $0x8F2B, s0  }
0x35: {  	[sflag:s0] =	ssyncadd.remote.s32 $0x1  }
0x36: {  	_ =	sfence.sel $0xFFFF  }
0x37: {  	[dreg:$0x0] =	wrdreg $0xFFFFFFFF;
	(pc) =	sbr.abs _section_cstart, $3  }
0x38: {  	[dreg:$0x1] =	wrdreg $0xFFFFFFFF  }
0x39: {  	_ =	task.clear_ibuf [dreg:s7], $0x2FFFF;
	_ =	strace $0x9FFFFFFF  }
0x3a: {  	(tm) =	ssettm $0x7FFFFFFF  }
0x3b: {  	_ =	shalt  }
tec
execute0_lowered:
.L_overlay_start_1:
0x0: {  	(tag) =	ssettag $0x1  }
0x1: {  	s4 =	rddreg [dreg:$0x0]  }
0x2: {  	s0 =	srdreg.scid;
	s2 =	rddreg [dreg:$0x1]  }
0x3: {  	s1 =	stileid.u32;
	s5 =	simm.s32 $0x1;
	s0 =	sshll.u32 s0, $0x4  }
0x4: {  	s7 =	simm.s32 $0x2;
	s11 =	simm.s32 $0x0;
	s3 =	sand.u32 $0x10, s0  }
.Ltmp0:
0x5: {  	p0 =	por $0x0, $0x0;
	s3 =	sor.u32 s1, s3;
	(pc) =	sbr.rel .LBB1_1-.Ltmp0, $4  }
0x6: {  	s8 =	simm.s32 $0x7A1400;
	s10 =	simm.s32 $0x0;
	s3 =	sshll.u32 s3, $0x7  }
0x7: {  	s0 =	rddreg [dreg:$0x2];
	_ =	strace $0x8000004A;
	s6 =	ssub.s32 $0xF4200, s3  }
0x8: {  	s4 =	sadd.s32 $0x3D1200, s4;
	[sflag:s5] =	ssyncpa.u1 $0x0;
	s6 =	sshrl.u32 s6, $0xC  }
0x9: {  	[sflag:s7] =	ssyncpa.u1 $0x0;
	s9 =	smov.u32 s3;
	s7 =	sadd.s32 $0x2, s6  }
.LBB1_5:
0xa: {  	s13 =	sadd.s32 $0x1000, s9  }
0xb: {  	p2 =	sgt.s32 s13, $0xF4240  }
0xc: {  	s13 =	smov.u32 @p2 s3;
	p2 =	sne.s32 s10, s7  }
.Ltmp1:
0xd: {  	p1 =	slt.u32 s10, $0x2;
	(pc) =	sbr.rel @!p2 .LBB1_6-.Ltmp1, $4  }
0xe: {  	s12 =	simm.s32 @!p1 $0x2  }
0xf: {  	s14 =	sadd.s32 $0x1, s10;
	_ =	swait.ge @!p1 [sflag:s12], $0x1000  }
0x10: {  	s11 =	smov.u32 s9;
	p0 =	por !p0, !p0;
	[sflag:s12] =	ssyncset.done @!p1 $0x0  }
0x11: {  	s10 =	smov.u32 s14;
	s9 =	smov.u32 s13;
	[sflag:s12] =	ssyncadd.s32 @!p1 $0xFFFFF000  }
.LBB1_1:
0x12: {  	p1 =	sgt.u32 s10, s6  }
0x13: {  	s13 =	smov.u32 s9;
	p2 =	sgt.s32 @!p1 s9, $0xF41C8  }
0x14: {  	s12 =	sand.u32 @!p1 $0x1FFFFFF, s9;
	s14 =	sshra.s32 @!p1 s9, $0x1F;
	p2 =	por !p2, p1  }
0x15: {  	s15 =	smulhi.u32 @!p1 $0x218DDDB, s12;
	s14 =	sand.u32 @!p1 s14, s9;
	s13 =	simm.s32 @p2 $0xF41C8  }
0x16: {  	s13 =	ssub.s32 @!p1 s13, s14  }
0x17: {  	s14 =	sshrl.u32 @!p1 s15, $0xD;
	s13 =	sadd.s32 @!p1 $0xFFF0BE38, s13  }
0x18: {  	s15 =	sxor.u32 @!p1 $0xFFFFFFFF, s10;
	s14 =	smul.u32 @!p1 $0xF4248, s14;
	s16 =	sshll.u32 @!p1 s13, $0x7  }
0x19: {  	s15 =	sshll.u32 @!p1 s15, $0xC;
	p2 =	sgt.s32 @!p1 s13, $0x7F;
	s13 =	ssub.s32 @!p1 $0x4000, s16  }
0x1a: {  	s12 =	ssub.s32 @!p1 s12, s14;
	p2 =	por !p2, p1;
	s14 =	sand.u32 @!p1 $0x1000, s15  }
0x1b: {  	s15 =	simm.s32 @!p1 $0x20;
	s13 =	sshrl.u32 @!p1 s13, $0x2;
	s12 =	sshll.u32 @!p1 s12, $0x4  }
0x1c: {  	s16 =	simm.s32 @!p1 $0x80;
	s13 =	simm.s32 @!p2 $0x0;
	s12 =	sadd.s32 @!p1 s4, s12  }
0x1d: {  	[tilespmem:s14], [sflag:$0x1] =	stream.strided.gather @!p1 [hbm4b:s12+s15], s13, s16, s15, $0x38;
	[tilespmem:$0x4040] =	vst v63  }
0x1e: {  	p1 =	seq.s32 s10, $0x0  }
0x1f: {  	p2 =	sge.u32 @!p1 s10, s7  }
0x20: {  	p1 =	por p1, p2  }
.Ltmp2:
0x21: {  	_ = 	snop;
	(pc) =	sbr.rel @p1 .LBB1_5-.Ltmp2, $1  }
0x22: {  	_ =	sdelay $0x3  }
0x23: {  	p1 =	sgt.s32 s11, $0xF41C8;
	s12 =	smov.u32 s11;
	s13 =	sshra.s32 s11, $0x1F  }
0x24: {  	s12 =	simm.s32 @!p1 $0xF41C8;
	s13 =	sand.u32 s13, s11  }
0x25: {  	s12 =	ssub.s32 s12, s13  }
0x26: {  	s12 =	sadd.s32 $0xFFF0BE38, s12  }
0x27: {  	s28 =	sshll.u32 s12, $0x7  }
0x28: {  	s13 =	ssub.s32 $0x4000, s28  }
0x29: {  	p1 =	sgt.s32 s12, $0x7F;
	s12 =	sshrl.u32 s13, $0x2  }
0x2a: {  	s13 =	simm.s32 $0x1;
	s12 =	simm.s32 @p1 $0x0  }
0x2b: {  	s13 =	simm.s32 @!p0 $0x0;
	_ =	swait.ge [sflag:s5], s12  }
0x2c: {  	s14 =	sshll.u32 s13, $0xC;
	s12 =	ssub.s32 $0x0, s12;
	[sflag:s5] =	ssyncset.done $0x0  }
0x2d: {  	s16 =	sor.u32 $0x10, s14;
	[sflag:s5] =	ssyncadd.s32 s12  }
0x2e: {  	s29 =	smul.u32 $0x4080, s13;
	v1 =	vld [tilespmem:s16+$0x0]  }
0x2f: {  	s30 =	sand.u32 $0x1, s10;
	v0 =	vld [tilespmem:s16+$0xFFFFFFF0]  }
0x30: {  	s13 =	smul.u32 $0x4080, s30;
	s12 =	sshrl.u32 s29, $0x2  }
0x31: {  	s14 =	sor.u32 $0x2000, s12  }
0x32: {  	s31 =	sshrl.u32 s13, $0x2;
	s13 =	sadd.s32 $0x0, s14  }
0x33: {  	s15 =	simm.s32 $0x4;
	s12 =	sor.u32 $0x2000, s31;
	s16 =	sadd.s32 $0x20, s16;
	[tilespmem:s13+$0x810 ss:$0x81] =	vst.msk $0xffff, v1  }
.LBB1_3:
0x34: {  	v1 =	vld [tilespmem:s16+$0x0];
	p1 =	sne.s32 s15, $0x1FC;
	[tilespmem:s13+$0x0 ss:$0x81] =	vst.msk $0xffff, v0;
	s13 =	smov.u32 s15;
	s15 =	sadd.s32 $0x4, s15  }
.Ltmp3:
0x35: {  	v0 =	vld [tilespmem:s16+$0xFFFFFFF0];
	(pc) =	sbr.rel @p1 .LBB1_3-.Ltmp3, $4  }
0x36: {  	_ = 	snop  }
0x37: {  	s13 =	sshra.s32 s13, $0x2  }
0x38: {  	s13 =	sadd.s32 s13, s14  }
0x39: {  	s16 =	sadd.s32 $0x20, s16;
	[tilespmem:s13+$0x810 ss:$0x81] =	vst.msk $0xffff, v1  }
0x3a: {  	s14 =	sshll.u32 s11, $0x3  }
0x3b: {  	s30 =	sand.u32 $0x7F, s11;
	s14 =	sand.u32 $0xFFFFFC00, s14  }
0x3c: {  	s11 =	sor.u32 s30, s14  }
0x3d: {  	s15 =	smulhi.u32 $0x218D6287, s11;
	_ =	sdelay $0x1  }
0x3e: {  	s14 =	smulhi.u32 $0x218D6287, s14;
	s15 =	sshrl.u32 s15, $0x11  }
0x3f: {  	s15 =	smul.u32 $0xF4280, s15  }
0x40: {  	s14 =	sshrl.u32 s14, $0x11  }
.Ltmp4:
0x41: {  	s14 =	sand.u32 $0x1F, s14;
	s11 =	ssub.s32 s11, s15;
	(pc) =	sbr.rel .LBB1_5-.Ltmp4, $4  }
0x42: {  	s14 =	smul.u32 $0x1E850, s14;
	s15 =	sshrl.u32 s11, $0x3;
	s11 =	sand.u32 $0x7, s11  }
0x43: {  	s15 =	sadd.s32 s2, s15;
	s11 =	sshll.u32 s11, $0x12  }
0x44: {  	[tilespmem:s13+$0x0 ss:$0x81] =	vst.msk $0xffff, v0;
	s31 =	sadd.s32 s14, s15;
	s11 =	sor.u32 $0x400, s11  }
0x45: {  	[hbm4b:s31+s11] =	stream.strided.scatter [tilespmem:s12], [sflag:$0x2], $0x1000, s8, s11, $0x20;
	[tilespmem:$0x4040] =	vst v63  }
.LBB1_6:
0x46: {  	_ =	sfence.sel $0x180000  }
0x47: {  	s2 =	simm.s32 $0x1;
	[bflag:$0x0] =	sbarrier.arrive $0xFFFF  }
0x48: {  	s31 =	simm.s32 $0x2;
	[sflag:s2] =	ssyncpa.u1 $0x1  }
0x49: {  	[sflag:s31] =	ssyncpa.u1 $0x1  }
0x4a: {  	p0 =	sne.s32 s1, $0x0;
	_ =	strace $0x9000004A  }
0x4b: {  	s0 =	sadd.s32 @!p0 $0x100000, s0;
	[bflag:$0x2] =	sbarrier.arrive $0xFFFF  }
0x4c: {  	[sflag:s0] =	ssyncadd.tile.s32 @!p0 $0x1;
	_ =	shalt  }
.Lfunc_end1:
_tile_overlayer_lowered:
.L_overlay_start_2:
0x4d: {  	(tag) =	ssettag $0x2  }
0x4e: {  	s0 =	rddreg [dreg:$0x0];
	s2 =	stileid.u32  }
0x4f: {  	s1 =	rddreg [dreg:$0x1];
	p0 =	sne.s32 s2, $0x0  }
0x50: {  	s3 =	rddreg [dreg:$0x2];
	[bflag:$0x3] =	sbarrier.arrive $0xFFFF;
	s2 =	simm.s32 @!p0 $0x1C01  }
0x51: {  	[timem:s3], [sflag:s2] =	dma.local @!p0 [hbm:s0], s1  }
0x52: {  	s0 =	simm.s32 @!p0 $0x1  }
0x53: {  	_ =	swait.ge @!p0 [sflag:s0], s1  }
0x54: {  	s1 =	ssub.s32 @!p0 $0x0, s1;
	[sflag:s0] =	ssyncset.done @!p0 $0x0  }
0x55: {  	[sflag:s0] =	ssyncadd.s32 @!p0 s1  }
0x56: {  	[bflag:$0x3] =	sbarrier.arrive $0xFFFF  }
0x57: {  	_ =	shalt  }

</sc_bundles>
